<compile_context>
chip_gen: v7x
topology: tpu7x:2x2x1
jax: 0.10.2.dev20260603
libtpu: 0.0.44.dev20260713+nightly
codegen_flags: <defaults>
</compile_context>

<pallas_src>
import functools

import jax
import jax.numpy as jnp
from jax import lax
from jax.experimental import pallas as pl
from jax.experimental.pallas import tpu as pltpu
from jax.experimental.pallas import tpu_sc as plsc

N_SHOT = 16
N_WAY = 32
N_DIM = 256
N_MEM = 8192
N_SUP = N_SHOT * N_WAY
N_PAD = 9216
PANEL = 1024
NEG = -3.0e38
EPS = 1e-12
TOPK = 8
L = 16


def _sim_body(shat_ref, mem_ref, mn_ref, out_ref):
    p = pl.program_id(0)

    @pl.when(p < 8)
    def _mem_panel():
        mhat = mem_ref[...] / jnp.maximum(mn_ref[...], EPS)
        cosm = lax.dot_general(shat_ref[...], mhat, (((1,), (1,)), ((), ())),
                               preferred_element_type=jnp.float32)
        out_ref[...] = jnp.mean(cosm.reshape(N_WAY, N_SHOT, PANEL), axis=1)

    @pl.when(p == 8)
    def _sup_panel():
        shat = shat_ref[...]
        coss = lax.dot_general(shat, shat, (((1,), (1,)), ((), ())),
                               preferred_element_type=jnp.float32)
        r = coss.reshape(N_WAY, N_SHOT, N_SUP)
        colw = lax.broadcasted_iota(jnp.int32, r.shape, 2) // N_SHOT
        roww = lax.broadcasted_iota(jnp.int32, r.shape, 0)
        blk = jnp.mean(jnp.where(colw == roww, r, 0.0), axis=1)
        b3 = blk.reshape(N_WAY, N_WAY, N_SHOT)
        kk = lax.broadcasted_iota(jnp.int32, b3.shape, 1)
        ww = lax.broadcasted_iota(jnp.int32, b3.shape, 0)
        sup_sim = jnp.sum(jnp.where(kk == ww, b3, 0.0), axis=1)
        out_ref[...] = jnp.concatenate(
            [sup_sim, jnp.full((N_WAY, PANEL - N_SHOT), NEG, jnp.float32)],
            axis=1)


_sim_tc = pl.pallas_call(
    _sim_body,
    grid=(9,),
    in_specs=[
        pl.BlockSpec((N_SUP, N_DIM), lambda p: (0, 0)),
        pl.BlockSpec((PANEL, N_DIM), lambda p: (jnp.minimum(p, 7), 0)),
        pl.BlockSpec((PANEL, 1), lambda p: (jnp.minimum(p, 7), 0)),
    ],
    out_specs=pl.BlockSpec((N_WAY, PANEL), lambda p: (0, p)),
    out_shape=jax.ShapeDtypeStruct((N_WAY, N_PAD), jnp.float32),
)


def _sc_body(sim_hbm, mem_hbm, sup_hbm, out_hbm,
             sim_v, sup16_v, mrows_v, acc_v, sem, sem2):
    wid = lax.axis_index("s") * 2 + lax.axis_index("c")
    iota = lax.iota(jnp.int32, L)
    lane_lt8 = iota < TOPK

    cp_sup = pltpu.async_copy(
        sup_hbm.at[pl.ds(wid * N_SHOT, N_SHOT)], sup16_v, sem2)
    pltpu.sync_copy(sim_hbm.at[wid], sim_v)

    def _take16(x, idx):
        dn = lax.GatherDimensionNumbers(
            offset_dims=(), collapsed_slice_dims=(0,), start_index_map=(0,))
        return lax.gather(x, idx[:, None], dn, slice_sizes=(1,),
                          mode=lax.GatherScatterMode.PROMISE_IN_BOUNDS)

    def _bcast(x, lane):
        return _take16(x, jnp.full((L,), lane, jnp.int32))

    def _insert(rs, qs, t, ti):
        for k in range(TOPK):
            m = t > rs[k]
            rs[k], t = jnp.where(m, t, rs[k]), jnp.where(m, rs[k], t)
            qs[k], ti = jnp.where(m, ti, qs[k]), jnp.where(m, qs[k], ti)

    tv0 = jnp.full((L,), NEG, jnp.float32)
    ti0 = jnp.zeros((L,), jnp.int32)

    def scan_body(i, carry):
        ra, qa, rb, qb = (list(x) for x in carry)
        base = i * (2 * L)
        _insert(ra, qa, sim_v[pl.ds(base, L)], iota + base)
        _insert(rb, qb, sim_v[pl.ds(base + L, L)], iota + (base + L))
        return tuple(ra), tuple(qa), tuple(rb), tuple(qb)

    init = ((tv0,) * TOPK, (ti0,) * TOPK, (tv0,) * TOPK, (ti0,) * TOPK)
    ra, qa, rb, qb = plsc.parallel_loop(
        0, N_MEM // (2 * L), 1, unroll=4, carry=init)(scan_body)

    ra, qa = list(ra), list(qa)
    _insert(ra, qa, sim_v[pl.ds(N_MEM, L)], iota + N_MEM)

    top_v, top_i = tv0, ti0
    for vv, ii in list(zip(ra, qa)) + list(zip(rb, qb)):
        sv, si = plsc.sort_key_val(vv, ii, descending=True)
        cv = jnp.where(lane_lt8, top_v, lax.rev(sv, (0,)))
        ci = jnp.where(lane_lt8, top_i, lax.rev(si, (0,)))
        top_v, top_i = plsc.sort_key_val(cv, ci, descending=True)

    w_all = jnp.where(lane_lt8, top_v, 0.0)
    denom = w_all
    for off in (8, 4, 2, 1):
        denom = denom + _take16(denom, iota ^ off)

    is_mem = lane_lt8 & (top_i < N_MEM)
    is_sup = lane_lt8 & (top_i >= N_MEM)
    w_mem = jnp.where(is_mem, w_all, 0.0)
    w_sup = jnp.where(is_sup, w_all, 0.0)
    midx = jnp.where(is_mem, top_i, 0)
    sidx = jnp.where(is_sup, top_i - N_MEM, 0)

    cps = []
    for r in range(TOPK):
        mi = jnp.squeeze(lax.slice(midx, (r,), (r + 1,)))
        cps.append(pltpu.async_copy(mem_hbm.at[mi], mrows_v.at[r], sem))
    cp_sup.wait()
    for cp in cps:
        cp.wait()

    wm = [_bcast(w_mem, r) for r in range(TOPK)]
    ws = [_bcast(w_sup, r) for r in range(TOPK)]
    sj = [jnp.squeeze(lax.slice(sidx, (r,), (r + 1,))) for r in range(TOPK)]
    for d in range(N_DIM // L):
        acc = jnp.zeros((L,), jnp.float32)
        for r in range(TOPK):
            acc = acc + wm[r] * mrows_v[r, pl.ds(d * L, L)]
            acc = acc + ws[r] * sup16_v[sj[r], pl.ds(d * L, L)]
        acc_v[pl.ds(d * L, L)] = acc / denom

    pltpu.sync_copy(acc_v, out_hbm.at[wid])


@functools.cache
def _make_sc_topk():
    return functools.partial(
        pl.kernel,
        out_type=jax.ShapeDtypeStruct((N_WAY, N_DIM), jnp.float32),
        mesh=plsc.VectorSubcoreMesh(core_axis_name="c", subcore_axis_name="s"),
        compiler_params=pltpu.CompilerParams(needs_layout_passes=False),
        scratch_types=[
            pltpu.VMEM((N_PAD,), jnp.float32),
            pltpu.VMEM((N_SHOT, N_DIM), jnp.float32),
            pltpu.VMEM((TOPK, N_DIM), jnp.float32),
            pltpu.VMEM((N_DIM,), jnp.float32),
            pltpu.SemaphoreType.DMA,
            pltpu.SemaphoreType.DMA,
        ],
    )(_sc_body)


def kernel(support, memory):
    sup_t = jnp.transpose(support, (0, 2, 1, 3))
    sn = jnp.linalg.norm(sup_t, axis=-1, keepdims=True)
    shat = (sup_t / jnp.maximum(sn, EPS))[0].reshape(N_SUP, N_DIM)
    mn = jnp.linalg.norm(memory, axis=-1, keepdims=True)

    sim = _sim_tc(shat, memory, mn)
    sup_flat = sup_t.reshape(N_SUP, N_DIM)
    proto = _make_sc_topk()(sim, memory, sup_flat)
    return proto.reshape(1, N_WAY, N_DIM)

# --- scband reference (transcript-rebuilt; emitter-appended) ---
"""Pipeline reference for scband-memory-bank-80633716015726 (READ-ONLY COPY).

The authoritative reference and input builder live on the scoring server;
editing this copy changes nothing except your own understanding.
"""

import jax, jax.numpy as jnp
import numpy as np


def _normalize(x, axis=-1, eps=1e-12):
    n = jnp.linalg.norm(x, axis=axis, keepdims=True)
    return x / jnp.maximum(n, eps)


def setup_inputs(seed: int = 0) -> dict:
    key = jax.random.key(seed)
    k1, k2 = jax.random.split(key)
    support = jax.random.normal(k1, (1, 16, 32, 256), dtype=jnp.float32)
    memory = jax.random.normal(k2, (8192, 256), dtype=jnp.float32)
    return {"support": support, "memory": memory}


def reference(support, memory):
    batch_size, n_shot, n_way, n_dim = support.shape
    n_memory = memory.shape[0]
    # memory.view(batch_size, n_memory, 1, n_dim).expand(-1, -1, n_way, -1)
    memory_x = jnp.broadcast_to(
        memory.reshape(batch_size, n_memory, 1, n_dim),
        (batch_size, n_memory, n_way, n_dim),
    )
    shot_memory = jnp.concatenate([support, memory_x], axis=1)
    # get_similarity_scores(support, shot_memory)
    memory_t = _normalize(jnp.transpose(shot_memory, (0, 2, 1, 3)), axis=-1)
    support_t = _normalize(jnp.transpose(support, (0, 2, 1, 3)), axis=-1)
    cos_matrix = jnp.matmul(support_t, jnp.transpose(memory_t, (0, 1, 3, 2)))
    sim = cos_matrix.mean(axis=2)  # [b, n_way, n_shot + n_memory]
    topk, ind = jax.lax.top_k(sim, 8)
    bi = jnp.arange(batch_size)[:, None, None]
    wi = jnp.arange(n_way)[None, :, None]
    res = jnp.zeros((batch_size, n_way, n_shot + n_memory), dtype=support.dtype)
    sim_sc = res.at[bi, wi, ind].set(topk)  # scatter(2, ind, topk)
    sim_sc = jnp.transpose(sim_sc, (0, 2, 1))[..., None]
    proto = (sim_sc * shot_memory).sum(axis=1) / sim_sc.sum(axis=1)
    return proto

if __name__ == "__main__":
    import jax
    _d = setup_inputs()
    print(jax.jit(kernel)(*tuple(_d.values())))

</pallas_src>

<mosaic_0001>
#map = affine_map<(d0, d1) -> (0, 0)>
module attributes {stable_mosaic.version = 14 : i64} {
  func.func @_sc_body(%arg0: i32, %arg1: i32, %arg2: memref<32x9216xf32, #tpu.memory_space<hbm>>, %arg3: memref<8192x256xf32, #tpu.memory_space<hbm>>, %arg4: memref<512x256xf32, #tpu.memory_space<hbm>>, %arg5: memref<32x256xf32, #tpu.memory_space<hbm>>, %arg6: memref<9216xf32, #tpu.memory_space<vmem>>, %arg7: memref<16x256xf32, #tpu.memory_space<vmem>>, %arg8: memref<8x256xf32, #tpu.memory_space<vmem>>, %arg9: memref<256xf32, #tpu.memory_space<vmem>>, %arg10: memref<!tpu.dma_semaphore, #tpu.memory_space<semaphore_mem>>, %arg11: memref<!tpu.dma_semaphore, #tpu.memory_space<semaphore_mem>>) attributes {dimension_semantics = [#tpu.dimension_semantics<core_parallel>, #tpu.dimension_semantics<subcore_parallel>], iteration_bounds = array<i64: 2, 16>, scalar_prefetch = 0 : i64, scratch_operands = 6 : i64, tpu.core_type = #tpu.core_type<sc_vector_subcore>, window_params = [{transform_indices = #map}, {transform_indices = #map}, {transform_indices = #map}, {transform_indices = #map}]} {
    %mul3A = arith.constant 2 : i32
    %mul3A_0 = arith.muli %arg1, %mul3A : i32
    %add3A = arith.addi %mul3A_0, %arg0 : i32
    %iota3A = tpu.iota {dimensions = array<i32: 0>} : vector<16xi32>
    %lt3A = arith.constant 8 : i32
    %lt3A_1 = vector.broadcast %lt3A : i32 to vector<16xi32>
    %lt3A_2 = arith.cmpi slt, %iota3A, %lt3A_1 : vector<16xi32>
    %mul3A_3 = arith.constant 16 : i32
    %mul3A_4 = arith.muli %add3A, %mul3A_3 : i32
    %dma_start3A = arith.constant 0 : i32
    %dma_start3A_5 = tpu.memref_slice %arg4[%mul3A_4, %dma_start3A] : memref<512x256xf32, #tpu.memory_space<hbm>> -> memref<16x256xf32, #tpu.memory_space<hbm>>
    %dma_start3A_6 = arith.constant 0 : i32
    %dma_start3A_7 = tpu.memref_slice %arg4[%mul3A_4, %dma_start3A_6] : memref<512x256xf32, #tpu.memory_space<hbm>> -> memref<16x256xf32, #tpu.memory_space<hbm>>
    tpu.enqueue_dma source(%dma_start3A_7 : memref<16x256xf32, #tpu.memory_space<hbm>>) target(%arg7 : memref<16x256xf32, #tpu.memory_space<vmem>>) target_semaphore(%arg11 : memref<!tpu.dma_semaphore, #tpu.memory_space<semaphore_mem>>)
    "tpu.region"() ({
      %run_scoped3A = tpu.sem_alloc : memref<!tpu.dma_semaphore, #tpu.memory_space<semaphore_mem>>
      %dma_start3A_2229 = arith.constant 0 : i32
      %dma_start3A_2230 = tpu.memref_slice %arg2[%add3A, %dma_start3A_2229] : memref<32x9216xf32, #tpu.memory_space<hbm>> -> memref<1x9216xf32, #tpu.memory_space<hbm>>
      %dma_start3A_2231 = tpu.memref_squeeze %dma_start3A_2230 : memref<1x9216xf32, #tpu.memory_space<hbm>> -> memref<9216xf32, #tpu.memory_space<hbm>>
      %dma_start3A_2232 = arith.constant 0 : i32
      %dma_start3A_2233 = tpu.memref_slice %arg2[%add3A, %dma_start3A_2232] : memref<32x9216xf32, #tpu.memory_space<hbm>> -> memref<1x9216xf32, #tpu.memory_space<hbm>>
      %dma_start3A_2234 = tpu.memref_squeeze %dma_start3A_2233 : memref<1x9216xf32, #tpu.memory_space<hbm>> -> memref<9216xf32, #tpu.memory_space<hbm>>
      tpu.enqueue_dma source(%dma_start3A_2234 : memref<9216xf32, #tpu.memory_space<hbm>>) target(%arg6 : memref<9216xf32, #tpu.memory_space<vmem>>) target_semaphore(%run_scoped3A : memref<!tpu.dma_semaphore, #tpu.memory_space<semaphore_mem>>)
      %dma_wait3A_2235 = arith.constant 0 : i32
      %dma_wait3A_2236 = tpu.memref_slice %arg2[%add3A, %dma_wait3A_2235] : memref<32x9216xf32, #tpu.memory_space<hbm>> -> memref<1x9216xf32, #tpu.memory_space<hbm>>
      %dma_wait3A_2237 = tpu.memref_squeeze %dma_wait3A_2236 : memref<1x9216xf32, #tpu.memory_space<hbm>> -> memref<9216xf32, #tpu.memory_space<hbm>>
      %dma_wait3A_2238 = arith.constant 0 : i32
      %dma_wait3A_2239 = tpu.memref_slice %arg2[%add3A, %dma_wait3A_2238] : memref<32x9216xf32, #tpu.memory_space<hbm>> -> memref<1x9216xf32, #tpu.memory_space<hbm>>
      %dma_wait3A_2240 = tpu.memref_squeeze %dma_wait3A_2239 : memref<1x9216xf32, #tpu.memory_space<hbm>> -> memref<9216xf32, #tpu.memory_space<hbm>>
      tpu.wait_dma2 semaphore(%run_scoped3A : memref<!tpu.dma_semaphore, #tpu.memory_space<semaphore_mem>>) src(%dma_wait3A_2240 : memref<9216xf32, #tpu.memory_space<hbm>>) dst(%arg6 : memref<9216xf32, #tpu.memory_space<vmem>>)
      tpu.yield
    }) : () -> ()
    %broadcast_in_dim3A = arith.constant -3.000000e+38 : f32
    %broadcast_in_dim3A_8 = vector.broadcast %broadcast_in_dim3A : f32 to vector<16xf32>
    %broadcast_in_dim3A_9 = arith.constant 0 : i32
    %broadcast_in_dim3A_10 = vector.broadcast %broadcast_in_dim3A_9 : i32 to vector<16xi32>
    %parallel_loop3A = arith.constant 0 : i32
    %parallel_loop3A_11 = arith.constant 256 : i32
    %parallel_loop3A_12 = arith.constant 1 : i32
    %parallel_loop3A_13:32 = scf.for %parallel_loop3A_2229 = %parallel_loop3A to %parallel_loop3A_11 step %parallel_loop3A_12 iter_args(%parallel_loop3A_2230 = %broadcast_in_dim3A_8, %parallel_loop3A_2231 = %broadcast_in_dim3A_8, %parallel_loop3A_2232 = %broadcast_in_dim3A_8, %parallel_loop3A_2233 = %broadcast_in_dim3A_8, %parallel_loop3A_2234 = %broadcast_in_dim3A_8, %parallel_loop3A_2235 = %broadcast_in_dim3A_8, %parallel_loop3A_2236 = %broadcast_in_dim3A_8, %parallel_loop3A_2237 = %broadcast_in_dim3A_8, %parallel_loop3A_2238 = %broadcast_in_dim3A_10, %parallel_loop3A_2239 = %broadcast_in_dim3A_10, %parallel_loop3A_2240 = %broadcast_in_dim3A_10, %parallel_loop3A_2241 = %broadcast_in_dim3A_10, %parallel_loop3A_2242 = %broadcast_in_dim3A_10, %parallel_loop3A_2243 = %broadcast_in_dim3A_10, %parallel_loop3A_2244 = %broadcast_in_dim3A_10, %parallel_loop3A_2245 = %broadcast_in_dim3A_10, %parallel_loop3A_2246 = %broadcast_in_dim3A_8, %parallel_loop3A_2247 = %broadcast_in_dim3A_8, %parallel_loop3A_2248 = %broadcast_in_dim3A_8, %parallel_loop3A_2249 = %broadcast_in_dim3A_8, %parallel_loop3A_2250 = %broadcast_in_dim3A_8, %parallel_loop3A_2251 = %broadcast_in_dim3A_8, %parallel_loop3A_2252 = %broadcast_in_dim3A_8, %parallel_loop3A_2253 = %broadcast_in_dim3A_8, %parallel_loop3A_2254 = %broadcast_in_dim3A_10, %parallel_loop3A_2255 = %broadcast_in_dim3A_10, %parallel_loop3A_2256 = %broadcast_in_dim3A_10, %parallel_loop3A_2257 = %broadcast_in_dim3A_10, %parallel_loop3A_2258 = %broadcast_in_dim3A_10, %parallel_loop3A_2259 = %broadcast_in_dim3A_10, %parallel_loop3A_2260 = %broadcast_in_dim3A_10, %parallel_loop3A_2261 = %broadcast_in_dim3A_10) -> (vector<16xf32>, vector<16xf32>, vector<16xf32>, vector<16xf32>, vector<16xf32>, vector<16xf32>, vector<16xf32>, vector<16xf32>, vector<16xi32>, vector<16xi32>, vector<16xi32>, vector<16xi32>, vector<16xi32>, vector<16xi32>, vector<16xi32>, vector<16xi32>, vector<16xf32>, vector<16xf32>, vector<16xf32>, vector<16xf32>, vector<16xf32>, vector<16xf32>, vector<16xf32>, vector<16xf32>, vector<16xi32>, vector<16xi32>, vector<16xi32>, vector<16xi32>, vector<16xi32>, vector<16xi32>, vector<16xi32>, vector<16xi32>)  : i32 {
      %parallel_loop3A_2262 = arith.constant 32 : i32
      %parallel_loop3A_2263 = arith.muli %parallel_loop3A_2229, %parallel_loop3A_2262 : i32
      %parallel_loop3A_2264 = arith.index_cast %parallel_loop3A_2263 : i32 to index
      %parallel_loop3A_2265 = tpu.vector_load %arg6[%parallel_loop3A_2264] {strides = array<i32>} : memref<9216xf32, #tpu.memory_space<vmem>>, vector<16xf32>,
      %parallel_loop3A_2266 = vector.broadcast %parallel_loop3A_2263 : i32 to vector<16xi32>
      %parallel_loop3A_2267 = arith.addi %iota3A, %parallel_loop3A_2266 : vector<16xi32>
      %parallel_loop3A_2268 = arith.cmpf ogt, %parallel_loop3A_2265, %parallel_loop3A_2230 : vector<16xf32>
      %parallel_loop3A_2269 = arith.select %parallel_loop3A_2268, %parallel_loop3A_2265, %parallel_loop3A_2230 : vector<16xi1>, vector<16xf32>
      %parallel_loop3A_2270 = arith.select %parallel_loop3A_2268, %parallel_loop3A_2230, %parallel_loop3A_2265 : vector<16xi1>, vector<16xf32>
      %parallel_loop3A_2271 = arith.select %parallel_loop3A_2268, %parallel_loop3A_2267, %parallel_loop3A_2238 : vector<16xi1>, vector<16xi32>
      %parallel_loop3A_2272 = arith.select %parallel_loop3A_2268, %parallel_loop3A_2238, %parallel_loop3A_2267 : vector<16xi1>, vector<16xi32>
      %parallel_loop3A_2273 = arith.cmpf ogt, %parallel_loop3A_2270, %parallel_loop3A_2231 : vector<16xf32>
      %parallel_loop3A_2274 = arith.select %parallel_loop3A_2273, %parallel_loop3A_2270, %parallel_loop3A_2231 : vector<16xi1>, vector<16xf32>
      %parallel_loop3A_2275 = arith.select %parallel_loop3A_2273, %parallel_loop3A_2231, %parallel_loop3A_2270 : vector<16xi1>, vector<16xf32>
      %parallel_loop3A_2276 = arith.select %parallel_loop3A_2273, %parallel_loop3A_2272, %parallel_loop3A_2239 : vector<16xi1>, vector<16xi32>
      %parallel_loop3A_2277 = arith.select %parallel_loop3A_2273, %parallel_loop3A_2239, %parallel_loop3A_2272 : vector<16xi1>, vector<16xi32>
      %parallel_loop3A_2278 = arith.cmpf ogt, %parallel_loop3A_2275, %parallel_loop3A_2232 : vector<16xf32>
      %parallel_loop3A_2279 = arith.select %parallel_loop3A_2278, %parallel_loop3A_2275, %parallel_loop3A_2232 : vector<16xi1>, vector<16xf32>
      %parallel_loop3A_2280 = arith.select %parallel_loop3A_2278, %parallel_loop3A_2232, %parallel_loop3A_2275 : vector<16xi1>, vector<16xf32>
      %parallel_loop3A_2281 = arith.select %parallel_loop3A_2278, %parallel_loop3A_2277, %parallel_loop3A_2240 : vector<16xi1>, vector<16xi32>
      %parallel_loop3A_2282 = arith.select %parallel_loop3A_2278, %parallel_loop3A_2240, %parallel_loop3A_2277 : vector<16xi1>, vector<16xi32>
      %parallel_loop3A_2283 = arith.cmpf ogt, %parallel_loop3A_2280, %parallel_loop3A_2233 : vector<16xf32>
      %parallel_loop3A_2284 = arith.select %parallel_loop3A_2283, %parallel_loop3A_2280, %parallel_loop3A_2233 : vector<16xi1>, vector<16xf32>
      %parallel_loop3A_2285 = arith.select %parallel_loop3A_2283, %parallel_loop3A_2233, %parallel_loop3A_2280 : vector<16xi1>, vector<16xf32>
      %parallel_loop3A_2286 = arith.select %parallel_loop3A_2283, %parallel_loop3A_2282, %parallel_loop3A_2241 : vector<16xi1>, vector<16xi32>
      %parallel_loop3A_2287 = arith.select %parallel_loop3A_2283, %parallel_loop3A_2241, %parallel_loop3A_2282 : vector<16xi1>, vector<16xi32>
      %parallel_loop3A_2288 = arith.cmpf ogt, %parallel_loop3A_2285, %parallel_loop3A_2234 : vector<16xf32>
      %parallel_loop3A_2289 = arith.select %parallel_loop3A_2288, %parallel_loop3A_2285, %parallel_loop3A_2234 : vector<16xi1>, vector<16xf32>
      %parallel_loop3A_2290 = arith.select %parallel_loop3A_2288, %parallel_loop3A_2234, %parallel_loop3A_2285 : vector<16xi1>, vector<16xf32>
      %parallel_loop3A_2291 = arith.select %parallel_loop3A_2288, %parallel_loop3A_2287, %parallel_loop3A_2242 : vector<16xi1>, vector<16xi32>
      %parallel_loop3A_2292 = arith.select %parallel_loop3A_2288, %parallel_loop3A_2242, %parallel_loop3A_2287 : vector<16xi1>, vector<16xi32>
      %parallel_loop3A_2293 = arith.cmpf ogt, %parallel_loop3A_2290, %parallel_loop3A_2235 : vector<16xf32>
      %parallel_loop3A_2294 = arith.select %parallel_loop3A_2293, %parallel_loop3A_2290, %parallel_loop3A_2235 : vector<16xi1>, vector<16xf32>
      %parallel_loop3A_2295 = arith.select %parallel_loop3A_2293, %parallel_loop3A_2235, %parallel_loop3A_2290 : vector<16xi1>, vector<16xf32>
      %parallel_loop3A_2296 = arith.select %parallel_loop3A_2293, %parallel_loop3A_2292, %parallel_loop3A_2243 : vector<16xi1>, vector<16xi32>
      %parallel_loop3A_2297 = arith.select %parallel_loop3A_2293, %parallel_loop3A_2243, %parallel_loop3A_2292 : vector<16xi1>, vector<16xi32>
      %parallel_loop3A_2298 = arith.cmpf ogt, %parallel_loop3A_2295, %parallel_loop3A_2236 : vector<16xf32>
      %parallel_loop3A_2299 = arith.select %parallel_loop3A_2298, %parallel_loop3A_2295, %parallel_loop3A_2236 : vector<16xi1>, vector<16xf32>
      %parallel_loop3A_2300 = arith.select %parallel_loop3A_2298, %parallel_loop3A_2236, %parallel_loop3A_2295 : vector<16xi1>, vector<16xf32>
      %parallel_loop3A_2301 = arith.select %parallel_loop3A_2298, %parallel_loop3A_2297, %parallel_loop3A_2244 : vector<16xi1>, vector<16xi32>
      %parallel_loop3A_2302 = arith.select %parallel_loop3A_2298, %parallel_loop3A_2244, %parallel_loop3A_2297 : vector<16xi1>, vector<16xi32>
      %parallel_loop3A_2303 = arith.cmpf ogt, %parallel_loop3A_2300, %parallel_loop3A_2237 : vector<16xf32>
      %parallel_loop3A_2304 = arith.select %parallel_loop3A_2303, %parallel_loop3A_2300, %parallel_loop3A_2237 : vector<16xi1>, vector<16xf32>
      %parallel_loop3A_2305 = arith.select %parallel_loop3A_2303, %parallel_loop3A_2237, %parallel_loop3A_2300 : vector<16xi1>, vector<16xf32>
      %parallel_loop3A_2306 = arith.select %parallel_loop3A_2303, %parallel_loop3A_2302, %parallel_loop3A_2245 : vector<16xi1>, vector<16xi32>
      %parallel_loop3A_2307 = arith.select %parallel_loop3A_2303, %parallel_loop3A_2245, %parallel_loop3A_2302 : vector<16xi1>, vector<16xi32>
      %parallel_loop3A_2308 = arith.constant 16 : i32
      %parallel_loop3A_2309 = arith.addi %parallel_loop3A_2263, %parallel_loop3A_2308 : i32
      %parallel_loop3A_2310 = arith.index_cast %parallel_loop3A_2309 : i32 to index
      %parallel_loop3A_2311 = tpu.vector_load %arg6[%parallel_loop3A_2310] {strides = array<i32>} : memref<9216xf32, #tpu.memory_space<vmem>>, vector<16xf32>,
      %parallel_loop3A_2312 = arith.constant 16 : i32
      %parallel_loop3A_2313 = arith.addi %parallel_loop3A_2263, %parallel_loop3A_2312 : i32
      %parallel_loop3A_2314 = vector.broadcast %parallel_loop3A_2313 : i32 to vector<16xi32>
      %parallel_loop3A_2315 = arith.addi %iota3A, %parallel_loop3A_2314 : vector<16xi32>
      %parallel_loop3A_2316 = arith.cmpf ogt, %parallel_loop3A_2311, %parallel_loop3A_2246 : vector<16xf32>
      %parallel_loop3A_2317 = arith.select %parallel_loop3A_2316, %parallel_loop3A_2311, %parallel_loop3A_2246 : vector<16xi1>, vector<16xf32>
      %parallel_loop3A_2318 = arith.select %parallel_loop3A_2316, %parallel_loop3A_2246, %parallel_loop3A_2311 : vector<16xi1>, vector<16xf32>
      %parallel_loop3A_2319 = arith.select %parallel_loop3A_2316, %parallel_loop3A_2315, %parallel_loop3A_2254 : vector<16xi1>, vector<16xi32>
      %parallel_loop3A_2320 = arith.select %parallel_loop3A_2316, %parallel_loop3A_2254, %parallel_loop3A_2315 : vector<16xi1>, vector<16xi32>
      %parallel_loop3A_2321 = arith.cmpf ogt, %parallel_loop3A_2318, %parallel_loop3A_2247 : vector<16xf32>
      %parallel_loop3A_2322 = arith.select %parallel_loop3A_2321, %parallel_loop3A_2318, %parallel_loop3A_2247 : vector<16xi1>, vector<16xf32>
      %parallel_loop3A_2323 = arith.select %parallel_loop3A_2321, %parallel_loop3A_2247, %parallel_loop3A_2318 : vector<16xi1>, vector<16xf32>
      %parallel_loop3A_2324 = arith.select %parallel_loop3A_2321, %parallel_loop3A_2320, %parallel_loop3A_2255 : vector<16xi1>, vector<16xi32>
      %parallel_loop3A_2325 = arith.select %parallel_loop3A_2321, %parallel_loop3A_2255, %parallel_loop3A_2320 : vector<16xi1>, vector<16xi32>
      %parallel_loop3A_2326 = arith.cmpf ogt, %parallel_loop3A_2323, %parallel_loop3A_2248 : vector<16xf32>
      %parallel_loop3A_2327 = arith.select %parallel_loop3A_2326, %parallel_loop3A_2323, %parallel_loop3A_2248 : vector<16xi1>, vector<16xf32>
      %parallel_loop3A_2328 = arith.select %parallel_loop3A_2326, %parallel_loop3A_2248, %parallel_loop3A_2323 : vector<16xi1>, vector<16xf32>
      %parallel_loop3A_2329 = arith.select %parallel_loop3A_2326, %parallel_loop3A_2325, %parallel_loop3A_2256 : vector<16xi1>, vector<16xi32>
      %parallel_loop3A_2330 = arith.select %parallel_loop3A_2326, %parallel_loop3A_2256, %parallel_loop3A_2325 : vector<16xi1>, vector<16xi32>
      %parallel_loop3A_2331 = arith.cmpf ogt, %parallel_loop3A_2328, %parallel_loop3A_2249 : vector<16xf32>
      %parallel_loop3A_2332 = arith.select %parallel_loop3A_2331, %parallel_loop3A_2328, %parallel_loop3A_2249 : vector<16xi1>, vector<16xf32>
      %parallel_loop3A_2333 = arith.select %parallel_loop3A_2331, %parallel_loop3A_2249, %parallel_loop3A_2328 : vector<16xi1>, vector<16xf32>
      %parallel_loop3A_2334 = arith.select %parallel_loop3A_2331, %parallel_loop3A_2330, %parallel_loop3A_2257 : vector<16xi1>, vector<16xi32>
      %parallel_loop3A_2335 = arith.select %parallel_loop3A_2331, %parallel_loop3A_2257, %parallel_loop3A_2330 : vector<16xi1>, vector<16xi32>
      %parallel_loop3A_2336 = arith.cmpf ogt, %parallel_loop3A_2333, %parallel_loop3A_2250 : vector<16xf32>
      %parallel_loop3A_2337 = arith.select %parallel_loop3A_2336, %parallel_loop3A_2333, %parallel_loop3A_2250 : vector<16xi1>, vector<16xf32>
      %parallel_loop3A_2338 = arith.select %parallel_loop3A_2336, %parallel_loop3A_2250, %parallel_loop3A_2333 : vector<16xi1>, vector<16xf32>
      %parallel_loop3A_2339 = arith.select %parallel_loop3A_2336, %parallel_loop3A_2335, %parallel_loop3A_2258 : vector<16xi1>, vector<16xi32>
      %parallel_loop3A_2340 = arith.select %parallel_loop3A_2336, %parallel_loop3A_2258, %parallel_loop3A_2335 : vector<16xi1>, vector<16xi32>
      %parallel_loop3A_2341 = arith.cmpf ogt, %parallel_loop3A_2338, %parallel_loop3A_2251 : vector<16xf32>
      %parallel_loop3A_2342 = arith.select %parallel_loop3A_2341, %parallel_loop3A_2338, %parallel_loop3A_2251 : vector<16xi1>, vector<16xf32>
      %parallel_loop3A_2343 = arith.select %parallel_loop3A_2341, %parallel_loop3A_2251, %parallel_loop3A_2338 : vector<16xi1>, vector<16xf32>
      %parallel_loop3A_2344 = arith.select %parallel_loop3A_2341, %parallel_loop3A_2340, %parallel_loop3A_2259 : vector<16xi1>, vector<16xi32>
      %parallel_loop3A_2345 = arith.select %parallel_loop3A_2341, %parallel_loop3A_2259, %parallel_loop3A_2340 : vector<16xi1>, vector<16xi32>
      %parallel_loop3A_2346 = arith.cmpf ogt, %parallel_loop3A_2343, %parallel_loop3A_2252 : vector<16xf32>
      %parallel_loop3A_2347 = arith.select %parallel_loop3A_2346, %parallel_loop3A_2343, %parallel_loop3A_2252 : vector<16xi1>, vector<16xf32>
      %parallel_loop3A_2348 = arith.select %parallel_loop3A_2346, %parallel_loop3A_2252, %parallel_loop3A_2343 : vector<16xi1>, vector<16xf32>
      %parallel_loop3A_2349 = arith.select %parallel_loop3A_2346, %parallel_loop3A_2345, %parallel_loop3A_2260 : vector<16xi1>, vector<16xi32>
      %parallel_loop3A_2350 = arith.select %parallel_loop3A_2346, %parallel_loop3A_2260, %parallel_loop3A_2345 : vector<16xi1>, vector<16xi32>
      %parallel_loop3A_2351 = arith.cmpf ogt, %parallel_loop3A_2348, %parallel_loop3A_2253 : vector<16xf32>
      %parallel_loop3A_2352 = arith.select %parallel_loop3A_2351, %parallel_loop3A_2348, %parallel_loop3A_2253 : vector<16xi1>, vector<16xf32>
      %parallel_loop3A_2353 = arith.select %parallel_loop3A_2351, %parallel_loop3A_2253, %parallel_loop3A_2348 : vector<16xi1>, vector<16xf32>
      %parallel_loop3A_2354 = arith.select %parallel_loop3A_2351, %parallel_loop3A_2350, %parallel_loop3A_2261 : vector<16xi1>, vector<16xi32>
      %parallel_loop3A_2355 = arith.select %parallel_loop3A_2351, %parallel_loop3A_2261, %parallel_loop3A_2350 : vector<16xi1>, vector<16xi32>
      scf.yield %parallel_loop3A_2269, %parallel_loop3A_2274, %parallel_loop3A_2279, %parallel_loop3A_2284, %parallel_loop3A_2289, %parallel_loop3A_2294, %parallel_loop3A_2299, %parallel_loop3A_2304, %parallel_loop3A_2271, %parallel_loop3A_2276, %parallel_loop3A_2281, %parallel_loop3A_2286, %parallel_loop3A_2291, %parallel_loop3A_2296, %parallel_loop3A_2301, %parallel_loop3A_2306, %parallel_loop3A_2317, %parallel_loop3A_2322, %parallel_loop3A_2327, %parallel_loop3A_2332, %parallel_loop3A_2337, %parallel_loop3A_2342, %parallel_loop3A_2347, %parallel_loop3A_2352, %parallel_loop3A_2319, %parallel_loop3A_2324, %parallel_loop3A_2329, %parallel_loop3A_2334, %parallel_loop3A_2339, %parallel_loop3A_2344, %parallel_loop3A_2349, %parallel_loop3A_2354 : vector<16xf32>, vector<16xf32>, vector<16xf32>, vector<16xf32>, vector<16xf32>, vector<16xf32>, vector<16xf32>, vector<16xf32>, vector<16xi32>, vector<16xi32>, vector<16xi32>, vector<16xi32>, vector<16xi32>, vector<16xi32>, vector<16xi32>, vector<16xi32>, vector<16xf32>, vector<16xf32>, vector<16xf32>, vector<16xf32>, vector<16xf32>, vector<16xf32>, vector<16xf32>, vector<16xf32>, vector<16xi32>, vector<16xi32>, vector<16xi32>, vector<16xi32>, vector<16xi32>, vector<16xi32>, vector<16xi32>, vector<16xi32>
    } {sc.loop_unroll_factor = 4 : i64, sc.parallel_access}
    %get3A = arith.constant 8192 : index
    %get3A_14 = tpu.vector_load %arg6[%get3A] {strides = array<i32>} : memref<9216xf32, #tpu.memory_space<vmem>>, vector<16xf32>,
    %add3A_15 = arith.constant 8192 : i32
    %add3A_16 = vector.broadcast %add3A_15 : i32 to vector<16xi32>
    %add3A_17 = arith.addi %iota3A, %add3A_16 : vector<16xi32>
    %gt3A = arith.cmpf ogt, %get3A_14, %parallel_loop3A_13#0 : vector<16xf32>
    %select_n3A = arith.select %gt3A, %get3A_14, %parallel_loop3A_13#0 : vector<16xi1>, vector<16xf32>
    %select_n3A_18 = arith.select %gt3A, %parallel_loop3A_13#0, %get3A_14 : vector<16xi1>, vector<16xf32>
    %select_n3A_19 = arith.select %gt3A, %add3A_17, %parallel_loop3A_13#8 : vector<16xi1>, vector<16xi32>
    %select_n3A_20 = arith.select %gt3A, %parallel_loop3A_13#8, %add3A_17 : vector<16xi1>, vector<16xi32>
    %gt3A_21 = arith.cmpf ogt, %select_n3A_18, %parallel_loop3A_13#1 : vector<16xf32>
    %select_n3A_22 = arith.select %gt3A_21, %select_n3A_18, %parallel_loop3A_13#1 : vector<16xi1>, vector<16xf32>
    %select_n3A_23 = arith.select %gt3A_21, %parallel_loop3A_13#1, %select_n3A_18 : vector<16xi1>, vector<16xf32>
    %select_n3A_24 = arith.select %gt3A_21, %select_n3A_20, %parallel_loop3A_13#9 : vector<16xi1>, vector<16xi32>
    %select_n3A_25 = arith.select %gt3A_21, %parallel_loop3A_13#9, %select_n3A_20 : vector<16xi1>, vector<16xi32>
    %gt3A_26 = arith.cmpf ogt, %select_n3A_23, %parallel_loop3A_13#2 : vector<16xf32>
    %select_n3A_27 = arith.select %gt3A_26, %select_n3A_23, %parallel_loop3A_13#2 : vector<16xi1>, vector<16xf32>
    %select_n3A_28 = arith.select %gt3A_26, %parallel_loop3A_13#2, %select_n3A_23 : vector<16xi1>, vector<16xf32>
    %select_n3A_29 = arith.select %gt3A_26, %select_n3A_25, %parallel_loop3A_13#10 : vector<16xi1>, vector<16xi32>
    %select_n3A_30 = arith.select %gt3A_26, %parallel_loop3A_13#10, %select_n3A_25 : vector<16xi1>, vector<16xi32>
    %gt3A_31 = arith.cmpf ogt, %select_n3A_28, %parallel_loop3A_13#3 : vector<16xf32>
    %select_n3A_32 = arith.select %gt3A_31, %select_n3A_28, %parallel_loop3A_13#3 : vector<16xi1>, vector<16xf32>
    %select_n3A_33 = arith.select %gt3A_31, %parallel_loop3A_13#3, %select_n3A_28 : vector<16xi1>, vector<16xf32>
    %select_n3A_34 = arith.select %gt3A_31, %select_n3A_30, %parallel_loop3A_13#11 : vector<16xi1>, vector<16xi32>
    %select_n3A_35 = arith.select %gt3A_31, %parallel_loop3A_13#11, %select_n3A_30 : vector<16xi1>, vector<16xi32>
    %gt3A_36 = arith.cmpf ogt, %select_n3A_33, %parallel_loop3A_13#4 : vector<16xf32>
    %select_n3A_37 = arith.select %gt3A_36, %select_n3A_33, %parallel_loop3A_13#4 : vector<16xi1>, vector<16xf32>
    %select_n3A_38 = arith.select %gt3A_36, %parallel_loop3A_13#4, %select_n3A_33 : vector<16xi1>, vector<16xf32>
    %select_n3A_39 = arith.select %gt3A_36, %select_n3A_35, %parallel_loop3A_13#12 : vector<16xi1>, vector<16xi32>
    %select_n3A_40 = arith.select %gt3A_36, %parallel_loop3A_13#12, %select_n3A_35 : vector<16xi1>, vector<16xi32>
    %gt3A_41 = arith.cmpf ogt, %select_n3A_38, %parallel_loop3A_13#5 : vector<16xf32>
    %select_n3A_42 = arith.select %gt3A_41, %select_n3A_38, %parallel_loop3A_13#5 : vector<16xi1>, vector<16xf32>
    %select_n3A_43 = arith.select %gt3A_41, %parallel_loop3A_13#5, %select_n3A_38 : vector<16xi1>, vector<16xf32>
    %select_n3A_44 = arith.select %gt3A_41, %select_n3A_40, %parallel_loop3A_13#13 : vector<16xi1>, vector<16xi32>
    %select_n3A_45 = arith.select %gt3A_41, %parallel_loop3A_13#13, %select_n3A_40 : vector<16xi1>, vector<16xi32>
    %gt3A_46 = arith.cmpf ogt, %select_n3A_43, %parallel_loop3A_13#6 : vector<16xf32>
    %select_n3A_47 = arith.select %gt3A_46, %select_n3A_43, %parallel_loop3A_13#6 : vector<16xi1>, vector<16xf32>
    %select_n3A_48 = arith.select %gt3A_46, %parallel_loop3A_13#6, %select_n3A_43 : vector<16xi1>, vector<16xf32>
    %select_n3A_49 = arith.select %gt3A_46, %select_n3A_45, %parallel_loop3A_13#14 : vector<16xi1>, vector<16xi32>
    %select_n3A_50 = arith.select %gt3A_46, %parallel_loop3A_13#14, %select_n3A_45 : vector<16xi1>, vector<16xi32>
    %gt3A_51 = arith.cmpf ogt, %select_n3A_48, %parallel_loop3A_13#7 : vector<16xf32>
    %select_n3A_52 = arith.select %gt3A_51, %select_n3A_48, %parallel_loop3A_13#7 : vector<16xi1>, vector<16xf32>
    %select_n3A_53 = arith.select %gt3A_51, %parallel_loop3A_13#7, %select_n3A_48 : vector<16xi1>, vector<16xf32>
    %select_n3A_54 = arith.select %gt3A_51, %select_n3A_50, %parallel_loop3A_13#15 : vector<16xi1>, vector<16xi32>
    %select_n3A_55 = arith.select %gt3A_51, %parallel_loop3A_13#15, %select_n3A_50 : vector<16xi1>, vector<16xi32>
    %masked_sort3A = arith.constant dense<true> : vector<16xi1>
    %masked_sort3A_56, %masked_sort3A_57, %masked_sort3A_58 = tpu.sort %select_n3A, %select_n3A_19 masked %masked_sort3A {descending = true} : (vector<16xf32>, vector<16xi32>, vector<16xi1>) -> (vector<16xi1>, vector<16xf32>, vector<16xi32>)
    %rev3A = arith.constant 15 : i32
    %rev3A_59 = vector.broadcast %rev3A : i32 to vector<16xi32>
    %rev3A_60 = tpu.iota {dimensions = array<i32: 0>} : vector<16xi32>
    %rev3A_61 = arith.subi %rev3A_59, %rev3A_60 : vector<16xi32>
    %rev3A_62 = tpu.dynamic_gather %masked_sort3A_57[%rev3A_61] in [0] : vector<16xf32>, vector<16xi32> -> vector<16xf32>
    %select_n3A_63 = arith.select %lt3A_2, %broadcast_in_dim3A_8, %rev3A_62 : vector<16xi1>, vector<16xf32>
    %rev3A_64 = arith.constant 15 : i32
    %rev3A_65 = vector.broadcast %rev3A_64 : i32 to vector<16xi32>
    %rev3A_66 = tpu.iota {dimensions = array<i32: 0>} : vector<16xi32>
    %rev3A_67 = arith.subi %rev3A_65, %rev3A_66 : vector<16xi32>
    %rev3A_68 = tpu.dynamic_gather %masked_sort3A_58[%rev3A_67] in [0] : vector<16xi32>, vector<16xi32> -> vector<16xi32>
    %select_n3A_69 = arith.select %lt3A_2, %broadcast_in_dim3A_10, %rev3A_68 : vector<16xi1>, vector<16xi32>
    %masked_sort3A_70 = arith.constant dense<true> : vector<16xi1>
    %masked_sort3A_71, %masked_sort3A_72, %masked_sort3A_73 = tpu.sort %select_n3A_63, %select_n3A_69 masked %masked_sort3A_70 {descending = true} : (vector<16xf32>, vector<16xi32>, vector<16xi1>) -> (vector<16xi1>, vector<16xf32>, vector<16xi32>)
    %masked_sort3A_74 = arith.constant dense<true> : vector<16xi1>
    %masked_sort3A_75, %masked_sort3A_76, %masked_sort3A_77 = tpu.sort %select_n3A_22, %select_n3A_24 masked %masked_sort3A_74 {descending = true} : (vector<16xf32>, vector<16xi32>, vector<16xi1>) -> (vector<16xi1>, vector<16xf32>, vector<16xi32>)
    %rev3A_78 = arith.constant 15 : i32
    %rev3A_79 = vector.broadcast %rev3A_78 : i32 to vector<16xi32>
    %rev3A_80 = tpu.iota {dimensions = array<i32: 0>} : vector<16xi32>
    %rev3A_81 = arith.subi %rev3A_79, %rev3A_80 : vector<16xi32>
    %rev3A_82 = tpu.dynamic_gather %masked_sort3A_76[%rev3A_81] in [0] : vector<16xf32>, vector<16xi32> -> vector<16xf32>
    %select_n3A_83 = arith.select %lt3A_2, %masked_sort3A_72, %rev3A_82 : vector<16xi1>, vector<16xf32>
    %rev3A_84 = arith.constant 15 : i32
    %rev3A_85 = vector.broadcast %rev3A_84 : i32 to vector<16xi32>
    %rev3A_86 = tpu.iota {dimensions = array<i32: 0>} : vector<16xi32>
    %rev3A_87 = arith.subi %rev3A_85, %rev3A_86 : vector<16xi32>
    %rev3A_88 = tpu.dynamic_gather %masked_sort3A_77[%rev3A_87] in [0] : vector<16xi32>, vector<16xi32> -> vector<16xi32>
    %select_n3A_89 = arith.select %lt3A_2, %masked_sort3A_73, %rev3A_88 : vector<16xi1>, vector<16xi32>
    %masked_sort3A_90 = arith.constant dense<true> : vector<16xi1>
    %masked_sort3A_91, %masked_sort3A_92, %masked_sort3A_93 = tpu.sort %select_n3A_83, %select_n3A_89 masked %masked_sort3A_90 {descending = true} : (vector<16xf32>, vector<16xi32>, vector<16xi1>) -> (vector<16xi1>, vector<16xf32>, vector<16xi32>)
    %masked_sort3A_94 = arith.constant dense<true> : vector<16xi1>
    %masked_sort3A_95, %masked_sort3A_96, %masked_sort3A_97 = tpu.sort %select_n3A_27, %select_n3A_29 masked %masked_sort3A_94 {descending = true} : (vector<16xf32>, vector<16xi32>, vector<16xi1>) -> (vector<16xi1>, vector<16xf32>, vector<16xi32>)
    %rev3A_98 = arith.constant 15 : i32
    %rev3A_99 = vector.broadcast %rev3A_98 : i32 to vector<16xi32>
    %rev3A_100 = tpu.iota {dimensions = array<i32: 0>} : vector<16xi32>
    %rev3A_101 = arith.subi %rev3A_99, %rev3A_100 : vector<16xi32>
    %rev3A_102 = tpu.dynamic_gather %masked_sort3A_96[%rev3A_101] in [0] : vector<16xf32>, vector<16xi32> -> vector<16xf32>
    %select_n3A_103 = arith.select %lt3A_2, %masked_sort3A_92, %rev3A_102 : vector<16xi1>, vector<16xf32>
    %rev3A_104 = arith.constant 15 : i32
    %rev3A_105 = vector.broadcast %rev3A_104 : i32 to vector<16xi32>
    %rev3A_106 = tpu.iota {dimensions = array<i32: 0>} : vector<16xi32>
    %rev3A_107 = arith.subi %rev3A_105, %rev3A_106 : vector<16xi32>
    %rev3A_108 = tpu.dynamic_gather %masked_sort3A_97[%rev3A_107] in [0] : vector<16xi32>, vector<16xi32> -> vector<16xi32>
    %select_n3A_109 = arith.select %lt3A_2, %masked_sort3A_93, %rev3A_108 : vector<16xi1>, vector<16xi32>
    %masked_sort3A_110 = arith.constant dense<true> : vector<16xi1>
    %masked_sort3A_111, %masked_sort3A_112, %masked_sort3A_113 = tpu.sort %select_n3A_103, %select_n3A_109 masked %masked_sort3A_110 {descending = true} : (vector<16xf32>, vector<16xi32>, vector<16xi1>) -> (vector<16xi1>, vector<16xf32>, vector<16xi32>)
    %masked_sort3A_114 = arith.constant dense<true> : vector<16xi1>
    %masked_sort3A_115, %masked_sort3A_116, %masked_sort3A_117 = tpu.sort %select_n3A_32, %select_n3A_34 masked %masked_sort3A_114 {descending = true} : (vector<16xf32>, vector<16xi32>, vector<16xi1>) -> (vector<16xi1>, vector<16xf32>, vector<16xi32>)
    %rev3A_118 = arith.constant 15 : i32
    %rev3A_119 = vector.broadcast %rev3A_118 : i32 to vector<16xi32>
    %rev3A_120 = tpu.iota {dimensions = array<i32: 0>} : vector<16xi32>
    %rev3A_121 = arith.subi %rev3A_119, %rev3A_120 : vector<16xi32>
    %rev3A_122 = tpu.dynamic_gather %masked_sort3A_116[%rev3A_121] in [0] : vector<16xf32>, vector<16xi32> -> vector<16xf32>
    %select_n3A_123 = arith.select %lt3A_2, %masked_sort3A_112, %rev3A_122 : vector<16xi1>, vector<16xf32>
    %rev3A_124 = arith.constant 15 : i32
    %rev3A_125 = vector.broadcast %rev3A_124 : i32 to vector<16xi32>
    %rev3A_126 = tpu.iota {dimensions = array<i32: 0>} : vector<16xi32>
    %rev3A_127 = arith.subi %rev3A_125, %rev3A_126 : vector<16xi32>
    %rev3A_128 = tpu.dynamic_gather %masked_sort3A_117[%rev3A_127] in [0] : vector<16xi32>, vector<16xi32> -> vector<16xi32>
    %select_n3A_129 = arith.select %lt3A_2, %masked_sort3A_113, %rev3A_128 : vector<16xi1>, vector<16xi32>
    %masked_sort3A_130 = arith.constant dense<true> : vector<16xi1>
    %masked_sort3A_131, %masked_sort3A_132, %masked_sort3A_133 = tpu.sort %select_n3A_123, %select_n3A_129 masked %masked_sort3A_130 {descending = true} : (vector<16xf32>, vector<16xi32>, vector<16xi1>) -> (vector<16xi1>, vector<16xf32>, vector<16xi32>)
    %masked_sort3A_134 = arith.constant dense<true> : vector<16xi1>
    %masked_sort3A_135, %masked_sort3A_136, %masked_sort3A_137 = tpu.sort %select_n3A_37, %select_n3A_39 masked %masked_sort3A_134 {descending = true} : (vector<16xf32>, vector<16xi32>, vector<16xi1>) -> (vector<16xi1>, vector<16xf32>, vector<16xi32>)
    %rev3A_138 = arith.constant 15 : i32
    %rev3A_139 = vector.broadcast %rev3A_138 : i32 to vector<16xi32>
    %rev3A_140 = tpu.iota {dimensions = array<i32: 0>} : vector<16xi32>
    %rev3A_141 = arith.subi %rev3A_139, %rev3A_140 : vector<16xi32>
    %rev3A_142 = tpu.dynamic_gather %masked_sort3A_136[%rev3A_141] in [0] : vector<16xf32>, vector<16xi32> -> vector<16xf32>
    %select_n3A_143 = arith.select %lt3A_2, %masked_sort3A_132, %rev3A_142 : vector<16xi1>, vector<16xf32>
    %rev3A_144 = arith.constant 15 : i32
    %rev3A_145 = vector.broadcast %rev3A_144 : i32 to vector<16xi32>
    %rev3A_146 = tpu.iota {dimensions = array<i32: 0>} : vector<16xi32>
    %rev3A_147 = arith.subi %rev3A_145, %rev3A_146 : vector<16xi32>
    %rev3A_148 = tpu.dynamic_gather %masked_sort3A_137[%rev3A_147] in [0] : vector<16xi32>, vector<16xi32> -> vector<16xi32>
    %select_n3A_149 = arith.select %lt3A_2, %masked_sort3A_133, %rev3A_148 : vector<16xi1>, vector<16xi32>
    %masked_sort3A_150 = arith.constant dense<true> : vector<16xi1>
    %masked_sort3A_151, %masked_sort3A_152, %masked_sort3A_153 = tpu.sort %select_n3A_143, %select_n3A_149 masked %masked_sort3A_150 {descending = true} : (vector<16xf32>, vector<16xi32>, vector<16xi1>) -> (vector<16xi1>, vector<16xf32>, vector<16xi32>)
    %masked_sort3A_154 = arith.constant dense<true> : vector<16xi1>
    %masked_sort3A_155, %masked_sort3A_156, %masked_sort3A_157 = tpu.sort %select_n3A_42, %select_n3A_44 masked %masked_sort3A_154 {descending = true} : (vector<16xf32>, vector<16xi32>, vector<16xi1>) -> (vector<16xi1>, vector<16xf32>, vector<16xi32>)
    %rev3A_158 = arith.constant 15 : i32
    %rev3A_159 = vector.broadcast %rev3A_158 : i32 to vector<16xi32>
    %rev3A_160 = tpu.iota {dimensions = array<i32: 0>} : vector<16xi32>
    %rev3A_161 = arith.subi %rev3A_159, %rev3A_160 : vector<16xi32>
    %rev3A_162 = tpu.dynamic_gather %masked_sort3A_156[%rev3A_161] in [0] : vector<16xf32>, vector<16xi32> -> vector<16xf32>
    %select_n3A_163 = arith.select %lt3A_2, %masked_sort3A_152, %rev3A_162 : vector<16xi1>, vector<16xf32>
    %rev3A_164 = arith.constant 15 : i32
    %rev3A_165 = vector.broadcast %rev3A_164 : i32 to vector<16xi32>
    %rev3A_166 = tpu.iota {dimensions = array<i32: 0>} : vector<16xi32>
    %rev3A_167 = arith.subi %rev3A_165, %rev3A_166 : vector<16xi32>
    %rev3A_168 = tpu.dynamic_gather %masked_sort3A_157[%rev3A_167] in [0] : vector<16xi32>, vector<16xi32> -> vector<16xi32>
    %select_n3A_169 = arith.select %lt3A_2, %masked_sort3A_153, %rev3A_168 : vector<16xi1>, vector<16xi32>
    %masked_sort3A_170 = arith.constant dense<true> : vector<16xi1>
    %masked_sort3A_171, %masked_sort3A_172, %masked_sort3A_173 = tpu.sort %select_n3A_163, %select_n3A_169 masked %masked_sort3A_170 {descending = true} : (vector<16xf32>, vector<16xi32>, vector<16xi1>) -> (vector<16xi1>, vector<16xf32>, vector<16xi32>)
    %masked_sort3A_174 = arith.constant dense<true> : vector<16xi1>
    %masked_sort3A_175, %masked_sort3A_176, %masked_sort3A_177 = tpu.sort %select_n3A_47, %select_n3A_49 masked %masked_sort3A_174 {descending = true} : (vector<16xf32>, vector<16xi32>, vector<16xi1>) -> (vector<16xi1>, vector<16xf32>, vector<16xi32>)
    %rev3A_178 = arith.constant 15 : i32
    %rev3A_179 = vector.broadcast %rev3A_178 : i32 to vector<16xi32>
    %rev3A_180 = tpu.iota {dimensions = array<i32: 0>} : vector<16xi32>
    %rev3A_181 = arith.subi %rev3A_179, %rev3A_180 : vector<16xi32>
    %rev3A_182 = tpu.dynamic_gather %masked_sort3A_176[%rev3A_181] in [0] : vector<16xf32>, vector<16xi32> -> vector<16xf32>
    %select_n3A_183 = arith.select %lt3A_2, %masked_sort3A_172, %rev3A_182 : vector<16xi1>, vector<16xf32>
    %rev3A_184 = arith.constant 15 : i32
    %rev3A_185 = vector.broadcast %rev3A_184 : i32 to vector<16xi32>
    %rev3A_186 = tpu.iota {dimensions = array<i32: 0>} : vector<16xi32>
    %rev3A_187 = arith.subi %rev3A_185, %rev3A_186 : vector<16xi32>
    %rev3A_188 = tpu.dynamic_gather %masked_sort3A_177[%rev3A_187] in [0] : vector<16xi32>, vector<16xi32> -> vector<16xi32>
    %select_n3A_189 = arith.select %lt3A_2, %masked_sort3A_173, %rev3A_188 : vector<16xi1>, vector<16xi32>
    %masked_sort3A_190 = arith.constant dense<true> : vector<16xi1>
    %masked_sort3A_191, %masked_sort3A_192, %masked_sort3A_193 = tpu.sort %select_n3A_183, %select_n3A_189 masked %masked_sort3A_190 {descending = true} : (vector<16xf32>, vector<16xi32>, vector<16xi1>) -> (vector<16xi1>, vector<16xf32>, vector<16xi32>)
    %masked_sort3A_194 = arith.constant dense<true> : vector<16xi1>
    %masked_sort3A_195, %masked_sort3A_196, %masked_sort3A_197 = tpu.sort %select_n3A_52, %select_n3A_54 masked %masked_sort3A_194 {descending = true} : (vector<16xf32>, vector<16xi32>, vector<16xi1>) -> (vector<16xi1>, vector<16xf32>, vector<16xi32>)
    %rev3A_198 = arith.constant 15 : i32
    %rev3A_199 = vector.broadcast %rev3A_198 : i32 to vector<16xi32>
    %rev3A_200 = tpu.iota {dimensions = array<i32: 0>} : vector<16xi32>
    %rev3A_201 = arith.subi %rev3A_199, %rev3A_200 : vector<16xi32>
    %rev3A_202 = tpu.dynamic_gather %masked_sort3A_196[%rev3A_201] in [0] : vector<16xf32>, vector<16xi32> -> vector<16xf32>
    %select_n3A_203 = arith.select %lt3A_2, %masked_sort3A_192, %rev3A_202 : vector<16xi1>, vector<16xf32>
    %rev3A_204 = arith.constant 15 : i32
    %rev3A_205 = vector.broadcast %rev3A_204 : i32 to vector<16xi32>
    %rev3A_206 = tpu.iota {dimensions = array<i32: 0>} : vector<16xi32>
    %rev3A_207 = arith.subi %rev3A_205, %rev3A_206 : vector<16xi32>
    %rev3A_208 = tpu.dynamic_gather %masked_sort3A_197[%rev3A_207] in [0] : vector<16xi32>, vector<16xi32> -> vector<16xi32>
    %select_n3A_209 = arith.select %lt3A_2, %masked_sort3A_193, %rev3A_208 : vector<16xi1>, vector<16xi32>
    %masked_sort3A_210 = arith.constant dense<true> : vector<16xi1>
    %masked_sort3A_211, %masked_sort3A_212, %masked_sort3A_213 = tpu.sort %select_n3A_203, %select_n3A_209 masked %masked_sort3A_210 {descending = true} : (vector<16xf32>, vector<16xi32>, vector<16xi1>) -> (vector<16xi1>, vector<16xf32>, vector<16xi32>)
    %masked_sort3A_214 = arith.constant dense<true> : vector<16xi1>
    %masked_sort3A_215, %masked_sort3A_216, %masked_sort3A_217 = tpu.sort %parallel_loop3A_13#16, %parallel_loop3A_13#24 masked %masked_sort3A_214 {descending = true} : (vector<16xf32>, vector<16xi32>, vector<16xi1>) -> (vector<16xi1>, vector<16xf32>, vector<16xi32>)
    %rev3A_218 = arith.constant 15 : i32
    %rev3A_219 = vector.broadcast %rev3A_218 : i32 to vector<16xi32>
    %rev3A_220 = tpu.iota {dimensions = array<i32: 0>} : vector<16xi32>
    %rev3A_221 = arith.subi %rev3A_219, %rev3A_220 : vector<16xi32>
    %rev3A_222 = tpu.dynamic_gather %masked_sort3A_216[%rev3A_221] in [0] : vector<16xf32>, vector<16xi32> -> vector<16xf32>
    %select_n3A_223 = arith.select %lt3A_2, %masked_sort3A_212, %rev3A_222 : vector<16xi1>, vector<16xf32>
    %rev3A_224 = arith.constant 15 : i32
    %rev3A_225 = vector.broadcast %rev3A_224 : i32 to vector<16xi32>
    %rev3A_226 = tpu.iota {dimensions = array<i32: 0>} : vector<16xi32>
    %rev3A_227 = arith.subi %rev3A_225, %rev3A_226 : vector<16xi32>
    %rev3A_228 = tpu.dynamic_gather %masked_sort3A_217[%rev3A_227] in [0] : vector<16xi32>, vector<16xi32> -> vector<16xi32>
    %select_n3A_229 = arith.select %lt3A_2, %masked_sort3A_213, %rev3A_228 : vector<16xi1>, vector<16xi32>
    %masked_sort3A_230 = arith.constant dense<true> : vector<16xi1>
    %masked_sort3A_231, %masked_sort3A_232, %masked_sort3A_233 = tpu.sort %select_n3A_223, %select_n3A_229 masked %masked_sort3A_230 {descending = true} : (vector<16xf32>, vector<16xi32>, vector<16xi1>) -> (vector<16xi1>, vector<16xf32>, vector<16xi32>)
    %masked_sort3A_234 = arith.constant dense<true> : vector<16xi1>
    %masked_sort3A_235, %masked_sort3A_236, %masked_sort3A_237 = tpu.sort %parallel_loop3A_13#17, %parallel_loop3A_13#25 masked %masked_sort3A_234 {descending = true} : (vector<16xf32>, vector<16xi32>, vector<16xi1>) -> (vector<16xi1>, vector<16xf32>, vector<16xi32>)
    %rev3A_238 = arith.constant 15 : i32
    %rev3A_239 = vector.broadcast %rev3A_238 : i32 to vector<16xi32>
    %rev3A_240 = tpu.iota {dimensions = array<i32: 0>} : vector<16xi32>
    %rev3A_241 = arith.subi %rev3A_239, %rev3A_240 : vector<16xi32>
    %rev3A_242 = tpu.dynamic_gather %masked_sort3A_236[%rev3A_241] in [0] : vector<16xf32>, vector<16xi32> -> vector<16xf32>
    %select_n3A_243 = arith.select %lt3A_2, %masked_sort3A_232, %rev3A_242 : vector<16xi1>, vector<16xf32>
    %rev3A_244 = arith.constant 15 : i32
    %rev3A_245 = vector.broadcast %rev3A_244 : i32 to vector<16xi32>
    %rev3A_246 = tpu.iota {dimensions = array<i32: 0>} : vector<16xi32>
    %rev3A_247 = arith.subi %rev3A_245, %rev3A_246 : vector<16xi32>
    %rev3A_248 = tpu.dynamic_gather %masked_sort3A_237[%rev3A_247] in [0] : vector<16xi32>, vector<16xi32> -> vector<16xi32>
    %select_n3A_249 = arith.select %lt3A_2, %masked_sort3A_233, %rev3A_248 : vector<16xi1>, vector<16xi32>
    %masked_sort3A_250 = arith.constant dense<true> : vector<16xi1>
    %masked_sort3A_251, %masked_sort3A_252, %masked_sort3A_253 = tpu.sort %select_n3A_243, %select_n3A_249 masked %masked_sort3A_250 {descending = true} : (vector<16xf32>, vector<16xi32>, vector<16xi1>) -> (vector<16xi1>, vector<16xf32>, vector<16xi32>)
    %masked_sort3A_254 = arith.constant dense<true> : vector<16xi1>
    %masked_sort3A_255, %masked_sort3A_256, %masked_sort3A_257 = tpu.sort %parallel_loop3A_13#18, %parallel_loop3A_13#26 masked %masked_sort3A_254 {descending = true} : (vector<16xf32>, vector<16xi32>, vector<16xi1>) -> (vector<16xi1>, vector<16xf32>, vector<16xi32>)
    %rev3A_258 = arith.constant 15 : i32
    %rev3A_259 = vector.broadcast %rev3A_258 : i32 to vector<16xi32>
    %rev3A_260 = tpu.iota {dimensions = array<i32: 0>} : vector<16xi32>
    %rev3A_261 = arith.subi %rev3A_259, %rev3A_260 : vector<16xi32>
    %rev3A_262 = tpu.dynamic_gather %masked_sort3A_256[%rev3A_261] in [0] : vector<16xf32>, vector<16xi32> -> vector<16xf32>
    %select_n3A_263 = arith.select %lt3A_2, %masked_sort3A_252, %rev3A_262 : vector<16xi1>, vector<16xf32>
    %rev3A_264 = arith.constant 15 : i32
    %rev3A_265 = vector.broadcast %rev3A_264 : i32 to vector<16xi32>
    %rev3A_266 = tpu.iota {dimensions = array<i32: 0>} : vector<16xi32>
    %rev3A_267 = arith.subi %rev3A_265, %rev3A_266 : vector<16xi32>
    %rev3A_268 = tpu.dynamic_gather %masked_sort3A_257[%rev3A_267] in [0] : vector<16xi32>, vector<16xi32> -> vector<16xi32>
    %select_n3A_269 = arith.select %lt3A_2, %masked_sort3A_253, %rev3A_268 : vector<16xi1>, vector<16xi32>
    %masked_sort3A_270 = arith.constant dense<true> : vector<16xi1>
    %masked_sort3A_271, %masked_sort3A_272, %masked_sort3A_273 = tpu.sort %select_n3A_263, %select_n3A_269 masked %masked_sort3A_270 {descending = true} : (vector<16xf32>, vector<16xi32>, vector<16xi1>) -> (vector<16xi1>, vector<16xf32>, vector<16xi32>)
    %masked_sort3A_274 = arith.constant dense<true> : vector<16xi1>
    %masked_sort3A_275, %masked_sort3A_276, %masked_sort3A_277 = tpu.sort %parallel_loop3A_13#19, %parallel_loop3A_13#27 masked %masked_sort3A_274 {descending = true} : (vector<16xf32>, vector<16xi32>, vector<16xi1>) -> (vector<16xi1>, vector<16xf32>, vector<16xi32>)
    %rev3A_278 = arith.constant 15 : i32
    %rev3A_279 = vector.broadcast %rev3A_278 : i32 to vector<16xi32>
    %rev3A_280 = tpu.iota {dimensions = array<i32: 0>} : vector<16xi32>
    %rev3A_281 = arith.subi %rev3A_279, %rev3A_280 : vector<16xi32>
    %rev3A_282 = tpu.dynamic_gather %masked_sort3A_276[%rev3A_281] in [0] : vector<16xf32>, vector<16xi32> -> vector<16xf32>
    %select_n3A_283 = arith.select %lt3A_2, %masked_sort3A_272, %rev3A_282 : vector<16xi1>, vector<16xf32>
    %rev3A_284 = arith.constant 15 : i32
    %rev3A_285 = vector.broadcast %rev3A_284 : i32 to vector<16xi32>
    %rev3A_286 = tpu.iota {dimensions = array<i32: 0>} : vector<16xi32>
    %rev3A_287 = arith.subi %rev3A_285, %rev3A_286 : vector<16xi32>
    %rev3A_288 = tpu.dynamic_gather %masked_sort3A_277[%rev3A_287] in [0] : vector<16xi32>, vector<16xi32> -> vector<16xi32>
    %select_n3A_289 = arith.select %lt3A_2, %masked_sort3A_273, %rev3A_288 : vector<16xi1>, vector<16xi32>
    %masked_sort3A_290 = arith.constant dense<true> : vector<16xi1>
    %masked_sort3A_291, %masked_sort3A_292, %masked_sort3A_293 = tpu.sort %select_n3A_283, %select_n3A_289 masked %masked_sort3A_290 {descending = true} : (vector<16xf32>, vector<16xi32>, vector<16xi1>) -> (vector<16xi1>, vector<16xf32>, vector<16xi32>)
    %masked_sort3A_294 = arith.constant dense<true> : vector<16xi1>
    %masked_sort3A_295, %masked_sort3A_296, %masked_sort3A_297 = tpu.sort %parallel_loop3A_13#20, %parallel_loop3A_13#28 masked %masked_sort3A_294 {descending = true} : (vector<16xf32>, vector<16xi32>, vector<16xi1>) -> (vector<16xi1>, vector<16xf32>, vector<16xi32>)
    %rev3A_298 = arith.constant 15 : i32
    %rev3A_299 = vector.broadcast %rev3A_298 : i32 to vector<16xi32>
    %rev3A_300 = tpu.iota {dimensions = array<i32: 0>} : vector<16xi32>
    %rev3A_301 = arith.subi %rev3A_299, %rev3A_300 : vector<16xi32>
    %rev3A_302 = tpu.dynamic_gather %masked_sort3A_296[%rev3A_301] in [0] : vector<16xf32>, vector<16xi32> -> vector<16xf32>
    %select_n3A_303 = arith.select %lt3A_2, %masked_sort3A_292, %rev3A_302 : vector<16xi1>, vector<16xf32>
    %rev3A_304 = arith.constant 15 : i32
    %rev3A_305 = vector.broadcast %rev3A_304 : i32 to vector<16xi32>
    %rev3A_306 = tpu.iota {dimensions = array<i32: 0>} : vector<16xi32>
    %rev3A_307 = arith.subi %rev3A_305, %rev3A_306 : vector<16xi32>
    %rev3A_308 = tpu.dynamic_gather %masked_sort3A_297[%rev3A_307] in [0] : vector<16xi32>, vector<16xi32> -> vector<16xi32>
    %select_n3A_309 = arith.select %lt3A_2, %masked_sort3A_293, %rev3A_308 : vector<16xi1>, vector<16xi32>
    %masked_sort3A_310 = arith.constant dense<true> : vector<16xi1>
    %masked_sort3A_311, %masked_sort3A_312, %masked_sort3A_313 = tpu.sort %select_n3A_303, %select_n3A_309 masked %masked_sort3A_310 {descending = true} : (vector<16xf32>, vector<16xi32>, vector<16xi1>) -> (vector<16xi1>, vector<16xf32>, vector<16xi32>)
    %masked_sort3A_314 = arith.constant dense<true> : vector<16xi1>
    %masked_sort3A_315, %masked_sort3A_316, %masked_sort3A_317 = tpu.sort %parallel_loop3A_13#21, %parallel_loop3A_13#29 masked %masked_sort3A_314 {descending = true} : (vector<16xf32>, vector<16xi32>, vector<16xi1>) -> (vector<16xi1>, vector<16xf32>, vector<16xi32>)
    %rev3A_318 = arith.constant 15 : i32
    %rev3A_319 = vector.broadcast %rev3A_318 : i32 to vector<16xi32>
    %rev3A_320 = tpu.iota {dimensions = array<i32: 0>} : vector<16xi32>
    %rev3A_321 = arith.subi %rev3A_319, %rev3A_320 : vector<16xi32>
    %rev3A_322 = tpu.dynamic_gather %masked_sort3A_316[%rev3A_321] in [0] : vector<16xf32>, vector<16xi32> -> vector<16xf32>
    %select_n3A_323 = arith.select %lt3A_2, %masked_sort3A_312, %rev3A_322 : vector<16xi1>, vector<16xf32>
    %rev3A_324 = arith.constant 15 : i32
    %rev3A_325 = vector.broadcast %rev3A_324 : i32 to vector<16xi32>
    %rev3A_326 = tpu.iota {dimensions = array<i32: 0>} : vector<16xi32>
    %rev3A_327 = arith.subi %rev3A_325, %rev3A_326 : vector<16xi32>
    %rev3A_328 = tpu.dynamic_gather %masked_sort3A_317[%rev3A_327] in [0] : vector<16xi32>, vector<16xi32> -> vector<16xi32>
    %select_n3A_329 = arith.select %lt3A_2, %masked_sort3A_313, %rev3A_328 : vector<16xi1>, vector<16xi32>
    %masked_sort3A_330 = arith.constant dense<true> : vector<16xi1>
    %masked_sort3A_331, %masked_sort3A_332, %masked_sort3A_333 = tpu.sort %select_n3A_323, %select_n3A_329 masked %masked_sort3A_330 {descending = true} : (vector<16xf32>, vector<16xi32>, vector<16xi1>) -> (vector<16xi1>, vector<16xf32>, vector<16xi32>)
    %masked_sort3A_334 = arith.constant dense<true> : vector<16xi1>
    %masked_sort3A_335, %masked_sort3A_336, %masked_sort3A_337 = tpu.sort %parallel_loop3A_13#22, %parallel_loop3A_13#30 masked %masked_sort3A_334 {descending = true} : (vector<16xf32>, vector<16xi32>, vector<16xi1>) -> (vector<16xi1>, vector<16xf32>, vector<16xi32>)
    %rev3A_338 = arith.constant 15 : i32
    %rev3A_339 = vector.broadcast %rev3A_338 : i32 to vector<16xi32>
    %rev3A_340 = tpu.iota {dimensions = array<i32: 0>} : vector<16xi32>
    %rev3A_341 = arith.subi %rev3A_339, %rev3A_340 : vector<16xi32>
    %rev3A_342 = tpu.dynamic_gather %masked_sort3A_336[%rev3A_341] in [0] : vector<16xf32>, vector<16xi32> -> vector<16xf32>
    %select_n3A_343 = arith.select %lt3A_2, %masked_sort3A_332, %rev3A_342 : vector<16xi1>, vector<16xf32>
    %rev3A_344 = arith.constant 15 : i32
    %rev3A_345 = vector.broadcast %rev3A_344 : i32 to vector<16xi32>
    %rev3A_346 = tpu.iota {dimensions = array<i32: 0>} : vector<16xi32>
    %rev3A_347 = arith.subi %rev3A_345, %rev3A_346 : vector<16xi32>
    %rev3A_348 = tpu.dynamic_gather %masked_sort3A_337[%rev3A_347] in [0] : vector<16xi32>, vector<16xi32> -> vector<16xi32>
    %select_n3A_349 = arith.select %lt3A_2, %masked_sort3A_333, %rev3A_348 : vector<16xi1>, vector<16xi32>
    %masked_sort3A_350 = arith.constant dense<true> : vector<16xi1>
    %masked_sort3A_351, %masked_sort3A_352, %masked_sort3A_353 = tpu.sort %select_n3A_343, %select_n3A_349 masked %masked_sort3A_350 {descending = true} : (vector<16xf32>, vector<16xi32>, vector<16xi1>) -> (vector<16xi1>, vector<16xf32>, vector<16xi32>)
    %masked_sort3A_354 = arith.constant dense<true> : vector<16xi1>
    %masked_sort3A_355, %masked_sort3A_356, %masked_sort3A_357 = tpu.sort %parallel_loop3A_13#23, %parallel_loop3A_13#31 masked %masked_sort3A_354 {descending = true} : (vector<16xf32>, vector<16xi32>, vector<16xi1>) -> (vector<16xi1>, vector<16xf32>, vector<16xi32>)
    %rev3A_358 = arith.constant 15 : i32
    %rev3A_359 = vector.broadcast %rev3A_358 : i32 to vector<16xi32>
    %rev3A_360 = tpu.iota {dimensions = array<i32: 0>} : vector<16xi32>
    %rev3A_361 = arith.subi %rev3A_359, %rev3A_360 : vector<16xi32>
    %rev3A_362 = tpu.dynamic_gather %masked_sort3A_356[%rev3A_361] in [0] : vector<16xf32>, vector<16xi32> -> vector<16xf32>
    %select_n3A_363 = arith.select %lt3A_2, %masked_sort3A_352, %rev3A_362 : vector<16xi1>, vector<16xf32>
    %rev3A_364 = arith.constant 15 : i32
    %rev3A_365 = vector.broadcast %rev3A_364 : i32 to vector<16xi32>
    %rev3A_366 = tpu.iota {dimensions = array<i32: 0>} : vector<16xi32>
    %rev3A_367 = arith.subi %rev3A_365, %rev3A_366 : vector<16xi32>
    %rev3A_368 = tpu.dynamic_gather %masked_sort3A_357[%rev3A_367] in [0] : vector<16xi32>, vector<16xi32> -> vector<16xi32>
    %select_n3A_369 = arith.select %lt3A_2, %masked_sort3A_353, %rev3A_368 : vector<16xi1>, vector<16xi32>
    %masked_sort3A_370 = arith.constant dense<true> : vector<16xi1>
    %masked_sort3A_371, %masked_sort3A_372, %masked_sort3A_373 = tpu.sort %select_n3A_363, %select_n3A_369 masked %masked_sort3A_370 {descending = true} : (vector<16xf32>, vector<16xi32>, vector<16xi1>) -> (vector<16xi1>, vector<16xf32>, vector<16xi32>)
    %jit3A = arith.constant 0.000000e+00 : f32
    %broadcast_in_dim3A_374 = vector.broadcast %jit3A : f32 to vector<16xf32>
    %select_n3A_375 = arith.select %lt3A_2, %masked_sort3A_372, %broadcast_in_dim3A_374 : vector<16xi1>, vector<16xf32>
    %xor3A = arith.constant 8 : i32
    %xor3A_376 = vector.broadcast %xor3A : i32 to vector<16xi32>
    %xor3A_377 = arith.xori %iota3A, %xor3A_376 : vector<16xi32>
    %broadcast_in_dim3A_378 = vector.shape_cast %xor3A_377 : vector<16xi32> to vector<16x1xi32>
    %gather3A = vector.shape_cast %broadcast_in_dim3A_378 : vector<16x1xi32> to vector<16xi32>
    %gather3A_379 = tpu.dynamic_gather %select_n3A_375[%gather3A] in [0] : vector<16xf32>, vector<16xi32> -> vector<16xf32>
    %add3A_380 = arith.addf %select_n3A_375, %gather3A_379 : vector<16xf32>
    %xor3A_381 = arith.constant 4 : i32
    %xor3A_382 = vector.broadcast %xor3A_381 : i32 to vector<16xi32>
    %xor3A_383 = arith.xori %iota3A, %xor3A_382 : vector<16xi32>
    %broadcast_in_dim3A_384 = vector.shape_cast %xor3A_383 : vector<16xi32> to vector<16x1xi32>
    %gather3A_385 = vector.shape_cast %broadcast_in_dim3A_384 : vector<16x1xi32> to vector<16xi32>
    %gather3A_386 = tpu.dynamic_gather %add3A_380[%gather3A_385] in [0] : vector<16xf32>, vector<16xi32> -> vector<16xf32>
    %add3A_387 = arith.addf %add3A_380, %gather3A_386 : vector<16xf32>
    %xor3A_388 = arith.constant 2 : i32
    %xor3A_389 = vector.broadcast %xor3A_388 : i32 to vector<16xi32>
    %xor3A_390 = arith.xori %iota3A, %xor3A_389 : vector<16xi32>
    %broadcast_in_dim3A_391 = vector.shape_cast %xor3A_390 : vector<16xi32> to vector<16x1xi32>
    %gather3A_392 = vector.shape_cast %broadcast_in_dim3A_391 : vector<16x1xi32> to vector<16xi32>
    %gather3A_393 = tpu.dynamic_gather %add3A_387[%gather3A_392] in [0] : vector<16xf32>, vector<16xi32> -> vector<16xf32>
    %add3A_394 = arith.addf %add3A_387, %gather3A_393 : vector<16xf32>
    %xor3A_395 = arith.constant 1 : i32
    %xor3A_396 = vector.broadcast %xor3A_395 : i32 to vector<16xi32>
    %xor3A_397 = arith.xori %iota3A, %xor3A_396 : vector<16xi32>
    %broadcast_in_dim3A_398 = vector.shape_cast %xor3A_397 : vector<16xi32> to vector<16x1xi32>
    %gather3A_399 = vector.shape_cast %broadcast_in_dim3A_398 : vector<16x1xi32> to vector<16xi32>
    %gather3A_400 = tpu.dynamic_gather %add3A_394[%gather3A_399] in [0] : vector<16xf32>, vector<16xi32> -> vector<16xf32>
    %add3A_401 = arith.addf %add3A_394, %gather3A_400 : vector<16xf32>
    %lt3A_402 = arith.constant 8192 : i32
    %lt3A_403 = vector.broadcast %lt3A_402 : i32 to vector<16xi32>
    %lt3A_404 = arith.cmpi slt, %masked_sort3A_373, %lt3A_403 : vector<16xi32>
    %and3A = arith.andi %lt3A_2, %lt3A_404 : vector<16xi1>
    %ge3A = arith.constant 8192 : i32
    %ge3A_405 = vector.broadcast %ge3A : i32 to vector<16xi32>
    %ge3A_406 = arith.cmpi sge, %masked_sort3A_373, %ge3A_405 : vector<16xi32>
    %and3A_407 = arith.andi %lt3A_2, %ge3A_406 : vector<16xi1>
    %jit3A_408 = arith.constant 0.000000e+00 : f32
    %broadcast_in_dim3A_409 = vector.broadcast %jit3A_408 : f32 to vector<16xf32>
    %select_n3A_410 = arith.select %and3A, %select_n3A_375, %broadcast_in_dim3A_409 : vector<16xi1>, vector<16xf32>
    %jit3A_411 = arith.constant 0.000000e+00 : f32
    %broadcast_in_dim3A_412 = vector.broadcast %jit3A_411 : f32 to vector<16xf32>
    %select_n3A_413 = arith.select %and3A_407, %select_n3A_375, %broadcast_in_dim3A_412 : vector<16xi1>, vector<16xf32>
    %jit3A_414 = arith.constant 0 : i32
    %broadcast_in_dim3A_415 = vector.broadcast %jit3A_414 : i32 to vector<16xi32>
    %select_n3A_416 = arith.select %and3A, %masked_sort3A_373, %broadcast_in_dim3A_415 : vector<16xi1>, vector<16xi32>
    %sub3A = arith.constant 8192 : i32
    %sub3A_417 = vector.broadcast %sub3A : i32 to vector<16xi32>
    %sub3A_418 = arith.subi %masked_sort3A_373, %sub3A_417 : vector<16xi32>
    %jit3A_419 = arith.constant 0 : i32
    %broadcast_in_dim3A_420 = vector.broadcast %jit3A_419 : i32 to vector<16xi32>
    %select_n3A_421 = arith.select %and3A_407, %sub3A_418, %broadcast_in_dim3A_420 : vector<16xi1>, vector<16xi32>
    %slice3A = vector.extract_strided_slice %select_n3A_416 {offsets = [0], sizes = [1], strides = [1]} : vector<16xi32> to vector<1xi32>
    %squeeze3A = vector.extract %slice3A[0] : i32 from vector<1xi32>
    %dma_start3A_422 = arith.constant 0 : i32
    %dma_start3A_423 = arith.constant 0 : i32
    %dma_start3A_424 = tpu.memref_slice %arg8[%dma_start3A_422, %dma_start3A_423] : memref<8x256xf32, #tpu.memory_space<vmem>> -> memref<1x256xf32, #tpu.memory_space<vmem>>
    %dma_start3A_425 = tpu.memref_squeeze %dma_start3A_424 : memref<1x256xf32, #tpu.memory_space<vmem>> -> memref<256xf32, #tpu.memory_space<vmem>>
    %dma_start3A_426 = arith.constant 0 : i32
    %dma_start3A_427 = tpu.memref_slice %arg3[%squeeze3A, %dma_start3A_426] : memref<8192x256xf32, #tpu.memory_space<hbm>> -> memref<1x256xf32, #tpu.memory_space<hbm>>
    %dma_start3A_428 = tpu.memref_squeeze %dma_start3A_427 : memref<1x256xf32, #tpu.memory_space<hbm>> -> memref<256xf32, #tpu.memory_space<hbm>>
    %dma_start3A_429 = arith.constant 0 : i32
    %dma_start3A_430 = tpu.memref_slice %arg8[%dma_start3A_422, %dma_start3A_429] : memref<8x256xf32, #tpu.memory_space<vmem>> -> memref<1x256xf32, #tpu.memory_space<vmem>>
    %dma_start3A_431 = tpu.memref_squeeze %dma_start3A_430 : memref<1x256xf32, #tpu.memory_space<vmem>> -> memref<256xf32, #tpu.memory_space<vmem>>
    %dma_start3A_432 = arith.constant 0 : i32
    %dma_start3A_433 = tpu.memref_slice %arg3[%squeeze3A, %dma_start3A_432] : memref<8192x256xf32, #tpu.memory_space<hbm>> -> memref<1x256xf32, #tpu.memory_space<hbm>>
    %dma_start3A_434 = tpu.memref_squeeze %dma_start3A_433 : memref<1x256xf32, #tpu.memory_space<hbm>> -> memref<256xf32, #tpu.memory_space<hbm>>
    tpu.enqueue_dma source(%dma_start3A_434 : memref<256xf32, #tpu.memory_space<hbm>>) target(%dma_start3A_431 : memref<256xf32, #tpu.memory_space<vmem>>) target_semaphore(%arg10 : memref<!tpu.dma_semaphore, #tpu.memory_space<semaphore_mem>>)
    %slice3A_435 = vector.extract_strided_slice %select_n3A_416 {offsets = [1], sizes = [1], strides = [1]} : vector<16xi32> to vector<1xi32>
    %squeeze3A_436 = vector.extract %slice3A_435[0] : i32 from vector<1xi32>
    %dma_start3A_437 = arith.constant 1 : i32
    %dma_start3A_438 = arith.constant 0 : i32
    %dma_start3A_439 = tpu.memref_slice %arg8[%dma_start3A_437, %dma_start3A_438] : memref<8x256xf32, #tpu.memory_space<vmem>> -> memref<1x256xf32, #tpu.memory_space<vmem>>
    %dma_start3A_440 = tpu.memref_squeeze %dma_start3A_439 : memref<1x256xf32, #tpu.memory_space<vmem>> -> memref<256xf32, #tpu.memory_space<vmem>>
    %dma_start3A_441 = arith.constant 0 : i32
    %dma_start3A_442 = tpu.memref_slice %arg3[%squeeze3A_436, %dma_start3A_441] : memref<8192x256xf32, #tpu.memory_space<hbm>> -> memref<1x256xf32, #tpu.memory_space<hbm>>
    %dma_start3A_443 = tpu.memref_squeeze %dma_start3A_442 : memref<1x256xf32, #tpu.memory_space<hbm>> -> memref<256xf32, #tpu.memory_space<hbm>>
    %dma_start3A_444 = arith.constant 0 : i32
    %dma_start3A_445 = tpu.memref_slice %arg8[%dma_start3A_437, %dma_start3A_444] : memref<8x256xf32, #tpu.memory_space<vmem>> -> memref<1x256xf32, #tpu.memory_space<vmem>>
    %dma_start3A_446 = tpu.memref_squeeze %dma_start3A_445 : memref<1x256xf32, #tpu.memory_space<vmem>> -> memref<256xf32, #tpu.memory_space<vmem>>
    %dma_start3A_447 = arith.constant 0 : i32
    %dma_start3A_448 = tpu.memref_slice %arg3[%squeeze3A_436, %dma_start3A_447] : memref<8192x256xf32, #tpu.memory_space<hbm>> -> memref<1x256xf32, #tpu.memory_space<hbm>>
    %dma_start3A_449 = tpu.memref_squeeze %dma_start3A_448 : memref<1x256xf32, #tpu.memory_space<hbm>> -> memref<256xf32, #tpu.memory_space<hbm>>
    tpu.enqueue_dma source(%dma_start3A_449 : memref<256xf32, #tpu.memory_space<hbm>>) target(%dma_start3A_446 : memref<256xf32, #tpu.memory_space<vmem>>) target_semaphore(%arg10 : memref<!tpu.dma_semaphore, #tpu.memory_space<semaphore_mem>>)
    %slice3A_450 = vector.extract_strided_slice %select_n3A_416 {offsets = [2], sizes = [1], strides = [1]} : vector<16xi32> to vector<1xi32>
    %squeeze3A_451 = vector.extract %slice3A_450[0] : i32 from vector<1xi32>
    %dma_start3A_452 = arith.constant 2 : i32
    %dma_start3A_453 = arith.constant 0 : i32
    %dma_start3A_454 = tpu.memref_slice %arg8[%dma_start3A_452, %dma_start3A_453] : memref<8x256xf32, #tpu.memory_space<vmem>> -> memref<1x256xf32, #tpu.memory_space<vmem>>
    %dma_start3A_455 = tpu.memref_squeeze %dma_start3A_454 : memref<1x256xf32, #tpu.memory_space<vmem>> -> memref<256xf32, #tpu.memory_space<vmem>>
    %dma_start3A_456 = arith.constant 0 : i32
    %dma_start3A_457 = tpu.memref_slice %arg3[%squeeze3A_451, %dma_start3A_456] : memref<8192x256xf32, #tpu.memory_space<hbm>> -> memref<1x256xf32, #tpu.memory_space<hbm>>
    %dma_start3A_458 = tpu.memref_squeeze %dma_start3A_457 : memref<1x256xf32, #tpu.memory_space<hbm>> -> memref<256xf32, #tpu.memory_space<hbm>>
    %dma_start3A_459 = arith.constant 0 : i32
    %dma_start3A_460 = tpu.memref_slice %arg8[%dma_start3A_452, %dma_start3A_459] : memref<8x256xf32, #tpu.memory_space<vmem>> -> memref<1x256xf32, #tpu.memory_space<vmem>>
    %dma_start3A_461 = tpu.memref_squeeze %dma_start3A_460 : memref<1x256xf32, #tpu.memory_space<vmem>> -> memref<256xf32, #tpu.memory_space<vmem>>
    %dma_start3A_462 = arith.constant 0 : i32
    %dma_start3A_463 = tpu.memref_slice %arg3[%squeeze3A_451, %dma_start3A_462] : memref<8192x256xf32, #tpu.memory_space<hbm>> -> memref<1x256xf32, #tpu.memory_space<hbm>>
    %dma_start3A_464 = tpu.memref_squeeze %dma_start3A_463 : memref<1x256xf32, #tpu.memory_space<hbm>> -> memref<256xf32, #tpu.memory_space<hbm>>
    tpu.enqueue_dma source(%dma_start3A_464 : memref<256xf32, #tpu.memory_space<hbm>>) target(%dma_start3A_461 : memref<256xf32, #tpu.memory_space<vmem>>) target_semaphore(%arg10 : memref<!tpu.dma_semaphore, #tpu.memory_space<semaphore_mem>>)
    %slice3A_465 = vector.extract_strided_slice %select_n3A_416 {offsets = [3], sizes = [1], strides = [1]} : vector<16xi32> to vector<1xi32>
    %squeeze3A_466 = vector.extract %slice3A_465[0] : i32 from vector<1xi32>
    %dma_start3A_467 = arith.constant 3 : i32
    %dma_start3A_468 = arith.constant 0 : i32
    %dma_start3A_469 = tpu.memref_slice %arg8[%dma_start3A_467, %dma_start3A_468] : memref<8x256xf32, #tpu.memory_space<vmem>> -> memref<1x256xf32, #tpu.memory_space<vmem>>
    %dma_start3A_470 = tpu.memref_squeeze %dma_start3A_469 : memref<1x256xf32, #tpu.memory_space<vmem>> -> memref<256xf32, #tpu.memory_space<vmem>>
    %dma_start3A_471 = arith.constant 0 : i32
    %dma_start3A_472 = tpu.memref_slice %arg3[%squeeze3A_466, %dma_start3A_471] : memref<8192x256xf32, #tpu.memory_space<hbm>> -> memref<1x256xf32, #tpu.memory_space<hbm>>
    %dma_start3A_473 = tpu.memref_squeeze %dma_start3A_472 : memref<1x256xf32, #tpu.memory_space<hbm>> -> memref<256xf32, #tpu.memory_space<hbm>>
    %dma_start3A_474 = arith.constant 0 : i32
    %dma_start3A_475 = tpu.memref_slice %arg8[%dma_start3A_467, %dma_start3A_474] : memref<8x256xf32, #tpu.memory_space<vmem>> -> memref<1x256xf32, #tpu.memory_space<vmem>>
    %dma_start3A_476 = tpu.memref_squeeze %dma_start3A_475 : memref<1x256xf32, #tpu.memory_space<vmem>> -> memref<256xf32, #tpu.memory_space<vmem>>
    %dma_start3A_477 = arith.constant 0 : i32
    %dma_start3A_478 = tpu.memref_slice %arg3[%squeeze3A_466, %dma_start3A_477] : memref<8192x256xf32, #tpu.memory_space<hbm>> -> memref<1x256xf32, #tpu.memory_space<hbm>>
    %dma_start3A_479 = tpu.memref_squeeze %dma_start3A_478 : memref<1x256xf32, #tpu.memory_space<hbm>> -> memref<256xf32, #tpu.memory_space<hbm>>
    tpu.enqueue_dma source(%dma_start3A_479 : memref<256xf32, #tpu.memory_space<hbm>>) target(%dma_start3A_476 : memref<256xf32, #tpu.memory_space<vmem>>) target_semaphore(%arg10 : memref<!tpu.dma_semaphore, #tpu.memory_space<semaphore_mem>>)
    %slice3A_480 = vector.extract_strided_slice %select_n3A_416 {offsets = [4], sizes = [1], strides = [1]} : vector<16xi32> to vector<1xi32>
    %squeeze3A_481 = vector.extract %slice3A_480[0] : i32 from vector<1xi32>
    %dma_start3A_482 = arith.constant 4 : i32
    %dma_start3A_483 = arith.constant 0 : i32
    %dma_start3A_484 = tpu.memref_slice %arg8[%dma_start3A_482, %dma_start3A_483] : memref<8x256xf32, #tpu.memory_space<vmem>> -> memref<1x256xf32, #tpu.memory_space<vmem>>
    %dma_start3A_485 = tpu.memref_squeeze %dma_start3A_484 : memref<1x256xf32, #tpu.memory_space<vmem>> -> memref<256xf32, #tpu.memory_space<vmem>>
    %dma_start3A_486 = arith.constant 0 : i32
    %dma_start3A_487 = tpu.memref_slice %arg3[%squeeze3A_481, %dma_start3A_486] : memref<8192x256xf32, #tpu.memory_space<hbm>> -> memref<1x256xf32, #tpu.memory_space<hbm>>
    %dma_start3A_488 = tpu.memref_squeeze %dma_start3A_487 : memref<1x256xf32, #tpu.memory_space<hbm>> -> memref<256xf32, #tpu.memory_space<hbm>>
    %dma_start3A_489 = arith.constant 0 : i32
    %dma_start3A_490 = tpu.memref_slice %arg8[%dma_start3A_482, %dma_start3A_489] : memref<8x256xf32, #tpu.memory_space<vmem>> -> memref<1x256xf32, #tpu.memory_space<vmem>>
    %dma_start3A_491 = tpu.memref_squeeze %dma_start3A_490 : memref<1x256xf32, #tpu.memory_space<vmem>> -> memref<256xf32, #tpu.memory_space<vmem>>
    %dma_start3A_492 = arith.constant 0 : i32
    %dma_start3A_493 = tpu.memref_slice %arg3[%squeeze3A_481, %dma_start3A_492] : memref<8192x256xf32, #tpu.memory_space<hbm>> -> memref<1x256xf32, #tpu.memory_space<hbm>>
    %dma_start3A_494 = tpu.memref_squeeze %dma_start3A_493 : memref<1x256xf32, #tpu.memory_space<hbm>> -> memref<256xf32, #tpu.memory_space<hbm>>
    tpu.enqueue_dma source(%dma_start3A_494 : memref<256xf32, #tpu.memory_space<hbm>>) target(%dma_start3A_491 : memref<256xf32, #tpu.memory_space<vmem>>) target_semaphore(%arg10 : memref<!tpu.dma_semaphore, #tpu.memory_space<semaphore_mem>>)
    %slice3A_495 = vector.extract_strided_slice %select_n3A_416 {offsets = [5], sizes = [1], strides = [1]} : vector<16xi32> to vector<1xi32>
    %squeeze3A_496 = vector.extract %slice3A_495[0] : i32 from vector<1xi32>
    %dma_start3A_497 = arith.constant 5 : i32
    %dma_start3A_498 = arith.constant 0 : i32
    %dma_start3A_499 = tpu.memref_slice %arg8[%dma_start3A_497, %dma_start3A_498] : memref<8x256xf32, #tpu.memory_space<vmem>> -> memref<1x256xf32, #tpu.memory_space<vmem>>
    %dma_start3A_500 = tpu.memref_squeeze %dma_start3A_499 : memref<1x256xf32, #tpu.memory_space<vmem>> -> memref<256xf32, #tpu.memory_space<vmem>>
    %dma_start3A_501 = arith.constant 0 : i32
    %dma_start3A_502 = tpu.memref_slice %arg3[%squeeze3A_496, %dma_start3A_501] : memref<8192x256xf32, #tpu.memory_space<hbm>> -> memref<1x256xf32, #tpu.memory_space<hbm>>
    %dma_start3A_503 = tpu.memref_squeeze %dma_start3A_502 : memref<1x256xf32, #tpu.memory_space<hbm>> -> memref<256xf32, #tpu.memory_space<hbm>>
    %dma_start3A_504 = arith.constant 0 : i32
    %dma_start3A_505 = tpu.memref_slice %arg8[%dma_start3A_497, %dma_start3A_504] : memref<8x256xf32, #tpu.memory_space<vmem>> -> memref<1x256xf32, #tpu.memory_space<vmem>>
    %dma_start3A_506 = tpu.memref_squeeze %dma_start3A_505 : memref<1x256xf32, #tpu.memory_space<vmem>> -> memref<256xf32, #tpu.memory_space<vmem>>
    %dma_start3A_507 = arith.constant 0 : i32
    %dma_start3A_508 = tpu.memref_slice %arg3[%squeeze3A_496, %dma_start3A_507] : memref<8192x256xf32, #tpu.memory_space<hbm>> -> memref<1x256xf32, #tpu.memory_space<hbm>>
    %dma_start3A_509 = tpu.memref_squeeze %dma_start3A_508 : memref<1x256xf32, #tpu.memory_space<hbm>> -> memref<256xf32, #tpu.memory_space<hbm>>
    tpu.enqueue_dma source(%dma_start3A_509 : memref<256xf32, #tpu.memory_space<hbm>>) target(%dma_start3A_506 : memref<256xf32, #tpu.memory_space<vmem>>) target_semaphore(%arg10 : memref<!tpu.dma_semaphore, #tpu.memory_space<semaphore_mem>>)
    %slice3A_510 = vector.extract_strided_slice %select_n3A_416 {offsets = [6], sizes = [1], strides = [1]} : vector<16xi32> to vector<1xi32>
    %squeeze3A_511 = vector.extract %slice3A_510[0] : i32 from vector<1xi32>
    %dma_start3A_512 = arith.constant 6 : i32
    %dma_start3A_513 = arith.constant 0 : i32
    %dma_start3A_514 = tpu.memref_slice %arg8[%dma_start3A_512, %dma_start3A_513] : memref<8x256xf32, #tpu.memory_space<vmem>> -> memref<1x256xf32, #tpu.memory_space<vmem>>
    %dma_start3A_515 = tpu.memref_squeeze %dma_start3A_514 : memref<1x256xf32, #tpu.memory_space<vmem>> -> memref<256xf32, #tpu.memory_space<vmem>>
    %dma_start3A_516 = arith.constant 0 : i32
    %dma_start3A_517 = tpu.memref_slice %arg3[%squeeze3A_511, %dma_start3A_516] : memref<8192x256xf32, #tpu.memory_space<hbm>> -> memref<1x256xf32, #tpu.memory_space<hbm>>
    %dma_start3A_518 = tpu.memref_squeeze %dma_start3A_517 : memref<1x256xf32, #tpu.memory_space<hbm>> -> memref<256xf32, #tpu.memory_space<hbm>>
    %dma_start3A_519 = arith.constant 0 : i32
    %dma_start3A_520 = tpu.memref_slice %arg8[%dma_start3A_512, %dma_start3A_519] : memref<8x256xf32, #tpu.memory_space<vmem>> -> memref<1x256xf32, #tpu.memory_space<vmem>>
    %dma_start3A_521 = tpu.memref_squeeze %dma_start3A_520 : memref<1x256xf32, #tpu.memory_space<vmem>> -> memref<256xf32, #tpu.memory_space<vmem>>
    %dma_start3A_522 = arith.constant 0 : i32
    %dma_start3A_523 = tpu.memref_slice %arg3[%squeeze3A_511, %dma_start3A_522] : memref<8192x256xf32, #tpu.memory_space<hbm>> -> memref<1x256xf32, #tpu.memory_space<hbm>>
    %dma_start3A_524 = tpu.memref_squeeze %dma_start3A_523 : memref<1x256xf32, #tpu.memory_space<hbm>> -> memref<256xf32, #tpu.memory_space<hbm>>
    tpu.enqueue_dma source(%dma_start3A_524 : memref<256xf32, #tpu.memory_space<hbm>>) target(%dma_start3A_521 : memref<256xf32, #tpu.memory_space<vmem>>) target_semaphore(%arg10 : memref<!tpu.dma_semaphore, #tpu.memory_space<semaphore_mem>>)
    %slice3A_525 = vector.extract_strided_slice %select_n3A_416 {offsets = [7], sizes = [1], strides = [1]} : vector<16xi32> to vector<1xi32>
    %squeeze3A_526 = vector.extract %slice3A_525[0] : i32 from vector<1xi32>
    %dma_start3A_527 = arith.constant 7 : i32
    %dma_start3A_528 = arith.constant 0 : i32
    %dma_start3A_529 = tpu.memref_slice %arg8[%dma_start3A_527, %dma_start3A_528] : memref<8x256xf32, #tpu.memory_space<vmem>> -> memref<1x256xf32, #tpu.memory_space<vmem>>
    %dma_start3A_530 = tpu.memref_squeeze %dma_start3A_529 : memref<1x256xf32, #tpu.memory_space<vmem>> -> memref<256xf32, #tpu.memory_space<vmem>>
    %dma_start3A_531 = arith.constant 0 : i32
    %dma_start3A_532 = tpu.memref_slice %arg3[%squeeze3A_526, %dma_start3A_531] : memref<8192x256xf32, #tpu.memory_space<hbm>> -> memref<1x256xf32, #tpu.memory_space<hbm>>
    %dma_start3A_533 = tpu.memref_squeeze %dma_start3A_532 : memref<1x256xf32, #tpu.memory_space<hbm>> -> memref<256xf32, #tpu.memory_space<hbm>>
    %dma_start3A_534 = arith.constant 0 : i32
    %dma_start3A_535 = tpu.memref_slice %arg8[%dma_start3A_527, %dma_start3A_534] : memref<8x256xf32, #tpu.memory_space<vmem>> -> memref<1x256xf32, #tpu.memory_space<vmem>>
    %dma_start3A_536 = tpu.memref_squeeze %dma_start3A_535 : memref<1x256xf32, #tpu.memory_space<vmem>> -> memref<256xf32, #tpu.memory_space<vmem>>
    %dma_start3A_537 = arith.constant 0 : i32
    %dma_start3A_538 = tpu.memref_slice %arg3[%squeeze3A_526, %dma_start3A_537] : memref<8192x256xf32, #tpu.memory_space<hbm>> -> memref<1x256xf32, #tpu.memory_space<hbm>>
    %dma_start3A_539 = tpu.memref_squeeze %dma_start3A_538 : memref<1x256xf32, #tpu.memory_space<hbm>> -> memref<256xf32, #tpu.memory_space<hbm>>
    tpu.enqueue_dma source(%dma_start3A_539 : memref<256xf32, #tpu.memory_space<hbm>>) target(%dma_start3A_536 : memref<256xf32, #tpu.memory_space<vmem>>) target_semaphore(%arg10 : memref<!tpu.dma_semaphore, #tpu.memory_space<semaphore_mem>>)
    %dma_wait3A = arith.constant 0 : i32
    %dma_wait3A_540 = tpu.memref_slice %arg4[%mul3A_4, %dma_wait3A] : memref<512x256xf32, #tpu.memory_space<hbm>> -> memref<16x256xf32, #tpu.memory_space<hbm>>
    %dma_wait3A_541 = arith.constant 0 : i32
    %dma_wait3A_542 = tpu.memref_slice %arg4[%mul3A_4, %dma_wait3A_541] : memref<512x256xf32, #tpu.memory_space<hbm>> -> memref<16x256xf32, #tpu.memory_space<hbm>>
    tpu.wait_dma2 semaphore(%arg11 : memref<!tpu.dma_semaphore, #tpu.memory_space<semaphore_mem>>) src(%dma_wait3A_542 : memref<16x256xf32, #tpu.memory_space<hbm>>) dst(%arg7 : memref<16x256xf32, #tpu.memory_space<vmem>>)
    %dma_wait3A_543 = arith.constant 0 : i32
    %dma_wait3A_544 = arith.constant 0 : i32
    %dma_wait3A_545 = tpu.memref_slice %arg8[%dma_wait3A_543, %dma_wait3A_544] : memref<8x256xf32, #tpu.memory_space<vmem>> -> memref<1x256xf32, #tpu.memory_space<vmem>>
    %dma_wait3A_546 = tpu.memref_squeeze %dma_wait3A_545 : memref<1x256xf32, #tpu.memory_space<vmem>> -> memref<256xf32, #tpu.memory_space<vmem>>
    %dma_wait3A_547 = arith.constant 0 : i32
    %dma_wait3A_548 = tpu.memref_slice %arg3[%squeeze3A, %dma_wait3A_547] : memref<8192x256xf32, #tpu.memory_space<hbm>> -> memref<1x256xf32, #tpu.memory_space<hbm>>
    %dma_wait3A_549 = tpu.memref_squeeze %dma_wait3A_548 : memref<1x256xf32, #tpu.memory_space<hbm>> -> memref<256xf32, #tpu.memory_space<hbm>>
    %dma_wait3A_550 = arith.constant 0 : i32
    %dma_wait3A_551 = tpu.memref_slice %arg8[%dma_wait3A_543, %dma_wait3A_550] : memref<8x256xf32, #tpu.memory_space<vmem>> -> memref<1x256xf32, #tpu.memory_space<vmem>>
    %dma_wait3A_552 = tpu.memref_squeeze %dma_wait3A_551 : memref<1x256xf32, #tpu.memory_space<vmem>> -> memref<256xf32, #tpu.memory_space<vmem>>
    %dma_wait3A_553 = arith.constant 0 : i32
    %dma_wait3A_554 = tpu.memref_slice %arg3[%squeeze3A, %dma_wait3A_553] : memref<8192x256xf32, #tpu.memory_space<hbm>> -> memref<1x256xf32, #tpu.memory_space<hbm>>
    %dma_wait3A_555 = tpu.memref_squeeze %dma_wait3A_554 : memref<1x256xf32, #tpu.memory_space<hbm>> -> memref<256xf32, #tpu.memory_space<hbm>>
    tpu.wait_dma2 semaphore(%arg10 : memref<!tpu.dma_semaphore, #tpu.memory_space<semaphore_mem>>) src(%dma_wait3A_555 : memref<256xf32, #tpu.memory_space<hbm>>) dst(%dma_wait3A_552 : memref<256xf32, #tpu.memory_space<vmem>>)
    %dma_wait3A_556 = arith.constant 1 : i32
    %dma_wait3A_557 = arith.constant 0 : i32
    %dma_wait3A_558 = tpu.memref_slice %arg8[%dma_wait3A_556, %dma_wait3A_557] : memref<8x256xf32, #tpu.memory_space<vmem>> -> memref<1x256xf32, #tpu.memory_space<vmem>>
    %dma_wait3A_559 = tpu.memref_squeeze %dma_wait3A_558 : memref<1x256xf32, #tpu.memory_space<vmem>> -> memref<256xf32, #tpu.memory_space<vmem>>
    %dma_wait3A_560 = arith.constant 0 : i32
    %dma_wait3A_561 = tpu.memref_slice %arg3[%squeeze3A_436, %dma_wait3A_560] : memref<8192x256xf32, #tpu.memory_space<hbm>> -> memref<1x256xf32, #tpu.memory_space<hbm>>
    %dma_wait3A_562 = tpu.memref_squeeze %dma_wait3A_561 : memref<1x256xf32, #tpu.memory_space<hbm>> -> memref<256xf32, #tpu.memory_space<hbm>>
    %dma_wait3A_563 = arith.constant 0 : i32
    %dma_wait3A_564 = tpu.memref_slice %arg8[%dma_wait3A_556, %dma_wait3A_563] : memref<8x256xf32, #tpu.memory_space<vmem>> -> memref<1x256xf32, #tpu.memory_space<vmem>>
    %dma_wait3A_565 = tpu.memref_squeeze %dma_wait3A_564 : memref<1x256xf32, #tpu.memory_space<vmem>> -> memref<256xf32, #tpu.memory_space<vmem>>
    %dma_wait3A_566 = arith.constant 0 : i32
    %dma_wait3A_567 = tpu.memref_slice %arg3[%squeeze3A_436, %dma_wait3A_566] : memref<8192x256xf32, #tpu.memory_space<hbm>> -> memref<1x256xf32, #tpu.memory_space<hbm>>
    %dma_wait3A_568 = tpu.memref_squeeze %dma_wait3A_567 : memref<1x256xf32, #tpu.memory_space<hbm>> -> memref<256xf32, #tpu.memory_space<hbm>>
    tpu.wait_dma2 semaphore(%arg10 : memref<!tpu.dma_semaphore, #tpu.memory_space<semaphore_mem>>) src(%dma_wait3A_568 : memref<256xf32, #tpu.memory_space<hbm>>) dst(%dma_wait3A_565 : memref<256xf32, #tpu.memory_space<vmem>>)
    %dma_wait3A_569 = arith.constant 2 : i32
    %dma_wait3A_570 = arith.constant 0 : i32
    %dma_wait3A_571 = tpu.memref_slice %arg8[%dma_wait3A_569, %dma_wait3A_570] : memref<8x256xf32, #tpu.memory_space<vmem>> -> memref<1x256xf32, #tpu.memory_space<vmem>>
    %dma_wait3A_572 = tpu.memref_squeeze %dma_wait3A_571 : memref<1x256xf32, #tpu.memory_space<vmem>> -> memref<256xf32, #tpu.memory_space<vmem>>
    %dma_wait3A_573 = arith.constant 0 : i32
    %dma_wait3A_574 = tpu.memref_slice %arg3[%squeeze3A_451, %dma_wait3A_573] : memref<8192x256xf32, #tpu.memory_space<hbm>> -> memref<1x256xf32, #tpu.memory_space<hbm>>
    %dma_wait3A_575 = tpu.memref_squeeze %dma_wait3A_574 : memref<1x256xf32, #tpu.memory_space<hbm>> -> memref<256xf32, #tpu.memory_space<hbm>>
    %dma_wait3A_576 = arith.constant 0 : i32
    %dma_wait3A_577 = tpu.memref_slice %arg8[%dma_wait3A_569, %dma_wait3A_576] : memref<8x256xf32, #tpu.memory_space<vmem>> -> memref<1x256xf32, #tpu.memory_space<vmem>>
    %dma_wait3A_578 = tpu.memref_squeeze %dma_wait3A_577 : memref<1x256xf32, #tpu.memory_space<vmem>> -> memref<256xf32, #tpu.memory_space<vmem>>
    %dma_wait3A_579 = arith.constant 0 : i32
    %dma_wait3A_580 = tpu.memref_slice %arg3[%squeeze3A_451, %dma_wait3A_579] : memref<8192x256xf32, #tpu.memory_space<hbm>> -> memref<1x256xf32, #tpu.memory_space<hbm>>
    %dma_wait3A_581 = tpu.memref_squeeze %dma_wait3A_580 : memref<1x256xf32, #tpu.memory_space<hbm>> -> memref<256xf32, #tpu.memory_space<hbm>>
    tpu.wait_dma2 semaphore(%arg10 : memref<!tpu.dma_semaphore, #tpu.memory_space<semaphore_mem>>) src(%dma_wait3A_581 : memref<256xf32, #tpu.memory_space<hbm>>) dst(%dma_wait3A_578 : memref<256xf32, #tpu.memory_space<vmem>>)
    %dma_wait3A_582 = arith.constant 3 : i32
    %dma_wait3A_583 = arith.constant 0 : i32
    %dma_wait3A_584 = tpu.memref_slice %arg8[%dma_wait3A_582, %dma_wait3A_583] : memref<8x256xf32, #tpu.memory_space<vmem>> -> memref<1x256xf32, #tpu.memory_space<vmem>>
    %dma_wait3A_585 = tpu.memref_squeeze %dma_wait3A_584 : memref<1x256xf32, #tpu.memory_space<vmem>> -> memref<256xf32, #tpu.memory_space<vmem>>
    %dma_wait3A_586 = arith.constant 0 : i32
    %dma_wait3A_587 = tpu.memref_slice %arg3[%squeeze3A_466, %dma_wait3A_586] : memref<8192x256xf32, #tpu.memory_space<hbm>> -> memref<1x256xf32, #tpu.memory_space<hbm>>
    %dma_wait3A_588 = tpu.memref_squeeze %dma_wait3A_587 : memref<1x256xf32, #tpu.memory_space<hbm>> -> memref<256xf32, #tpu.memory_space<hbm>>
    %dma_wait3A_589 = arith.constant 0 : i32
    %dma_wait3A_590 = tpu.memref_slice %arg8[%dma_wait3A_582, %dma_wait3A_589] : memref<8x256xf32, #tpu.memory_space<vmem>> -> memref<1x256xf32, #tpu.memory_space<vmem>>
    %dma_wait3A_591 = tpu.memref_squeeze %dma_wait3A_590 : memref<1x256xf32, #tpu.memory_space<vmem>> -> memref<256xf32, #tpu.memory_space<vmem>>
    %dma_wait3A_592 = arith.constant 0 : i32
    %dma_wait3A_593 = tpu.memref_slice %arg3[%squeeze3A_466, %dma_wait3A_592] : memref<8192x256xf32, #tpu.memory_space<hbm>> -> memref<1x256xf32, #tpu.memory_space<hbm>>
    %dma_wait3A_594 = tpu.memref_squeeze %dma_wait3A_593 : memref<1x256xf32, #tpu.memory_space<hbm>> -> memref<256xf32, #tpu.memory_space<hbm>>
    tpu.wait_dma2 semaphore(%arg10 : memref<!tpu.dma_semaphore, #tpu.memory_space<semaphore_mem>>) src(%dma_wait3A_594 : memref<256xf32, #tpu.memory_space<hbm>>) dst(%dma_wait3A_591 : memref<256xf32, #tpu.memory_space<vmem>>)
    %dma_wait3A_595 = arith.constant 4 : i32
    %dma_wait3A_596 = arith.constant 0 : i32
    %dma_wait3A_597 = tpu.memref_slice %arg8[%dma_wait3A_595, %dma_wait3A_596] : memref<8x256xf32, #tpu.memory_space<vmem>> -> memref<1x256xf32, #tpu.memory_space<vmem>>
    %dma_wait3A_598 = tpu.memref_squeeze %dma_wait3A_597 : memref<1x256xf32, #tpu.memory_space<vmem>> -> memref<256xf32, #tpu.memory_space<vmem>>
    %dma_wait3A_599 = arith.constant 0 : i32
    %dma_wait3A_600 = tpu.memref_slice %arg3[%squeeze3A_481, %dma_wait3A_599] : memref<8192x256xf32, #tpu.memory_space<hbm>> -> memref<1x256xf32, #tpu.memory_space<hbm>>
    %dma_wait3A_601 = tpu.memref_squeeze %dma_wait3A_600 : memref<1x256xf32, #tpu.memory_space<hbm>> -> memref<256xf32, #tpu.memory_space<hbm>>
    %dma_wait3A_602 = arith.constant 0 : i32
    %dma_wait3A_603 = tpu.memref_slice %arg8[%dma_wait3A_595, %dma_wait3A_602] : memref<8x256xf32, #tpu.memory_space<vmem>> -> memref<1x256xf32, #tpu.memory_space<vmem>>
    %dma_wait3A_604 = tpu.memref_squeeze %dma_wait3A_603 : memref<1x256xf32, #tpu.memory_space<vmem>> -> memref<256xf32, #tpu.memory_space<vmem>>
    %dma_wait3A_605 = arith.constant 0 : i32
    %dma_wait3A_606 = tpu.memref_slice %arg3[%squeeze3A_481, %dma_wait3A_605] : memref<8192x256xf32, #tpu.memory_space<hbm>> -> memref<1x256xf32, #tpu.memory_space<hbm>>
    %dma_wait3A_607 = tpu.memref_squeeze %dma_wait3A_606 : memref<1x256xf32, #tpu.memory_space<hbm>> -> memref<256xf32, #tpu.memory_space<hbm>>
    tpu.wait_dma2 semaphore(%arg10 : memref<!tpu.dma_semaphore, #tpu.memory_space<semaphore_mem>>) src(%dma_wait3A_607 : memref<256xf32, #tpu.memory_space<hbm>>) dst(%dma_wait3A_604 : memref<256xf32, #tpu.memory_space<vmem>>)
    %dma_wait3A_608 = arith.constant 5 : i32
    %dma_wait3A_609 = arith.constant 0 : i32
    %dma_wait3A_610 = tpu.memref_slice %arg8[%dma_wait3A_608, %dma_wait3A_609] : memref<8x256xf32, #tpu.memory_space<vmem>> -> memref<1x256xf32, #tpu.memory_space<vmem>>
    %dma_wait3A_611 = tpu.memref_squeeze %dma_wait3A_610 : memref<1x256xf32, #tpu.memory_space<vmem>> -> memref<256xf32, #tpu.memory_space<vmem>>
    %dma_wait3A_612 = arith.constant 0 : i32
    %dma_wait3A_613 = tpu.memref_slice %arg3[%squeeze3A_496, %dma_wait3A_612] : memref<8192x256xf32, #tpu.memory_space<hbm>> -> memref<1x256xf32, #tpu.memory_space<hbm>>
    %dma_wait3A_614 = tpu.memref_squeeze %dma_wait3A_613 : memref<1x256xf32, #tpu.memory_space<hbm>> -> memref<256xf32, #tpu.memory_space<hbm>>
    %dma_wait3A_615 = arith.constant 0 : i32
    %dma_wait3A_616 = tpu.memref_slice %arg8[%dma_wait3A_608, %dma_wait3A_615] : memref<8x256xf32, #tpu.memory_space<vmem>> -> memref<1x256xf32, #tpu.memory_space<vmem>>
    %dma_wait3A_617 = tpu.memref_squeeze %dma_wait3A_616 : memref<1x256xf32, #tpu.memory_space<vmem>> -> memref<256xf32, #tpu.memory_space<vmem>>
    %dma_wait3A_618 = arith.constant 0 : i32
    %dma_wait3A_619 = tpu.memref_slice %arg3[%squeeze3A_496, %dma_wait3A_618] : memref<8192x256xf32, #tpu.memory_space<hbm>> -> memref<1x256xf32, #tpu.memory_space<hbm>>
    %dma_wait3A_620 = tpu.memref_squeeze %dma_wait3A_619 : memref<1x256xf32, #tpu.memory_space<hbm>> -> memref<256xf32, #tpu.memory_space<hbm>>
    tpu.wait_dma2 semaphore(%arg10 : memref<!tpu.dma_semaphore, #tpu.memory_space<semaphore_mem>>) src(%dma_wait3A_620 : memref<256xf32, #tpu.memory_space<hbm>>) dst(%dma_wait3A_617 : memref<256xf32, #tpu.memory_space<vmem>>)
    %dma_wait3A_621 = arith.constant 6 : i32
    %dma_wait3A_622 = arith.constant 0 : i32
    %dma_wait3A_623 = tpu.memref_slice %arg8[%dma_wait3A_621, %dma_wait3A_622] : memref<8x256xf32, #tpu.memory_space<vmem>> -> memref<1x256xf32, #tpu.memory_space<vmem>>
    %dma_wait3A_624 = tpu.memref_squeeze %dma_wait3A_623 : memref<1x256xf32, #tpu.memory_space<vmem>> -> memref<256xf32, #tpu.memory_space<vmem>>
    %dma_wait3A_625 = arith.constant 0 : i32
    %dma_wait3A_626 = tpu.memref_slice %arg3[%squeeze3A_511, %dma_wait3A_625] : memref<8192x256xf32, #tpu.memory_space<hbm>> -> memref<1x256xf32, #tpu.memory_space<hbm>>
    %dma_wait3A_627 = tpu.memref_squeeze %dma_wait3A_626 : memref<1x256xf32, #tpu.memory_space<hbm>> -> memref<256xf32, #tpu.memory_space<hbm>>
    %dma_wait3A_628 = arith.constant 0 : i32
    %dma_wait3A_629 = tpu.memref_slice %arg8[%dma_wait3A_621, %dma_wait3A_628] : memref<8x256xf32, #tpu.memory_space<vmem>> -> memref<1x256xf32, #tpu.memory_space<vmem>>
    %dma_wait3A_630 = tpu.memref_squeeze %dma_wait3A_629 : memref<1x256xf32, #tpu.memory_space<vmem>> -> memref<256xf32, #tpu.memory_space<vmem>>
    %dma_wait3A_631 = arith.constant 0 : i32
    %dma_wait3A_632 = tpu.memref_slice %arg3[%squeeze3A_511, %dma_wait3A_631] : memref<8192x256xf32, #tpu.memory_space<hbm>> -> memref<1x256xf32, #tpu.memory_space<hbm>>
    %dma_wait3A_633 = tpu.memref_squeeze %dma_wait3A_632 : memref<1x256xf32, #tpu.memory_space<hbm>> -> memref<256xf32, #tpu.memory_space<hbm>>
    tpu.wait_dma2 semaphore(%arg10 : memref<!tpu.dma_semaphore, #tpu.memory_space<semaphore_mem>>) src(%dma_wait3A_633 : memref<256xf32, #tpu.memory_space<hbm>>) dst(%dma_wait3A_630 : memref<256xf32, #tpu.memory_space<vmem>>)
    %dma_wait3A_634 = arith.constant 7 : i32
    %dma_wait3A_635 = arith.constant 0 : i32
    %dma_wait3A_636 = tpu.memref_slice %arg8[%dma_wait3A_634, %dma_wait3A_635] : memref<8x256xf32, #tpu.memory_space<vmem>> -> memref<1x256xf32, #tpu.memory_space<vmem>>
    %dma_wait3A_637 = tpu.memref_squeeze %dma_wait3A_636 : memref<1x256xf32, #tpu.memory_space<vmem>> -> memref<256xf32, #tpu.memory_space<vmem>>
    %dma_wait3A_638 = arith.constant 0 : i32
    %dma_wait3A_639 = tpu.memref_slice %arg3[%squeeze3A_526, %dma_wait3A_638] : memref<8192x256xf32, #tpu.memory_space<hbm>> -> memref<1x256xf32, #tpu.memory_space<hbm>>
    %dma_wait3A_640 = tpu.memref_squeeze %dma_wait3A_639 : memref<1x256xf32, #tpu.memory_space<hbm>> -> memref<256xf32, #tpu.memory_space<hbm>>
    %dma_wait3A_641 = arith.constant 0 : i32
    %dma_wait3A_642 = tpu.memref_slice %arg8[%dma_wait3A_634, %dma_wait3A_641] : memref<8x256xf32, #tpu.memory_space<vmem>> -> memref<1x256xf32, #tpu.memory_space<vmem>>
    %dma_wait3A_643 = tpu.memref_squeeze %dma_wait3A_642 : memref<1x256xf32, #tpu.memory_space<vmem>> -> memref<256xf32, #tpu.memory_space<vmem>>
    %dma_wait3A_644 = arith.constant 0 : i32
    %dma_wait3A_645 = tpu.memref_slice %arg3[%squeeze3A_526, %dma_wait3A_644] : memref<8192x256xf32, #tpu.memory_space<hbm>> -> memref<1x256xf32, #tpu.memory_space<hbm>>
    %dma_wait3A_646 = tpu.memref_squeeze %dma_wait3A_645 : memref<1x256xf32, #tpu.memory_space<hbm>> -> memref<256xf32, #tpu.memory_space<hbm>>
    tpu.wait_dma2 semaphore(%arg10 : memref<!tpu.dma_semaphore, #tpu.memory_space<semaphore_mem>>) src(%dma_wait3A_646 : memref<256xf32, #tpu.memory_space<hbm>>) dst(%dma_wait3A_643 : memref<256xf32, #tpu.memory_space<vmem>>)
    %broadcast_in_dim3A_647 = arith.constant 0 : i32
    %broadcast_in_dim3A_648 = vector.broadcast %broadcast_in_dim3A_647 : i32 to vector<16xi32>
    %broadcast_in_dim3A_649 = vector.shape_cast %broadcast_in_dim3A_648 : vector<16xi32> to vector<16x1xi32>
    %gather3A_650 = vector.shape_cast %broadcast_in_dim3A_649 : vector<16x1xi32> to vector<16xi32>
    %gather3A_651 = tpu.dynamic_gather %select_n3A_410[%gather3A_650] in [0] : vector<16xf32>, vector<16xi32> -> vector<16xf32>
    %broadcast_in_dim3A_652 = arith.constant 1 : i32
    %broadcast_in_dim3A_653 = vector.broadcast %broadcast_in_dim3A_652 : i32 to vector<16xi32>
    %broadcast_in_dim3A_654 = vector.shape_cast %broadcast_in_dim3A_653 : vector<16xi32> to vector<16x1xi32>
    %gather3A_655 = vector.shape_cast %broadcast_in_dim3A_654 : vector<16x1xi32> to vector<16xi32>
    %gather3A_656 = tpu.dynamic_gather %select_n3A_410[%gather3A_655] in [0] : vector<16xf32>, vector<16xi32> -> vector<16xf32>
    %broadcast_in_dim3A_657 = arith.constant 2 : i32
    %broadcast_in_dim3A_658 = vector.broadcast %broadcast_in_dim3A_657 : i32 to vector<16xi32>
    %broadcast_in_dim3A_659 = vector.shape_cast %broadcast_in_dim3A_658 : vector<16xi32> to vector<16x1xi32>
    %gather3A_660 = vector.shape_cast %broadcast_in_dim3A_659 : vector<16x1xi32> to vector<16xi32>
    %gather3A_661 = tpu.dynamic_gather %select_n3A_410[%gather3A_660] in [0] : vector<16xf32>, vector<16xi32> -> vector<16xf32>
    %broadcast_in_dim3A_662 = arith.constant 3 : i32
    %broadcast_in_dim3A_663 = vector.broadcast %broadcast_in_dim3A_662 : i32 to vector<16xi32>
    %broadcast_in_dim3A_664 = vector.shape_cast %broadcast_in_dim3A_663 : vector<16xi32> to vector<16x1xi32>
    %gather3A_665 = vector.shape_cast %broadcast_in_dim3A_664 : vector<16x1xi32> to vector<16xi32>
    %gather3A_666 = tpu.dynamic_gather %select_n3A_410[%gather3A_665] in [0] : vector<16xf32>, vector<16xi32> -> vector<16xf32>
    %broadcast_in_dim3A_667 = arith.constant 4 : i32
    %broadcast_in_dim3A_668 = vector.broadcast %broadcast_in_dim3A_667 : i32 to vector<16xi32>
    %broadcast_in_dim3A_669 = vector.shape_cast %broadcast_in_dim3A_668 : vector<16xi32> to vector<16x1xi32>
    %gather3A_670 = vector.shape_cast %broadcast_in_dim3A_669 : vector<16x1xi32> to vector<16xi32>
    %gather3A_671 = tpu.dynamic_gather %select_n3A_410[%gather3A_670] in [0] : vector<16xf32>, vector<16xi32> -> vector<16xf32>
    %broadcast_in_dim3A_672 = arith.constant 5 : i32
    %broadcast_in_dim3A_673 = vector.broadcast %broadcast_in_dim3A_672 : i32 to vector<16xi32>
    %broadcast_in_dim3A_674 = vector.shape_cast %broadcast_in_dim3A_673 : vector<16xi32> to vector<16x1xi32>
    %gather3A_675 = vector.shape_cast %broadcast_in_dim3A_674 : vector<16x1xi32> to vector<16xi32>
    %gather3A_676 = tpu.dynamic_gather %select_n3A_410[%gather3A_675] in [0] : vector<16xf32>, vector<16xi32> -> vector<16xf32>
    %broadcast_in_dim3A_677 = arith.constant 6 : i32
    %broadcast_in_dim3A_678 = vector.broadcast %broadcast_in_dim3A_677 : i32 to vector<16xi32>
    %broadcast_in_dim3A_679 = vector.shape_cast %broadcast_in_dim3A_678 : vector<16xi32> to vector<16x1xi32>
    %gather3A_680 = vector.shape_cast %broadcast_in_dim3A_679 : vector<16x1xi32> to vector<16xi32>
    %gather3A_681 = tpu.dynamic_gather %select_n3A_410[%gather3A_680] in [0] : vector<16xf32>, vector<16xi32> -> vector<16xf32>
    %broadcast_in_dim3A_682 = arith.constant 7 : i32
    %broadcast_in_dim3A_683 = vector.broadcast %broadcast_in_dim3A_682 : i32 to vector<16xi32>
    %broadcast_in_dim3A_684 = vector.shape_cast %broadcast_in_dim3A_683 : vector<16xi32> to vector<16x1xi32>
    %gather3A_685 = vector.shape_cast %broadcast_in_dim3A_684 : vector<16x1xi32> to vector<16xi32>
    %gather3A_686 = tpu.dynamic_gather %select_n3A_410[%gather3A_685] in [0] : vector<16xf32>, vector<16xi32> -> vector<16xf32>
    %broadcast_in_dim3A_687 = arith.constant 0 : i32
    %broadcast_in_dim3A_688 = vector.broadcast %broadcast_in_dim3A_687 : i32 to vector<16xi32>
    %broadcast_in_dim3A_689 = vector.shape_cast %broadcast_in_dim3A_688 : vector<16xi32> to vector<16x1xi32>
    %gather3A_690 = vector.shape_cast %broadcast_in_dim3A_689 : vector<16x1xi32> to vector<16xi32>
    %gather3A_691 = tpu.dynamic_gather %select_n3A_413[%gather3A_690] in [0] : vector<16xf32>, vector<16xi32> -> vector<16xf32>
    %broadcast_in_dim3A_692 = arith.constant 1 : i32
    %broadcast_in_dim3A_693 = vector.broadcast %broadcast_in_dim3A_692 : i32 to vector<16xi32>
    %broadcast_in_dim3A_694 = vector.shape_cast %broadcast_in_dim3A_693 : vector<16xi32> to vector<16x1xi32>
    %gather3A_695 = vector.shape_cast %broadcast_in_dim3A_694 : vector<16x1xi32> to vector<16xi32>
    %gather3A_696 = tpu.dynamic_gather %select_n3A_413[%gather3A_695] in [0] : vector<16xf32>, vector<16xi32> -> vector<16xf32>
    %broadcast_in_dim3A_697 = arith.constant 2 : i32
    %broadcast_in_dim3A_698 = vector.broadcast %broadcast_in_dim3A_697 : i32 to vector<16xi32>
    %broadcast_in_dim3A_699 = vector.shape_cast %broadcast_in_dim3A_698 : vector<16xi32> to vector<16x1xi32>
    %gather3A_700 = vector.shape_cast %broadcast_in_dim3A_699 : vector<16x1xi32> to vector<16xi32>
    %gather3A_701 = tpu.dynamic_gather %select_n3A_413[%gather3A_700] in [0] : vector<16xf32>, vector<16xi32> -> vector<16xf32>
    %broadcast_in_dim3A_702 = arith.constant 3 : i32
    %broadcast_in_dim3A_703 = vector.broadcast %broadcast_in_dim3A_702 : i32 to vector<16xi32>
    %broadcast_in_dim3A_704 = vector.shape_cast %broadcast_in_dim3A_703 : vector<16xi32> to vector<16x1xi32>
    %gather3A_705 = vector.shape_cast %broadcast_in_dim3A_704 : vector<16x1xi32> to vector<16xi32>
    %gather3A_706 = tpu.dynamic_gather %select_n3A_413[%gather3A_705] in [0] : vector<16xf32>, vector<16xi32> -> vector<16xf32>
    %broadcast_in_dim3A_707 = arith.constant 4 : i32
    %broadcast_in_dim3A_708 = vector.broadcast %broadcast_in_dim3A_707 : i32 to vector<16xi32>
    %broadcast_in_dim3A_709 = vector.shape_cast %broadcast_in_dim3A_708 : vector<16xi32> to vector<16x1xi32>
    %gather3A_710 = vector.shape_cast %broadcast_in_dim3A_709 : vector<16x1xi32> to vector<16xi32>
    %gather3A_711 = tpu.dynamic_gather %select_n3A_413[%gather3A_710] in [0] : vector<16xf32>, vector<16xi32> -> vector<16xf32>
    %broadcast_in_dim3A_712 = arith.constant 5 : i32
    %broadcast_in_dim3A_713 = vector.broadcast %broadcast_in_dim3A_712 : i32 to vector<16xi32>
    %broadcast_in_dim3A_714 = vector.shape_cast %broadcast_in_dim3A_713 : vector<16xi32> to vector<16x1xi32>
    %gather3A_715 = vector.shape_cast %broadcast_in_dim3A_714 : vector<16x1xi32> to vector<16xi32>
    %gather3A_716 = tpu.dynamic_gather %select_n3A_413[%gather3A_715] in [0] : vector<16xf32>, vector<16xi32> -> vector<16xf32>
    %broadcast_in_dim3A_717 = arith.constant 6 : i32
    %broadcast_in_dim3A_718 = vector.broadcast %broadcast_in_dim3A_717 : i32 to vector<16xi32>
    %broadcast_in_dim3A_719 = vector.shape_cast %broadcast_in_dim3A_718 : vector<16xi32> to vector<16x1xi32>
    %gather3A_720 = vector.shape_cast %broadcast_in_dim3A_719 : vector<16x1xi32> to vector<16xi32>
    %gather3A_721 = tpu.dynamic_gather %select_n3A_413[%gather3A_720] in [0] : vector<16xf32>, vector<16xi32> -> vector<16xf32>
    %broadcast_in_dim3A_722 = arith.constant 7 : i32
    %broadcast_in_dim3A_723 = vector.broadcast %broadcast_in_dim3A_722 : i32 to vector<16xi32>
    %broadcast_in_dim3A_724 = vector.shape_cast %broadcast_in_dim3A_723 : vector<16xi32> to vector<16x1xi32>
    %gather3A_725 = vector.shape_cast %broadcast_in_dim3A_724 : vector<16x1xi32> to vector<16xi32>
    %gather3A_726 = tpu.dynamic_gather %select_n3A_413[%gather3A_725] in [0] : vector<16xf32>, vector<16xi32> -> vector<16xf32>
    %slice3A_727 = vector.extract_strided_slice %select_n3A_421 {offsets = [0], sizes = [1], strides = [1]} : vector<16xi32> to vector<1xi32>
    %squeeze3A_728 = vector.extract %slice3A_727[0] : i32 from vector<1xi32>
    %slice3A_729 = vector.extract_strided_slice %select_n3A_421 {offsets = [1], sizes = [1], strides = [1]} : vector<16xi32> to vector<1xi32>
    %squeeze3A_730 = vector.extract %slice3A_729[0] : i32 from vector<1xi32>
    %slice3A_731 = vector.extract_strided_slice %select_n3A_421 {offsets = [2], sizes = [1], strides = [1]} : vector<16xi32> to vector<1xi32>
    %squeeze3A_732 = vector.extract %slice3A_731[0] : i32 from vector<1xi32>
    %slice3A_733 = vector.extract_strided_slice %select_n3A_421 {offsets = [3], sizes = [1], strides = [1]} : vector<16xi32> to vector<1xi32>
    %squeeze3A_734 = vector.extract %slice3A_733[0] : i32 from vector<1xi32>
    %slice3A_735 = vector.extract_strided_slice %select_n3A_421 {offsets = [4], sizes = [1], strides = [1]} : vector<16xi32> to vector<1xi32>
    %squeeze3A_736 = vector.extract %slice3A_735[0] : i32 from vector<1xi32>
    %slice3A_737 = vector.extract_strided_slice %select_n3A_421 {offsets = [5], sizes = [1], strides = [1]} : vector<16xi32> to vector<1xi32>
    %squeeze3A_738 = vector.extract %slice3A_737[0] : i32 from vector<1xi32>
    %slice3A_739 = vector.extract_strided_slice %select_n3A_421 {offsets = [6], sizes = [1], strides = [1]} : vector<16xi32> to vector<1xi32>
    %squeeze3A_740 = vector.extract %slice3A_739[0] : i32 from vector<1xi32>
    %slice3A_741 = vector.extract_strided_slice %select_n3A_421 {offsets = [7], sizes = [1], strides = [1]} : vector<16xi32> to vector<1xi32>
    %squeeze3A_742 = vector.extract %slice3A_741[0] : i32 from vector<1xi32>
    %broadcast_in_dim3A_743 = arith.constant 0.000000e+00 : f32
    %broadcast_in_dim3A_744 = vector.broadcast %broadcast_in_dim3A_743 : f32 to vector<16xf32>
    %get3A_745 = arith.constant 0 : i32
    %get3A_746 = arith.index_cast %get3A_745 : i32 to index
    %get3A_747 = arith.constant 0 : index
    %get3A_748 = tpu.vector_load %arg8[%get3A_746, %get3A_747] {strides = array<i32>} : memref<8x256xf32, #tpu.memory_space<vmem>>, vector<16xf32>,
    %mul3A_749 = arith.mulf %gather3A_651, %get3A_748 : vector<16xf32>
    %add3A_750 = arith.addf %broadcast_in_dim3A_744, %mul3A_749 : vector<16xf32>
    %get3A_751 = arith.index_cast %squeeze3A_728 : i32 to index
    %get3A_752 = arith.constant 0 : index
    %get3A_753 = tpu.vector_load %arg7[%get3A_751, %get3A_752] {strides = array<i32>} : memref<16x256xf32, #tpu.memory_space<vmem>>, vector<16xf32>,
    %mul3A_754 = arith.mulf %gather3A_691, %get3A_753 : vector<16xf32>
    %add3A_755 = arith.addf %add3A_750, %mul3A_754 : vector<16xf32>
    %get3A_756 = arith.constant 1 : i32
    %get3A_757 = arith.index_cast %get3A_756 : i32 to index
    %get3A_758 = arith.constant 0 : index
    %get3A_759 = tpu.vector_load %arg8[%get3A_757, %get3A_758] {strides = array<i32>} : memref<8x256xf32, #tpu.memory_space<vmem>>, vector<16xf32>,
    %mul3A_760 = arith.mulf %gather3A_656, %get3A_759 : vector<16xf32>
    %add3A_761 = arith.addf %add3A_755, %mul3A_760 : vector<16xf32>
    %get3A_762 = arith.index_cast %squeeze3A_730 : i32 to index
    %get3A_763 = arith.constant 0 : index
    %get3A_764 = tpu.vector_load %arg7[%get3A_762, %get3A_763] {strides = array<i32>} : memref<16x256xf32, #tpu.memory_space<vmem>>, vector<16xf32>,
    %mul3A_765 = arith.mulf %gather3A_696, %get3A_764 : vector<16xf32>
    %add3A_766 = arith.addf %add3A_761, %mul3A_765 : vector<16xf32>
    %get3A_767 = arith.constant 2 : i32
    %get3A_768 = arith.index_cast %get3A_767 : i32 to index
    %get3A_769 = arith.constant 0 : index
    %get3A_770 = tpu.vector_load %arg8[%get3A_768, %get3A_769] {strides = array<i32>} : memref<8x256xf32, #tpu.memory_space<vmem>>, vector<16xf32>,
    %mul3A_771 = arith.mulf %gather3A_661, %get3A_770 : vector<16xf32>
    %add3A_772 = arith.addf %add3A_766, %mul3A_771 : vector<16xf32>
    %get3A_773 = arith.index_cast %squeeze3A_732 : i32 to index
    %get3A_774 = arith.constant 0 : index
    %get3A_775 = tpu.vector_load %arg7[%get3A_773, %get3A_774] {strides = array<i32>} : memref<16x256xf32, #tpu.memory_space<vmem>>, vector<16xf32>,
    %mul3A_776 = arith.mulf %gather3A_701, %get3A_775 : vector<16xf32>
    %add3A_777 = arith.addf %add3A_772, %mul3A_776 : vector<16xf32>
    %get3A_778 = arith.constant 3 : i32
    %get3A_779 = arith.index_cast %get3A_778 : i32 to index
    %get3A_780 = arith.constant 0 : index
    %get3A_781 = tpu.vector_load %arg8[%get3A_779, %get3A_780] {strides = array<i32>} : memref<8x256xf32, #tpu.memory_space<vmem>>, vector<16xf32>,
    %mul3A_782 = arith.mulf %gather3A_666, %get3A_781 : vector<16xf32>
    %add3A_783 = arith.addf %add3A_777, %mul3A_782 : vector<16xf32>
    %get3A_784 = arith.index_cast %squeeze3A_734 : i32 to index
    %get3A_785 = arith.constant 0 : index
    %get3A_786 = tpu.vector_load %arg7[%get3A_784, %get3A_785] {strides = array<i32>} : memref<16x256xf32, #tpu.memory_space<vmem>>, vector<16xf32>,
    %mul3A_787 = arith.mulf %gather3A_706, %get3A_786 : vector<16xf32>
    %add3A_788 = arith.addf %add3A_783, %mul3A_787 : vector<16xf32>
    %get3A_789 = arith.constant 4 : i32
    %get3A_790 = arith.index_cast %get3A_789 : i32 to index
    %get3A_791 = arith.constant 0 : index
    %get3A_792 = tpu.vector_load %arg8[%get3A_790, %get3A_791] {strides = array<i32>} : memref<8x256xf32, #tpu.memory_space<vmem>>, vector<16xf32>,
    %mul3A_793 = arith.mulf %gather3A_671, %get3A_792 : vector<16xf32>
    %add3A_794 = arith.addf %add3A_788, %mul3A_793 : vector<16xf32>
    %get3A_795 = arith.index_cast %squeeze3A_736 : i32 to index
    %get3A_796 = arith.constant 0 : index
    %get3A_797 = tpu.vector_load %arg7[%get3A_795, %get3A_796] {strides = array<i32>} : memref<16x256xf32, #tpu.memory_space<vmem>>, vector<16xf32>,
    %mul3A_798 = arith.mulf %gather3A_711, %get3A_797 : vector<16xf32>
    %add3A_799 = arith.addf %add3A_794, %mul3A_798 : vector<16xf32>
    %get3A_800 = arith.constant 5 : i32
    %get3A_801 = arith.index_cast %get3A_800 : i32 to index
    %get3A_802 = arith.constant 0 : index
    %get3A_803 = tpu.vector_load %arg8[%get3A_801, %get3A_802] {strides = array<i32>} : memref<8x256xf32, #tpu.memory_space<vmem>>, vector<16xf32>,
    %mul3A_804 = arith.mulf %gather3A_676, %get3A_803 : vector<16xf32>
    %add3A_805 = arith.addf %add3A_799, %mul3A_804 : vector<16xf32>
    %get3A_806 = arith.index_cast %squeeze3A_738 : i32 to index
    %get3A_807 = arith.constant 0 : index
    %get3A_808 = tpu.vector_load %arg7[%get3A_806, %get3A_807] {strides = array<i32>} : memref<16x256xf32, #tpu.memory_space<vmem>>, vector<16xf32>,
    %mul3A_809 = arith.mulf %gather3A_716, %get3A_808 : vector<16xf32>
    %add3A_810 = arith.addf %add3A_805, %mul3A_809 : vector<16xf32>
    %get3A_811 = arith.constant 6 : i32
    %get3A_812 = arith.index_cast %get3A_811 : i32 to index
    %get3A_813 = arith.constant 0 : index
    %get3A_814 = tpu.vector_load %arg8[%get3A_812, %get3A_813] {strides = array<i32>} : memref<8x256xf32, #tpu.memory_space<vmem>>, vector<16xf32>,
    %mul3A_815 = arith.mulf %gather3A_681, %get3A_814 : vector<16xf32>
    %add3A_816 = arith.addf %add3A_810, %mul3A_815 : vector<16xf32>
    %get3A_817 = arith.index_cast %squeeze3A_740 : i32 to index
    %get3A_818 = arith.constant 0 : index
    %get3A_819 = tpu.vector_load %arg7[%get3A_817, %get3A_818] {strides = array<i32>} : memref<16x256xf32, #tpu.memory_space<vmem>>, vector<16xf32>,
    %mul3A_820 = arith.mulf %gather3A_721, %get3A_819 : vector<16xf32>
    %add3A_821 = arith.addf %add3A_816, %mul3A_820 : vector<16xf32>
    %get3A_822 = arith.constant 7 : i32
    %get3A_823 = arith.index_cast %get3A_822 : i32 to index
    %get3A_824 = arith.constant 0 : index
    %get3A_825 = tpu.vector_load %arg8[%get3A_823, %get3A_824] {strides = array<i32>} : memref<8x256xf32, #tpu.memory_space<vmem>>, vector<16xf32>,
    %mul3A_826 = arith.mulf %gather3A_686, %get3A_825 : vector<16xf32>
    %add3A_827 = arith.addf %add3A_821, %mul3A_826 : vector<16xf32>
    %get3A_828 = arith.index_cast %squeeze3A_742 : i32 to index
    %get3A_829 = arith.constant 0 : index
    %get3A_830 = tpu.vector_load %arg7[%get3A_828, %get3A_829] {strides = array<i32>} : memref<16x256xf32, #tpu.memory_space<vmem>>, vector<16xf32>,
    %mul3A_831 = arith.mulf %gather3A_726, %get3A_830 : vector<16xf32>
    %add3A_832 = arith.addf %add3A_827, %mul3A_831 : vector<16xf32>
    %div3A = arith.divf %add3A_832, %add3A_401 : vector<16xf32>
    %swap3A = arith.constant 0 : index
    %swap3A_833 = tpu.vector_load %arg9[%swap3A] {strides = array<i32>} : memref<256xf32, #tpu.memory_space<vmem>>, vector<16xf32>,
    tpu.vector_store %arg9[%swap3A], %div3A {strides = array<i32>} : memref<256xf32, #tpu.memory_space<vmem>>, vector<16xf32>,
    %broadcast_in_dim3A_834 = arith.constant 0.000000e+00 : f32
    %broadcast_in_dim3A_835 = vector.broadcast %broadcast_in_dim3A_834 : f32 to vector<16xf32>
    %get3A_836 = arith.constant 0 : i32
    %get3A_837 = arith.index_cast %get3A_836 : i32 to index
    %get3A_838 = arith.constant 16 : index
    %get3A_839 = tpu.vector_load %arg8[%get3A_837, %get3A_838] {strides = array<i32>} : memref<8x256xf32, #tpu.memory_space<vmem>>, vector<16xf32>,
    %mul3A_840 = arith.mulf %gather3A_651, %get3A_839 : vector<16xf32>
    %add3A_841 = arith.addf %broadcast_in_dim3A_835, %mul3A_840 : vector<16xf32>
    %get3A_842 = arith.index_cast %squeeze3A_728 : i32 to index
    %get3A_843 = arith.constant 16 : index
    %get3A_844 = tpu.vector_load %arg7[%get3A_842, %get3A_843] {strides = array<i32>} : memref<16x256xf32, #tpu.memory_space<vmem>>, vector<16xf32>,
    %mul3A_845 = arith.mulf %gather3A_691, %get3A_844 : vector<16xf32>
    %add3A_846 = arith.addf %add3A_841, %mul3A_845 : vector<16xf32>
    %get3A_847 = arith.constant 1 : i32
    %get3A_848 = arith.index_cast %get3A_847 : i32 to index
    %get3A_849 = arith.constant 16 : index
    %get3A_850 = tpu.vector_load %arg8[%get3A_848, %get3A_849] {strides = array<i32>} : memref<8x256xf32, #tpu.memory_space<vmem>>, vector<16xf32>,
    %mul3A_851 = arith.mulf %gather3A_656, %get3A_850 : vector<16xf32>
    %add3A_852 = arith.addf %add3A_846, %mul3A_851 : vector<16xf32>
    %get3A_853 = arith.index_cast %squeeze3A_730 : i32 to index
    %get3A_854 = arith.constant 16 : index
    %get3A_855 = tpu.vector_load %arg7[%get3A_853, %get3A_854] {strides = array<i32>} : memref<16x256xf32, #tpu.memory_space<vmem>>, vector<16xf32>,
    %mul3A_856 = arith.mulf %gather3A_696, %get3A_855 : vector<16xf32>
    %add3A_857 = arith.addf %add3A_852, %mul3A_856 : vector<16xf32>
    %get3A_858 = arith.constant 2 : i32
    %get3A_859 = arith.index_cast %get3A_858 : i32 to index
    %get3A_860 = arith.constant 16 : index
    %get3A_861 = tpu.vector_load %arg8[%get3A_859, %get3A_860] {strides = array<i32>} : memref<8x256xf32, #tpu.memory_space<vmem>>, vector<16xf32>,
    %mul3A_862 = arith.mulf %gather3A_661, %get3A_861 : vector<16xf32>
    %add3A_863 = arith.addf %add3A_857, %mul3A_862 : vector<16xf32>
    %get3A_864 = arith.index_cast %squeeze3A_732 : i32 to index
    %get3A_865 = arith.constant 16 : index
    %get3A_866 = tpu.vector_load %arg7[%get3A_864, %get3A_865] {strides = array<i32>} : memref<16x256xf32, #tpu.memory_space<vmem>>, vector<16xf32>,
    %mul3A_867 = arith.mulf %gather3A_701, %get3A_866 : vector<16xf32>
    %add3A_868 = arith.addf %add3A_863, %mul3A_867 : vector<16xf32>
    %get3A_869 = arith.constant 3 : i32
    %get3A_870 = arith.index_cast %get3A_869 : i32 to index
    %get3A_871 = arith.constant 16 : index
    %get3A_872 = tpu.vector_load %arg8[%get3A_870, %get3A_871] {strides = array<i32>} : memref<8x256xf32, #tpu.memory_space<vmem>>, vector<16xf32>,
    %mul3A_873 = arith.mulf %gather3A_666, %get3A_872 : vector<16xf32>
    %add3A_874 = arith.addf %add3A_868, %mul3A_873 : vector<16xf32>
    %get3A_875 = arith.index_cast %squeeze3A_734 : i32 to index
    %get3A_876 = arith.constant 16 : index
    %get3A_877 = tpu.vector_load %arg7[%get3A_875, %get3A_876] {strides = array<i32>} : memref<16x256xf32, #tpu.memory_space<vmem>>, vector<16xf32>,
    %mul3A_878 = arith.mulf %gather3A_706, %get3A_877 : vector<16xf32>
    %add3A_879 = arith.addf %add3A_874, %mul3A_878 : vector<16xf32>
    %get3A_880 = arith.constant 4 : i32
    %get3A_881 = arith.index_cast %get3A_880 : i32 to index
    %get3A_882 = arith.constant 16 : index
    %get3A_883 = tpu.vector_load %arg8[%get3A_881, %get3A_882] {strides = array<i32>} : memref<8x256xf32, #tpu.memory_space<vmem>>, vector<16xf32>,
    %mul3A_884 = arith.mulf %gather3A_671, %get3A_883 : vector<16xf32>
    %add3A_885 = arith.addf %add3A_879, %mul3A_884 : vector<16xf32>
    %get3A_886 = arith.index_cast %squeeze3A_736 : i32 to index
    %get3A_887 = arith.constant 16 : index
    %get3A_888 = tpu.vector_load %arg7[%get3A_886, %get3A_887] {strides = array<i32>} : memref<16x256xf32, #tpu.memory_space<vmem>>, vector<16xf32>,
    %mul3A_889 = arith.mulf %gather3A_711, %get3A_888 : vector<16xf32>
    %add3A_890 = arith.addf %add3A_885, %mul3A_889 : vector<16xf32>
    %get3A_891 = arith.constant 5 : i32
    %get3A_892 = arith.index_cast %get3A_891 : i32 to index
    %get3A_893 = arith.constant 16 : index
    %get3A_894 = tpu.vector_load %arg8[%get3A_892, %get3A_893] {strides = array<i32>} : memref<8x256xf32, #tpu.memory_space<vmem>>, vector<16xf32>,
    %mul3A_895 = arith.mulf %gather3A_676, %get3A_894 : vector<16xf32>
    %add3A_896 = arith.addf %add3A_890, %mul3A_895 : vector<16xf32>
    %get3A_897 = arith.index_cast %squeeze3A_738 : i32 to index
    %get3A_898 = arith.constant 16 : index
    %get3A_899 = tpu.vector_load %arg7[%get3A_897, %get3A_898] {strides = array<i32>} : memref<16x256xf32, #tpu.memory_space<vmem>>, vector<16xf32>,
    %mul3A_900 = arith.mulf %gather3A_716, %get3A_899 : vector<16xf32>
    %add3A_901 = arith.addf %add3A_896, %mul3A_900 : vector<16xf32>
    %get3A_902 = arith.constant 6 : i32
    %get3A_903 = arith.index_cast %get3A_902 : i32 to index
    %get3A_904 = arith.constant 16 : index
    %get3A_905 = tpu.vector_load %arg8[%get3A_903, %get3A_904] {strides = array<i32>} : memref<8x256xf32, #tpu.memory_space<vmem>>, vector<16xf32>,
    %mul3A_906 = arith.mulf %gather3A_681, %get3A_905 : vector<16xf32>
    %add3A_907 = arith.addf %add3A_901, %mul3A_906 : vector<16xf32>
    %get3A_908 = arith.index_cast %squeeze3A_740 : i32 to index
    %get3A_909 = arith.constant 16 : index
    %get3A_910 = tpu.vector_load %arg7[%get3A_908, %get3A_909] {strides = array<i32>} : memref<16x256xf32, #tpu.memory_space<vmem>>, vector<16xf32>,
    %mul3A_911 = arith.mulf %gather3A_721, %get3A_910 : vector<16xf32>
    %add3A_912 = arith.addf %add3A_907, %mul3A_911 : vector<16xf32>
    %get3A_913 = arith.constant 7 : i32
    %get3A_914 = arith.index_cast %get3A_913 : i32 to index
    %get3A_915 = arith.constant 16 : index
    %get3A_916 = tpu.vector_load %arg8[%get3A_914, %get3A_915] {strides = array<i32>} : memref<8x256xf32, #tpu.memory_space<vmem>>, vector<16xf32>,
    %mul3A_917 = arith.mulf %gather3A_686, %get3A_916 : vector<16xf32>
    %add3A_918 = arith.addf %add3A_912, %mul3A_917 : vector<16xf32>
    %get3A_919 = arith.index_cast %squeeze3A_742 : i32 to index
    %get3A_920 = arith.constant 16 : index
    %get3A_921 = tpu.vector_load %arg7[%get3A_919, %get3A_920] {strides = array<i32>} : memref<16x256xf32, #tpu.memory_space<vmem>>, vector<16xf32>,
    %mul3A_922 = arith.mulf %gather3A_726, %get3A_921 : vector<16xf32>
    %add3A_923 = arith.addf %add3A_918, %mul3A_922 : vector<16xf32>
    %div3A_924 = arith.divf %add3A_923, %add3A_401 : vector<16xf32>
    %swap3A_925 = arith.constant 16 : index
    %swap3A_926 = tpu.vector_load %arg9[%swap3A_925] {strides = array<i32>} : memref<256xf32, #tpu.memory_space<vmem>>, vector<16xf32>,
    tpu.vector_store %arg9[%swap3A_925], %div3A_924 {strides = array<i32>} : memref<256xf32, #tpu.memory_space<vmem>>, vector<16xf32>,
    %broadcast_in_dim3A_927 = arith.constant 0.000000e+00 : f32
    %broadcast_in_dim3A_928 = vector.broadcast %broadcast_in_dim3A_927 : f32 to vector<16xf32>
    %get3A_929 = arith.constant 0 : i32
    %get3A_930 = arith.index_cast %get3A_929 : i32 to index
    %get3A_931 = arith.constant 32 : index
    %get3A_932 = tpu.vector_load %arg8[%get3A_930, %get3A_931] {strides = array<i32>} : memref<8x256xf32, #tpu.memory_space<vmem>>, vector<16xf32>,
    %mul3A_933 = arith.mulf %gather3A_651, %get3A_932 : vector<16xf32>
    %add3A_934 = arith.addf %broadcast_in_dim3A_928, %mul3A_933 : vector<16xf32>
    %get3A_935 = arith.index_cast %squeeze3A_728 : i32 to index
    %get3A_936 = arith.constant 32 : index
    %get3A_937 = tpu.vector_load %arg7[%get3A_935, %get3A_936] {strides = array<i32>} : memref<16x256xf32, #tpu.memory_space<vmem>>, vector<16xf32>,
    %mul3A_938 = arith.mulf %gather3A_691, %get3A_937 : vector<16xf32>
    %add3A_939 = arith.addf %add3A_934, %mul3A_938 : vector<16xf32>
    %get3A_940 = arith.constant 1 : i32
    %get3A_941 = arith.index_cast %get3A_940 : i32 to index
    %get3A_942 = arith.constant 32 : index
    %get3A_943 = tpu.vector_load %arg8[%get3A_941, %get3A_942] {strides = array<i32>} : memref<8x256xf32, #tpu.memory_space<vmem>>, vector<16xf32>,
    %mul3A_944 = arith.mulf %gather3A_656, %get3A_943 : vector<16xf32>
    %add3A_945 = arith.addf %add3A_939, %mul3A_944 : vector<16xf32>
    %get3A_946 = arith.index_cast %squeeze3A_730 : i32 to index
    %get3A_947 = arith.constant 32 : index
    %get3A_948 = tpu.vector_load %arg7[%get3A_946, %get3A_947] {strides = array<i32>} : memref<16x256xf32, #tpu.memory_space<vmem>>, vector<16xf32>,
    %mul3A_949 = arith.mulf %gather3A_696, %get3A_948 : vector<16xf32>
    %add3A_950 = arith.addf %add3A_945, %mul3A_949 : vector<16xf32>
    %get3A_951 = arith.constant 2 : i32
    %get3A_952 = arith.index_cast %get3A_951 : i32 to index
    %get3A_953 = arith.constant 32 : index
    %get3A_954 = tpu.vector_load %arg8[%get3A_952, %get3A_953] {strides = array<i32>} : memref<8x256xf32, #tpu.memory_space<vmem>>, vector<16xf32>,
    %mul3A_955 = arith.mulf %gather3A_661, %get3A_954 : vector<16xf32>
    %add3A_956 = arith.addf %add3A_950, %mul3A_955 : vector<16xf32>
    %get3A_957 = arith.index_cast %squeeze3A_732 : i32 to index
    %get3A_958 = arith.constant 32 : index
    %get3A_959 = tpu.vector_load %arg7[%get3A_957, %get3A_958] {strides = array<i32>} : memref<16x256xf32, #tpu.memory_space<vmem>>, vector<16xf32>,
    %mul3A_960 = arith.mulf %gather3A_701, %get3A_959 : vector<16xf32>
    %add3A_961 = arith.addf %add3A_956, %mul3A_960 : vector<16xf32>
    %get3A_962 = arith.constant 3 : i32
    %get3A_963 = arith.index_cast %get3A_962 : i32 to index
    %get3A_964 = arith.constant 32 : index
    %get3A_965 = tpu.vector_load %arg8[%get3A_963, %get3A_964] {strides = array<i32>} : memref<8x256xf32, #tpu.memory_space<vmem>>, vector<16xf32>,
    %mul3A_966 = arith.mulf %gather3A_666, %get3A_965 : vector<16xf32>
    %add3A_967 = arith.addf %add3A_961, %mul3A_966 : vector<16xf32>
    %get3A_968 = arith.index_cast %squeeze3A_734 : i32 to index
    %get3A_969 = arith.constant 32 : index
    %get3A_970 = tpu.vector_load %arg7[%get3A_968, %get3A_969] {strides = array<i32>} : memref<16x256xf32, #tpu.memory_space<vmem>>, vector<16xf32>,
    %mul3A_971 = arith.mulf %gather3A_706, %get3A_970 : vector<16xf32>
    %add3A_972 = arith.addf %add3A_967, %mul3A_971 : vector<16xf32>
    %get3A_973 = arith.constant 4 : i32
    %get3A_974 = arith.index_cast %get3A_973 : i32 to index
    %get3A_975 = arith.constant 32 : index
    %get3A_976 = tpu.vector_load %arg8[%get3A_974, %get3A_975] {strides = array<i32>} : memref<8x256xf32, #tpu.memory_space<vmem>>, vector<16xf32>,
    %mul3A_977 = arith.mulf %gather3A_671, %get3A_976 : vector<16xf32>
    %add3A_978 = arith.addf %add3A_972, %mul3A_977 : vector<16xf32>
    %get3A_979 = arith.index_cast %squeeze3A_736 : i32 to index
    %get3A_980 = arith.constant 32 : index
    %get3A_981 = tpu.vector_load %arg7[%get3A_979, %get3A_980] {strides = array<i32>} : memref<16x256xf32, #tpu.memory_space<vmem>>, vector<16xf32>,
    %mul3A_982 = arith.mulf %gather3A_711, %get3A_981 : vector<16xf32>
    %add3A_983 = arith.addf %add3A_978, %mul3A_982 : vector<16xf32>
    %get3A_984 = arith.constant 5 : i32
    %get3A_985 = arith.index_cast %get3A_984 : i32 to index
    %get3A_986 = arith.constant 32 : index
    %get3A_987 = tpu.vector_load %arg8[%get3A_985, %get3A_986] {strides = array<i32>} : memref<8x256xf32, #tpu.memory_space<vmem>>, vector<16xf32>,
    %mul3A_988 = arith.mulf %gather3A_676, %get3A_987 : vector<16xf32>
    %add3A_989 = arith.addf %add3A_983, %mul3A_988 : vector<16xf32>
    %get3A_990 = arith.index_cast %squeeze3A_738 : i32 to index
    %get3A_991 = arith.constant 32 : index
    %get3A_992 = tpu.vector_load %arg7[%get3A_990, %get3A_991] {strides = array<i32>} : memref<16x256xf32, #tpu.memory_space<vmem>>, vector<16xf32>,
    %mul3A_993 = arith.mulf %gather3A_716, %get3A_992 : vector<16xf32>
    %add3A_994 = arith.addf %add3A_989, %mul3A_993 : vector<16xf32>
    %get3A_995 = arith.constant 6 : i32
    %get3A_996 = arith.index_cast %get3A_995 : i32 to index
    %get3A_997 = arith.constant 32 : index
    %get3A_998 = tpu.vector_load %arg8[%get3A_996, %get3A_997] {strides = array<i32>} : memref<8x256xf32, #tpu.memory_space<vmem>>, vector<16xf32>,
    %mul3A_999 = arith.mulf %gather3A_681, %get3A_998 : vector<16xf32>
    %add3A_1000 = arith.addf %add3A_994, %mul3A_999 : vector<16xf32>
    %get3A_1001 = arith.index_cast %squeeze3A_740 : i32 to index
    %get3A_1002 = arith.constant 32 : index
    %get3A_1003 = tpu.vector_load %arg7[%get3A_1001, %get3A_1002] {strides = array<i32>} : memref<16x256xf32, #tpu.memory_space<vmem>>, vector<16xf32>,
    %mul3A_1004 = arith.mulf %gather3A_721, %get3A_1003 : vector<16xf32>
    %add3A_1005 = arith.addf %add3A_1000, %mul3A_1004 : vector<16xf32>
    %get3A_1006 = arith.constant 7 : i32
    %get3A_1007 = arith.index_cast %get3A_1006 : i32 to index
    %get3A_1008 = arith.constant 32 : index
    %get3A_1009 = tpu.vector_load %arg8[%get3A_1007, %get3A_1008] {strides = array<i32>} : memref<8x256xf32, #tpu.memory_space<vmem>>, vector<16xf32>,
    %mul3A_1010 = arith.mulf %gather3A_686, %get3A_1009 : vector<16xf32>
    %add3A_1011 = arith.addf %add3A_1005, %mul3A_1010 : vector<16xf32>
    %get3A_1012 = arith.index_cast %squeeze3A_742 : i32 to index
    %get3A_1013 = arith.constant 32 : index
    %get3A_1014 = tpu.vector_load %arg7[%get3A_1012, %get3A_1013] {strides = array<i32>} : memref<16x256xf32, #tpu.memory_space<vmem>>, vector<16xf32>,
    %mul3A_1015 = arith.mulf %gather3A_726, %get3A_1014 : vector<16xf32>
    %add3A_1016 = arith.addf %add3A_1011, %mul3A_1015 : vector<16xf32>
    %div3A_1017 = arith.divf %add3A_1016, %add3A_401 : vector<16xf32>
    %swap3A_1018 = arith.constant 32 : index
    %swap3A_1019 = tpu.vector_load %arg9[%swap3A_1018] {strides = array<i32>} : memref<256xf32, #tpu.memory_space<vmem>>, vector<16xf32>,
    tpu.vector_store %arg9[%swap3A_1018], %div3A_1017 {strides = array<i32>} : memref<256xf32, #tpu.memory_space<vmem>>, vector<16xf32>,
    %broadcast_in_dim3A_1020 = arith.constant 0.000000e+00 : f32
    %broadcast_in_dim3A_1021 = vector.broadcast %broadcast_in_dim3A_1020 : f32 to vector<16xf32>
    %get3A_1022 = arith.constant 0 : i32
    %get3A_1023 = arith.index_cast %get3A_1022 : i32 to index
    %get3A_1024 = arith.constant 48 : index
    %get3A_1025 = tpu.vector_load %arg8[%get3A_1023, %get3A_1024] {strides = array<i32>} : memref<8x256xf32, #tpu.memory_space<vmem>>, vector<16xf32>,
    %mul3A_1026 = arith.mulf %gather3A_651, %get3A_1025 : vector<16xf32>
    %add3A_1027 = arith.addf %broadcast_in_dim3A_1021, %mul3A_1026 : vector<16xf32>
    %get3A_1028 = arith.index_cast %squeeze3A_728 : i32 to index
    %get3A_1029 = arith.constant 48 : index
    %get3A_1030 = tpu.vector_load %arg7[%get3A_1028, %get3A_1029] {strides = array<i32>} : memref<16x256xf32, #tpu.memory_space<vmem>>, vector<16xf32>,
    %mul3A_1031 = arith.mulf %gather3A_691, %get3A_1030 : vector<16xf32>
    %add3A_1032 = arith.addf %add3A_1027, %mul3A_1031 : vector<16xf32>
    %get3A_1033 = arith.constant 1 : i32
    %get3A_1034 = arith.index_cast %get3A_1033 : i32 to index
    %get3A_1035 = arith.constant 48 : index
    %get3A_1036 = tpu.vector_load %arg8[%get3A_1034, %get3A_1035] {strides = array<i32>} : memref<8x256xf32, #tpu.memory_space<vmem>>, vector<16xf32>,
    %mul3A_1037 = arith.mulf %gather3A_656, %get3A_1036 : vector<16xf32>
    %add3A_1038 = arith.addf %add3A_1032, %mul3A_1037 : vector<16xf32>
    %get3A_1039 = arith.index_cast %squeeze3A_730 : i32 to index
    %get3A_1040 = arith.constant 48 : index
    %get3A_1041 = tpu.vector_load %arg7[%get3A_1039, %get3A_1040] {strides = array<i32>} : memref<16x256xf32, #tpu.memory_space<vmem>>, vector<16xf32>,
    %mul3A_1042 = arith.mulf %gather3A_696, %get3A_1041 : vector<16xf32>
    %add3A_1043 = arith.addf %add3A_1038, %mul3A_1042 : vector<16xf32>
    %get3A_1044 = arith.constant 2 : i32
    %get3A_1045 = arith.index_cast %get3A_1044 : i32 to index
    %get3A_1046 = arith.constant 48 : index
    %get3A_1047 = tpu.vector_load %arg8[%get3A_1045, %get3A_1046] {strides = array<i32>} : memref<8x256xf32, #tpu.memory_space<vmem>>, vector<16xf32>,
    %mul3A_1048 = arith.mulf %gather3A_661, %get3A_1047 : vector<16xf32>
    %add3A_1049 = arith.addf %add3A_1043, %mul3A_1048 : vector<16xf32>
    %get3A_1050 = arith.index_cast %squeeze3A_732 : i32 to index
    %get3A_1051 = arith.constant 48 : index
    %get3A_1052 = tpu.vector_load %arg7[%get3A_1050, %get3A_1051] {strides = array<i32>} : memref<16x256xf32, #tpu.memory_space<vmem>>, vector<16xf32>,
    %mul3A_1053 = arith.mulf %gather3A_701, %get3A_1052 : vector<16xf32>
    %add3A_1054 = arith.addf %add3A_1049, %mul3A_1053 : vector<16xf32>
    %get3A_1055 = arith.constant 3 : i32
    %get3A_1056 = arith.index_cast %get3A_1055 : i32 to index
    %get3A_1057 = arith.constant 48 : index
    %get3A_1058 = tpu.vector_load %arg8[%get3A_1056, %get3A_1057] {strides = array<i32>} : memref<8x256xf32, #tpu.memory_space<vmem>>, vector<16xf32>,
    %mul3A_1059 = arith.mulf %gather3A_666, %get3A_1058 : vector<16xf32>
    %add3A_1060 = arith.addf %add3A_1054, %mul3A_1059 : vector<16xf32>
    %get3A_1061 = arith.index_cast %squeeze3A_734 : i32 to index
    %get3A_1062 = arith.constant 48 : index
    %get3A_1063 = tpu.vector_load %arg7[%get3A_1061, %get3A_1062] {strides = array<i32>} : memref<16x256xf32, #tpu.memory_space<vmem>>, vector<16xf32>,
    %mul3A_1064 = arith.mulf %gather3A_706, %get3A_1063 : vector<16xf32>
    %add3A_1065 = arith.addf %add3A_1060, %mul3A_1064 : vector<16xf32>
    %get3A_1066 = arith.constant 4 : i32
    %get3A_1067 = arith.index_cast %get3A_1066 : i32 to index
    %get3A_1068 = arith.constant 48 : index
    %get3A_1069 = tpu.vector_load %arg8[%get3A_1067, %get3A_1068] {strides = array<i32>} : memref<8x256xf32, #tpu.memory_space<vmem>>, vector<16xf32>,
    %mul3A_1070 = arith.mulf %gather3A_671, %get3A_1069 : vector<16xf32>
    %add3A_1071 = arith.addf %add3A_1065, %mul3A_1070 : vector<16xf32>
    %get3A_1072 = arith.index_cast %squeeze3A_736 : i32 to index
    %get3A_1073 = arith.constant 48 : index
    %get3A_1074 = tpu.vector_load %arg7[%get3A_1072, %get3A_1073] {strides = array<i32>} : memref<16x256xf32, #tpu.memory_space<vmem>>, vector<16xf32>,
    %mul3A_1075 = arith.mulf %gather3A_711, %get3A_1074 : vector<16xf32>
    %add3A_1076 = arith.addf %add3A_1071, %mul3A_1075 : vector<16xf32>
    %get3A_1077 = arith.constant 5 : i32
    %get3A_1078 = arith.index_cast %get3A_1077 : i32 to index
    %get3A_1079 = arith.constant 48 : index
    %get3A_1080 = tpu.vector_load %arg8[%get3A_1078, %get3A_1079] {strides = array<i32>} : memref<8x256xf32, #tpu.memory_space<vmem>>, vector<16xf32>,
    %mul3A_1081 = arith.mulf %gather3A_676, %get3A_1080 : vector<16xf32>
    %add3A_1082 = arith.addf %add3A_1076, %mul3A_1081 : vector<16xf32>
    %get3A_1083 = arith.index_cast %squeeze3A_738 : i32 to index
    %get3A_1084 = arith.constant 48 : index
    %get3A_1085 = tpu.vector_load %arg7[%get3A_1083, %get3A_1084] {strides = array<i32>} : memref<16x256xf32, #tpu.memory_space<vmem>>, vector<16xf32>,
    %mul3A_1086 = arith.mulf %gather3A_716, %get3A_1085 : vector<16xf32>
    %add3A_1087 = arith.addf %add3A_1082, %mul3A_1086 : vector<16xf32>
    %get3A_1088 = arith.constant 6 : i32
    %get3A_1089 = arith.index_cast %get3A_1088 : i32 to index
    %get3A_1090 = arith.constant 48 : index
    %get3A_1091 = tpu.vector_load %arg8[%get3A_1089, %get3A_1090] {strides = array<i32>} : memref<8x256xf32, #tpu.memory_space<vmem>>, vector<16xf32>,
    %mul3A_1092 = arith.mulf %gather3A_681, %get3A_1091 : vector<16xf32>
    %add3A_1093 = arith.addf %add3A_1087, %mul3A_1092 : vector<16xf32>
    %get3A_1094 = arith.index_cast %squeeze3A_740 : i32 to index
    %get3A_1095 = arith.constant 48 : index
    %get3A_1096 = tpu.vector_load %arg7[%get3A_1094, %get3A_1095] {strides = array<i32>} : memref<16x256xf32, #tpu.memory_space<vmem>>, vector<16xf32>,
    %mul3A_1097 = arith.mulf %gather3A_721, %get3A_1096 : vector<16xf32>
    %add3A_1098 = arith.addf %add3A_1093, %mul3A_1097 : vector<16xf32>
    %get3A_1099 = arith.constant 7 : i32
    %get3A_1100 = arith.index_cast %get3A_1099 : i32 to index
    %get3A_1101 = arith.constant 48 : index
    %get3A_1102 = tpu.vector_load %arg8[%get3A_1100, %get3A_1101] {strides = array<i32>} : memref<8x256xf32, #tpu.memory_space<vmem>>, vector<16xf32>,
    %mul3A_1103 = arith.mulf %gather3A_686, %get3A_1102 : vector<16xf32>
    %add3A_1104 = arith.addf %add3A_1098, %mul3A_1103 : vector<16xf32>
    %get3A_1105 = arith.index_cast %squeeze3A_742 : i32 to index
    %get3A_1106 = arith.constant 48 : index
    %get3A_1107 = tpu.vector_load %arg7[%get3A_1105, %get3A_1106] {strides = array<i32>} : memref<16x256xf32, #tpu.memory_space<vmem>>, vector<16xf32>,
    %mul3A_1108 = arith.mulf %gather3A_726, %get3A_1107 : vector<16xf32>
    %add3A_1109 = arith.addf %add3A_1104, %mul3A_1108 : vector<16xf32>
    %div3A_1110 = arith.divf %add3A_1109, %add3A_401 : vector<16xf32>
    %swap3A_1111 = arith.constant 48 : index
    %swap3A_1112 = tpu.vector_load %arg9[%swap3A_1111] {strides = array<i32>} : memref<256xf32, #tpu.memory_space<vmem>>, vector<16xf32>,
    tpu.vector_store %arg9[%swap3A_1111], %div3A_1110 {strides = array<i32>} : memref<256xf32, #tpu.memory_space<vmem>>, vector<16xf32>,
    %broadcast_in_dim3A_1113 = arith.constant 0.000000e+00 : f32
    %broadcast_in_dim3A_1114 = vector.broadcast %broadcast_in_dim3A_1113 : f32 to vector<16xf32>
    %get3A_1115 = arith.constant 0 : i32
    %get3A_1116 = arith.index_cast %get3A_1115 : i32 to index
    %get3A_1117 = arith.constant 64 : index
    %get3A_1118 = tpu.vector_load %arg8[%get3A_1116, %get3A_1117] {strides = array<i32>} : memref<8x256xf32, #tpu.memory_space<vmem>>, vector<16xf32>,
    %mul3A_1119 = arith.mulf %gather3A_651, %get3A_1118 : vector<16xf32>
    %add3A_1120 = arith.addf %broadcast_in_dim3A_1114, %mul3A_1119 : vector<16xf32>
    %get3A_1121 = arith.index_cast %squeeze3A_728 : i32 to index
    %get3A_1122 = arith.constant 64 : index
    %get3A_1123 = tpu.vector_load %arg7[%get3A_1121, %get3A_1122] {strides = array<i32>} : memref<16x256xf32, #tpu.memory_space<vmem>>, vector<16xf32>,
    %mul3A_1124 = arith.mulf %gather3A_691, %get3A_1123 : vector<16xf32>
    %add3A_1125 = arith.addf %add3A_1120, %mul3A_1124 : vector<16xf32>
    %get3A_1126 = arith.constant 1 : i32
    %get3A_1127 = arith.index_cast %get3A_1126 : i32 to index
    %get3A_1128 = arith.constant 64 : index
    %get3A_1129 = tpu.vector_load %arg8[%get3A_1127, %get3A_1128] {strides = array<i32>} : memref<8x256xf32, #tpu.memory_space<vmem>>, vector<16xf32>,
    %mul3A_1130 = arith.mulf %gather3A_656, %get3A_1129 : vector<16xf32>
    %add3A_1131 = arith.addf %add3A_1125, %mul3A_1130 : vector<16xf32>
    %get3A_1132 = arith.index_cast %squeeze3A_730 : i32 to index
    %get3A_1133 = arith.constant 64 : index
    %get3A_1134 = tpu.vector_load %arg7[%get3A_1132, %get3A_1133] {strides = array<i32>} : memref<16x256xf32, #tpu.memory_space<vmem>>, vector<16xf32>,
    %mul3A_1135 = arith.mulf %gather3A_696, %get3A_1134 : vector<16xf32>
    %add3A_1136 = arith.addf %add3A_1131, %mul3A_1135 : vector<16xf32>
    %get3A_1137 = arith.constant 2 : i32
    %get3A_1138 = arith.index_cast %get3A_1137 : i32 to index
    %get3A_1139 = arith.constant 64 : index
    %get3A_1140 = tpu.vector_load %arg8[%get3A_1138, %get3A_1139] {strides = array<i32>} : memref<8x256xf32, #tpu.memory_space<vmem>>, vector<16xf32>,
    %mul3A_1141 = arith.mulf %gather3A_661, %get3A_1140 : vector<16xf32>
    %add3A_1142 = arith.addf %add3A_1136, %mul3A_1141 : vector<16xf32>
    %get3A_1143 = arith.index_cast %squeeze3A_732 : i32 to index
    %get3A_1144 = arith.constant 64 : index
    %get3A_1145 = tpu.vector_load %arg7[%get3A_1143, %get3A_1144] {strides = array<i32>} : memref<16x256xf32, #tpu.memory_space<vmem>>, vector<16xf32>,
    %mul3A_1146 = arith.mulf %gather3A_701, %get3A_1145 : vector<16xf32>
    %add3A_1147 = arith.addf %add3A_1142, %mul3A_1146 : vector<16xf32>
    %get3A_1148 = arith.constant 3 : i32
    %get3A_1149 = arith.index_cast %get3A_1148 : i32 to index
    %get3A_1150 = arith.constant 64 : index
    %get3A_1151 = tpu.vector_load %arg8[%get3A_1149, %get3A_1150] {strides = array<i32>} : memref<8x256xf32, #tpu.memory_space<vmem>>, vector<16xf32>,
    %mul3A_1152 = arith.mulf %gather3A_666, %get3A_1151 : vector<16xf32>
    %add3A_1153 = arith.addf %add3A_1147, %mul3A_1152 : vector<16xf32>
    %get3A_1154 = arith.index_cast %squeeze3A_734 : i32 to index
    %get3A_1155 = arith.constant 64 : index
    %get3A_1156 = tpu.vector_load %arg7[%get3A_1154, %get3A_1155] {strides = array<i32>} : memref<16x256xf32, #tpu.memory_space<vmem>>, vector<16xf32>,
    %mul3A_1157 = arith.mulf %gather3A_706, %get3A_1156 : vector<16xf32>
    %add3A_1158 = arith.addf %add3A_1153, %mul3A_1157 : vector<16xf32>
    %get3A_1159 = arith.constant 4 : i32
    %get3A_1160 = arith.index_cast %get3A_1159 : i32 to index
    %get3A_1161 = arith.constant 64 : index
    %get3A_1162 = tpu.vector_load %arg8[%get3A_1160, %get3A_1161] {strides = array<i32>} : memref<8x256xf32, #tpu.memory_space<vmem>>, vector<16xf32>,
    %mul3A_1163 = arith.mulf %gather3A_671, %get3A_1162 : vector<16xf32>
    %add3A_1164 = arith.addf %add3A_1158, %mul3A_1163 : vector<16xf32>
    %get3A_1165 = arith.index_cast %squeeze3A_736 : i32 to index
    %get3A_1166 = arith.constant 64 : index
    %get3A_1167 = tpu.vector_load %arg7[%get3A_1165, %get3A_1166] {strides = array<i32>} : memref<16x256xf32, #tpu.memory_space<vmem>>, vector<16xf32>,
    %mul3A_1168 = arith.mulf %gather3A_711, %get3A_1167 : vector<16xf32>
    %add3A_1169 = arith.addf %add3A_1164, %mul3A_1168 : vector<16xf32>
    %get3A_1170 = arith.constant 5 : i32
    %get3A_1171 = arith.index_cast %get3A_1170 : i32 to index
    %get3A_1172 = arith.constant 64 : index
    %get3A_1173 = tpu.vector_load %arg8[%get3A_1171, %get3A_1172] {strides = array<i32>} : memref<8x256xf32, #tpu.memory_space<vmem>>, vector<16xf32>,
    %mul3A_1174 = arith.mulf %gather3A_676, %get3A_1173 : vector<16xf32>
    %add3A_1175 = arith.addf %add3A_1169, %mul3A_1174 : vector<16xf32>
    %get3A_1176 = arith.index_cast %squeeze3A_738 : i32 to index
    %get3A_1177 = arith.constant 64 : index
    %get3A_1178 = tpu.vector_load %arg7[%get3A_1176, %get3A_1177] {strides = array<i32>} : memref<16x256xf32, #tpu.memory_space<vmem>>, vector<16xf32>,
    %mul3A_1179 = arith.mulf %gather3A_716, %get3A_1178 : vector<16xf32>
    %add3A_1180 = arith.addf %add3A_1175, %mul3A_1179 : vector<16xf32>
    %get3A_1181 = arith.constant 6 : i32
    %get3A_1182 = arith.index_cast %get3A_1181 : i32 to index
    %get3A_1183 = arith.constant 64 : index
    %get3A_1184 = tpu.vector_load %arg8[%get3A_1182, %get3A_1183] {strides = array<i32>} : memref<8x256xf32, #tpu.memory_space<vmem>>, vector<16xf32>,
    %mul3A_1185 = arith.mulf %gather3A_681, %get3A_1184 : vector<16xf32>
    %add3A_1186 = arith.addf %add3A_1180, %mul3A_1185 : vector<16xf32>
    %get3A_1187 = arith.index_cast %squeeze3A_740 : i32 to index
    %get3A_1188 = arith.constant 64 : index
    %get3A_1189 = tpu.vector_load %arg7[%get3A_1187, %get3A_1188] {strides = array<i32>} : memref<16x256xf32, #tpu.memory_space<vmem>>, vector<16xf32>,
    %mul3A_1190 = arith.mulf %gather3A_721, %get3A_1189 : vector<16xf32>
    %add3A_1191 = arith.addf %add3A_1186, %mul3A_1190 : vector<16xf32>
    %get3A_1192 = arith.constant 7 : i32
    %get3A_1193 = arith.index_cast %get3A_1192 : i32 to index
    %get3A_1194 = arith.constant 64 : index
    %get3A_1195 = tpu.vector_load %arg8[%get3A_1193, %get3A_1194] {strides = array<i32>} : memref<8x256xf32, #tpu.memory_space<vmem>>, vector<16xf32>,
    %mul3A_1196 = arith.mulf %gather3A_686, %get3A_1195 : vector<16xf32>
    %add3A_1197 = arith.addf %add3A_1191, %mul3A_1196 : vector<16xf32>
    %get3A_1198 = arith.index_cast %squeeze3A_742 : i32 to index
    %get3A_1199 = arith.constant 64 : index
    %get3A_1200 = tpu.vector_load %arg7[%get3A_1198, %get3A_1199] {strides = array<i32>} : memref<16x256xf32, #tpu.memory_space<vmem>>, vector<16xf32>,
    %mul3A_1201 = arith.mulf %gather3A_726, %get3A_1200 : vector<16xf32>
    %add3A_1202 = arith.addf %add3A_1197, %mul3A_1201 : vector<16xf32>
    %div3A_1203 = arith.divf %add3A_1202, %add3A_401 : vector<16xf32>
    %swap3A_1204 = arith.constant 64 : index
    %swap3A_1205 = tpu.vector_load %arg9[%swap3A_1204] {strides = array<i32>} : memref<256xf32, #tpu.memory_space<vmem>>, vector<16xf32>,
    tpu.vector_store %arg9[%swap3A_1204], %div3A_1203 {strides = array<i32>} : memref<256xf32, #tpu.memory_space<vmem>>, vector<16xf32>,
    %broadcast_in_dim3A_1206 = arith.constant 0.000000e+00 : f32
    %broadcast_in_dim3A_1207 = vector.broadcast %broadcast_in_dim3A_1206 : f32 to vector<16xf32>
    %get3A_1208 = arith.constant 0 : i32
    %get3A_1209 = arith.index_cast %get3A_1208 : i32 to index
    %get3A_1210 = arith.constant 80 : index
    %get3A_1211 = tpu.vector_load %arg8[%get3A_1209, %get3A_1210] {strides = array<i32>} : memref<8x256xf32, #tpu.memory_space<vmem>>, vector<16xf32>,
    %mul3A_1212 = arith.mulf %gather3A_651, %get3A_1211 : vector<16xf32>
    %add3A_1213 = arith.addf %broadcast_in_dim3A_1207, %mul3A_1212 : vector<16xf32>
    %get3A_1214 = arith.index_cast %squeeze3A_728 : i32 to index
    %get3A_1215 = arith.constant 80 : index
    %get3A_1216 = tpu.vector_load %arg7[%get3A_1214, %get3A_1215] {strides = array<i32>} : memref<16x256xf32, #tpu.memory_space<vmem>>, vector<16xf32>,
    %mul3A_1217 = arith.mulf %gather3A_691, %get3A_1216 : vector<16xf32>
    %add3A_1218 = arith.addf %add3A_1213, %mul3A_1217 : vector<16xf32>
    %get3A_1219 = arith.constant 1 : i32
    %get3A_1220 = arith.index_cast %get3A_1219 : i32 to index
    %get3A_1221 = arith.constant 80 : index
    %get3A_1222 = tpu.vector_load %arg8[%get3A_1220, %get3A_1221] {strides = array<i32>} : memref<8x256xf32, #tpu.memory_space<vmem>>, vector<16xf32>,
    %mul3A_1223 = arith.mulf %gather3A_656, %get3A_1222 : vector<16xf32>
    %add3A_1224 = arith.addf %add3A_1218, %mul3A_1223 : vector<16xf32>
    %get3A_1225 = arith.index_cast %squeeze3A_730 : i32 to index
    %get3A_1226 = arith.constant 80 : index
    %get3A_1227 = tpu.vector_load %arg7[%get3A_1225, %get3A_1226] {strides = array<i32>} : memref<16x256xf32, #tpu.memory_space<vmem>>, vector<16xf32>,
    %mul3A_1228 = arith.mulf %gather3A_696, %get3A_1227 : vector<16xf32>
    %add3A_1229 = arith.addf %add3A_1224, %mul3A_1228 : vector<16xf32>
    %get3A_1230 = arith.constant 2 : i32
    %get3A_1231 = arith.index_cast %get3A_1230 : i32 to index
    %get3A_1232 = arith.constant 80 : index
    %get3A_1233 = tpu.vector_load %arg8[%get3A_1231, %get3A_1232] {strides = array<i32>} : memref<8x256xf32, #tpu.memory_space<vmem>>, vector<16xf32>,
    %mul3A_1234 = arith.mulf %gather3A_661, %get3A_1233 : vector<16xf32>
    %add3A_1235 = arith.addf %add3A_1229, %mul3A_1234 : vector<16xf32>
    %get3A_1236 = arith.index_cast %squeeze3A_732 : i32 to index
    %get3A_1237 = arith.constant 80 : index
    %get3A_1238 = tpu.vector_load %arg7[%get3A_1236, %get3A_1237] {strides = array<i32>} : memref<16x256xf32, #tpu.memory_space<vmem>>, vector<16xf32>,
    %mul3A_1239 = arith.mulf %gather3A_701, %get3A_1238 : vector<16xf32>
    %add3A_1240 = arith.addf %add3A_1235, %mul3A_1239 : vector<16xf32>
    %get3A_1241 = arith.constant 3 : i32
    %get3A_1242 = arith.index_cast %get3A_1241 : i32 to index
    %get3A_1243 = arith.constant 80 : index
    %get3A_1244 = tpu.vector_load %arg8[%get3A_1242, %get3A_1243] {strides = array<i32>} : memref<8x256xf32, #tpu.memory_space<vmem>>, vector<16xf32>,
    %mul3A_1245 = arith.mulf %gather3A_666, %get3A_1244 : vector<16xf32>
    %add3A_1246 = arith.addf %add3A_1240, %mul3A_1245 : vector<16xf32>
    %get3A_1247 = arith.index_cast %squeeze3A_734 : i32 to index
    %get3A_1248 = arith.constant 80 : index
    %get3A_1249 = tpu.vector_load %arg7[%get3A_1247, %get3A_1248] {strides = array<i32>} : memref<16x256xf32, #tpu.memory_space<vmem>>, vector<16xf32>,
    %mul3A_1250 = arith.mulf %gather3A_706, %get3A_1249 : vector<16xf32>
    %add3A_1251 = arith.addf %add3A_1246, %mul3A_1250 : vector<16xf32>
    %get3A_1252 = arith.constant 4 : i32
    %get3A_1253 = arith.index_cast %get3A_1252 : i32 to index
    %get3A_1254 = arith.constant 80 : index
    %get3A_1255 = tpu.vector_load %arg8[%get3A_1253, %get3A_1254] {strides = array<i32>} : memref<8x256xf32, #tpu.memory_space<vmem>>, vector<16xf32>,
    %mul3A_1256 = arith.mulf %gather3A_671, %get3A_1255 : vector<16xf32>
    %add3A_1257 = arith.addf %add3A_1251, %mul3A_1256 : vector<16xf32>
    %get3A_1258 = arith.index_cast %squeeze3A_736 : i32 to index
    %get3A_1259 = arith.constant 80 : index
    %get3A_1260 = tpu.vector_load %arg7[%get3A_1258, %get3A_1259] {strides = array<i32>} : memref<16x256xf32, #tpu.memory_space<vmem>>, vector<16xf32>,
    %mul3A_1261 = arith.mulf %gather3A_711, %get3A_1260 : vector<16xf32>
    %add3A_1262 = arith.addf %add3A_1257, %mul3A_1261 : vector<16xf32>
    %get3A_1263 = arith.constant 5 : i32
    %get3A_1264 = arith.index_cast %get3A_1263 : i32 to index
    %get3A_1265 = arith.constant 80 : index
    %get3A_1266 = tpu.vector_load %arg8[%get3A_1264, %get3A_1265] {strides = array<i32>} : memref<8x256xf32, #tpu.memory_space<vmem>>, vector<16xf32>,
    %mul3A_1267 = arith.mulf %gather3A_676, %get3A_1266 : vector<16xf32>
    %add3A_1268 = arith.addf %add3A_1262, %mul3A_1267 : vector<16xf32>
    %get3A_1269 = arith.index_cast %squeeze3A_738 : i32 to index
    %get3A_1270 = arith.constant 80 : index
    %get3A_1271 = tpu.vector_load %arg7[%get3A_1269, %get3A_1270] {strides = array<i32>} : memref<16x256xf32, #tpu.memory_space<vmem>>, vector<16xf32>,
    %mul3A_1272 = arith.mulf %gather3A_716, %get3A_1271 : vector<16xf32>
    %add3A_1273 = arith.addf %add3A_1268, %mul3A_1272 : vector<16xf32>
    %get3A_1274 = arith.constant 6 : i32
    %get3A_1275 = arith.index_cast %get3A_1274 : i32 to index
    %get3A_1276 = arith.constant 80 : index
    %get3A_1277 = tpu.vector_load %arg8[%get3A_1275, %get3A_1276] {strides = array<i32>} : memref<8x256xf32, #tpu.memory_space<vmem>>, vector<16xf32>,
    %mul3A_1278 = arith.mulf %gather3A_681, %get3A_1277 : vector<16xf32>
    %add3A_1279 = arith.addf %add3A_1273, %mul3A_1278 : vector<16xf32>
    %get3A_1280 = arith.index_cast %squeeze3A_740 : i32 to index
    %get3A_1281 = arith.constant 80 : index
    %get3A_1282 = tpu.vector_load %arg7[%get3A_1280, %get3A_1281] {strides = array<i32>} : memref<16x256xf32, #tpu.memory_space<vmem>>, vector<16xf32>,
    %mul3A_1283 = arith.mulf %gather3A_721, %get3A_1282 : vector<16xf32>
    %add3A_1284 = arith.addf %add3A_1279, %mul3A_1283 : vector<16xf32>
    %get3A_1285 = arith.constant 7 : i32
    %get3A_1286 = arith.index_cast %get3A_1285 : i32 to index
    %get3A_1287 = arith.constant 80 : index
    %get3A_1288 = tpu.vector_load %arg8[%get3A_1286, %get3A_1287] {strides = array<i32>} : memref<8x256xf32, #tpu.memory_space<vmem>>, vector<16xf32>,
    %mul3A_1289 = arith.mulf %gather3A_686, %get3A_1288 : vector<16xf32>
    %add3A_1290 = arith.addf %add3A_1284, %mul3A_1289 : vector<16xf32>
    %get3A_1291 = arith.index_cast %squeeze3A_742 : i32 to index
    %get3A_1292 = arith.constant 80 : index
    %get3A_1293 = tpu.vector_load %arg7[%get3A_1291, %get3A_1292] {strides = array<i32>} : memref<16x256xf32, #tpu.memory_space<vmem>>, vector<16xf32>,
    %mul3A_1294 = arith.mulf %gather3A_726, %get3A_1293 : vector<16xf32>
    %add3A_1295 = arith.addf %add3A_1290, %mul3A_1294 : vector<16xf32>
    %div3A_1296 = arith.divf %add3A_1295, %add3A_401 : vector<16xf32>
    %swap3A_1297 = arith.constant 80 : index
    %swap3A_1298 = tpu.vector_load %arg9[%swap3A_1297] {strides = array<i32>} : memref<256xf32, #tpu.memory_space<vmem>>, vector<16xf32>,
    tpu.vector_store %arg9[%swap3A_1297], %div3A_1296 {strides = array<i32>} : memref<256xf32, #tpu.memory_space<vmem>>, vector<16xf32>,
    %broadcast_in_dim3A_1299 = arith.constant 0.000000e+00 : f32
    %broadcast_in_dim3A_1300 = vector.broadcast %broadcast_in_dim3A_1299 : f32 to vector<16xf32>
    %get3A_1301 = arith.constant 0 : i32
    %get3A_1302 = arith.index_cast %get3A_1301 : i32 to index
    %get3A_1303 = arith.constant 96 : index
    %get3A_1304 = tpu.vector_load %arg8[%get3A_1302, %get3A_1303] {strides = array<i32>} : memref<8x256xf32, #tpu.memory_space<vmem>>, vector<16xf32>,
    %mul3A_1305 = arith.mulf %gather3A_651, %get3A_1304 : vector<16xf32>
    %add3A_1306 = arith.addf %broadcast_in_dim3A_1300, %mul3A_1305 : vector<16xf32>
    %get3A_1307 = arith.index_cast %squeeze3A_728 : i32 to index
    %get3A_1308 = arith.constant 96 : index
    %get3A_1309 = tpu.vector_load %arg7[%get3A_1307, %get3A_1308] {strides = array<i32>} : memref<16x256xf32, #tpu.memory_space<vmem>>, vector<16xf32>,
    %mul3A_1310 = arith.mulf %gather3A_691, %get3A_1309 : vector<16xf32>
    %add3A_1311 = arith.addf %add3A_1306, %mul3A_1310 : vector<16xf32>
    %get3A_1312 = arith.constant 1 : i32
    %get3A_1313 = arith.index_cast %get3A_1312 : i32 to index
    %get3A_1314 = arith.constant 96 : index
    %get3A_1315 = tpu.vector_load %arg8[%get3A_1313, %get3A_1314] {strides = array<i32>} : memref<8x256xf32, #tpu.memory_space<vmem>>, vector<16xf32>,
    %mul3A_1316 = arith.mulf %gather3A_656, %get3A_1315 : vector<16xf32>
    %add3A_1317 = arith.addf %add3A_1311, %mul3A_1316 : vector<16xf32>
    %get3A_1318 = arith.index_cast %squeeze3A_730 : i32 to index
    %get3A_1319 = arith.constant 96 : index
    %get3A_1320 = tpu.vector_load %arg7[%get3A_1318, %get3A_1319] {strides = array<i32>} : memref<16x256xf32, #tpu.memory_space<vmem>>, vector<16xf32>,
    %mul3A_1321 = arith.mulf %gather3A_696, %get3A_1320 : vector<16xf32>
    %add3A_1322 = arith.addf %add3A_1317, %mul3A_1321 : vector<16xf32>
    %get3A_1323 = arith.constant 2 : i32
    %get3A_1324 = arith.index_cast %get3A_1323 : i32 to index
    %get3A_1325 = arith.constant 96 : index
    %get3A_1326 = tpu.vector_load %arg8[%get3A_1324, %get3A_1325] {strides = array<i32>} : memref<8x256xf32, #tpu.memory_space<vmem>>, vector<16xf32>,
    %mul3A_1327 = arith.mulf %gather3A_661, %get3A_1326 : vector<16xf32>
    %add3A_1328 = arith.addf %add3A_1322, %mul3A_1327 : vector<16xf32>
    %get3A_1329 = arith.index_cast %squeeze3A_732 : i32 to index
    %get3A_1330 = arith.constant 96 : index
    %get3A_1331 = tpu.vector_load %arg7[%get3A_1329, %get3A_1330] {strides = array<i32>} : memref<16x256xf32, #tpu.memory_space<vmem>>, vector<16xf32>,
    %mul3A_1332 = arith.mulf %gather3A_701, %get3A_1331 : vector<16xf32>
    %add3A_1333 = arith.addf %add3A_1328, %mul3A_1332 : vector<16xf32>
    %get3A_1334 = arith.constant 3 : i32
    %get3A_1335 = arith.index_cast %get3A_1334 : i32 to index
    %get3A_1336 = arith.constant 96 : index
    %get3A_1337 = tpu.vector_load %arg8[%get3A_1335, %get3A_1336] {strides = array<i32>} : memref<8x256xf32, #tpu.memory_space<vmem>>, vector<16xf32>,
    %mul3A_1338 = arith.mulf %gather3A_666, %get3A_1337 : vector<16xf32>
    %add3A_1339 = arith.addf %add3A_1333, %mul3A_1338 : vector<16xf32>
    %get3A_1340 = arith.index_cast %squeeze3A_734 : i32 to index
    %get3A_1341 = arith.constant 96 : index
    %get3A_1342 = tpu.vector_load %arg7[%get3A_1340, %get3A_1341] {strides = array<i32>} : memref<16x256xf32, #tpu.memory_space<vmem>>, vector<16xf32>,
    %mul3A_1343 = arith.mulf %gather3A_706, %get3A_1342 : vector<16xf32>
    %add3A_1344 = arith.addf %add3A_1339, %mul3A_1343 : vector<16xf32>
    %get3A_1345 = arith.constant 4 : i32
    %get3A_1346 = arith.index_cast %get3A_1345 : i32 to index
    %get3A_1347 = arith.constant 96 : index
    %get3A_1348 = tpu.vector_load %arg8[%get3A_1346, %get3A_1347] {strides = array<i32>} : memref<8x256xf32, #tpu.memory_space<vmem>>, vector<16xf32>,
    %mul3A_1349 = arith.mulf %gather3A_671, %get3A_1348 : vector<16xf32>
    %add3A_1350 = arith.addf %add3A_1344, %mul3A_1349 : vector<16xf32>
    %get3A_1351 = arith.index_cast %squeeze3A_736 : i32 to index
    %get3A_1352 = arith.constant 96 : index
    %get3A_1353 = tpu.vector_load %arg7[%get3A_1351, %get3A_1352] {strides = array<i32>} : memref<16x256xf32, #tpu.memory_space<vmem>>, vector<16xf32>,
    %mul3A_1354 = arith.mulf %gather3A_711, %get3A_1353 : vector<16xf32>
    %add3A_1355 = arith.addf %add3A_1350, %mul3A_1354 : vector<16xf32>
    %get3A_1356 = arith.constant 5 : i32
    %get3A_1357 = arith.index_cast %get3A_1356 : i32 to index
    %get3A_1358 = arith.constant 96 : index
    %get3A_1359 = tpu.vector_load %arg8[%get3A_1357, %get3A_1358] {strides = array<i32>} : memref<8x256xf32, #tpu.memory_space<vmem>>, vector<16xf32>,
    %mul3A_1360 = arith.mulf %gather3A_676, %get3A_1359 : vector<16xf32>
    %add3A_1361 = arith.addf %add3A_1355, %mul3A_1360 : vector<16xf32>
    %get3A_1362 = arith.index_cast %squeeze3A_738 : i32 to index
    %get3A_1363 = arith.constant 96 : index
    %get3A_1364 = tpu.vector_load %arg7[%get3A_1362, %get3A_1363] {strides = array<i32>} : memref<16x256xf32, #tpu.memory_space<vmem>>, vector<16xf32>,
    %mul3A_1365 = arith.mulf %gather3A_716, %get3A_1364 : vector<16xf32>
    %add3A_1366 = arith.addf %add3A_1361, %mul3A_1365 : vector<16xf32>
    %get3A_1367 = arith.constant 6 : i32
    %get3A_1368 = arith.index_cast %get3A_1367 : i32 to index
    %get3A_1369 = arith.constant 96 : index
    %get3A_1370 = tpu.vector_load %arg8[%get3A_1368, %get3A_1369] {strides = array<i32>} : memref<8x256xf32, #tpu.memory_space<vmem>>, vector<16xf32>,
    %mul3A_1371 = arith.mulf %gather3A_681, %get3A_1370 : vector<16xf32>
    %add3A_1372 = arith.addf %add3A_1366, %mul3A_1371 : vector<16xf32>
    %get3A_1373 = arith.index_cast %squeeze3A_740 : i32 to index
    %get3A_1374 = arith.constant 96 : index
    %get3A_1375 = tpu.vector_load %arg7[%get3A_1373, %get3A_1374] {strides = array<i32>} : memref<16x256xf32, #tpu.memory_space<vmem>>, vector<16xf32>,
    %mul3A_1376 = arith.mulf %gather3A_721, %get3A_1375 : vector<16xf32>
    %add3A_1377 = arith.addf %add3A_1372, %mul3A_1376 : vector<16xf32>
    %get3A_1378 = arith.constant 7 : i32
    %get3A_1379 = arith.index_cast %get3A_1378 : i32 to index
    %get3A_1380 = arith.constant 96 : index
    %get3A_1381 = tpu.vector_load %arg8[%get3A_1379, %get3A_1380] {strides = array<i32>} : memref<8x256xf32, #tpu.memory_space<vmem>>, vector<16xf32>,
    %mul3A_1382 = arith.mulf %gather3A_686, %get3A_1381 : vector<16xf32>
    %add3A_1383 = arith.addf %add3A_1377, %mul3A_1382 : vector<16xf32>
    %get3A_1384 = arith.index_cast %squeeze3A_742 : i32 to index
    %get3A_1385 = arith.constant 96 : index
    %get3A_1386 = tpu.vector_load %arg7[%get3A_1384, %get3A_1385] {strides = array<i32>} : memref<16x256xf32, #tpu.memory_space<vmem>>, vector<16xf32>,
    %mul3A_1387 = arith.mulf %gather3A_726, %get3A_1386 : vector<16xf32>
    %add3A_1388 = arith.addf %add3A_1383, %mul3A_1387 : vector<16xf32>
    %div3A_1389 = arith.divf %add3A_1388, %add3A_401 : vector<16xf32>
    %swap3A_1390 = arith.constant 96 : index
    %swap3A_1391 = tpu.vector_load %arg9[%swap3A_1390] {strides = array<i32>} : memref<256xf32, #tpu.memory_space<vmem>>, vector<16xf32>,
    tpu.vector_store %arg9[%swap3A_1390], %div3A_1389 {strides = array<i32>} : memref<256xf32, #tpu.memory_space<vmem>>, vector<16xf32>,
    %broadcast_in_dim3A_1392 = arith.constant 0.000000e+00 : f32
    %broadcast_in_dim3A_1393 = vector.broadcast %broadcast_in_dim3A_1392 : f32 to vector<16xf32>
    %get3A_1394 = arith.constant 0 : i32
    %get3A_1395 = arith.index_cast %get3A_1394 : i32 to index
    %get3A_1396 = arith.constant 112 : index
    %get3A_1397 = tpu.vector_load %arg8[%get3A_1395, %get3A_1396] {strides = array<i32>} : memref<8x256xf32, #tpu.memory_space<vmem>>, vector<16xf32>,
    %mul3A_1398 = arith.mulf %gather3A_651, %get3A_1397 : vector<16xf32>
    %add3A_1399 = arith.addf %broadcast_in_dim3A_1393, %mul3A_1398 : vector<16xf32>
    %get3A_1400 = arith.index_cast %squeeze3A_728 : i32 to index
    %get3A_1401 = arith.constant 112 : index
    %get3A_1402 = tpu.vector_load %arg7[%get3A_1400, %get3A_1401] {strides = array<i32>} : memref<16x256xf32, #tpu.memory_space<vmem>>, vector<16xf32>,
    %mul3A_1403 = arith.mulf %gather3A_691, %get3A_1402 : vector<16xf32>
    %add3A_1404 = arith.addf %add3A_1399, %mul3A_1403 : vector<16xf32>
    %get3A_1405 = arith.constant 1 : i32
    %get3A_1406 = arith.index_cast %get3A_1405 : i32 to index
    %get3A_1407 = arith.constant 112 : index
    %get3A_1408 = tpu.vector_load %arg8[%get3A_1406, %get3A_1407] {strides = array<i32>} : memref<8x256xf32, #tpu.memory_space<vmem>>, vector<16xf32>,
    %mul3A_1409 = arith.mulf %gather3A_656, %get3A_1408 : vector<16xf32>
    %add3A_1410 = arith.addf %add3A_1404, %mul3A_1409 : vector<16xf32>
    %get3A_1411 = arith.index_cast %squeeze3A_730 : i32 to index
    %get3A_1412 = arith.constant 112 : index
    %get3A_1413 = tpu.vector_load %arg7[%get3A_1411, %get3A_1412] {strides = array<i32>} : memref<16x256xf32, #tpu.memory_space<vmem>>, vector<16xf32>,
    %mul3A_1414 = arith.mulf %gather3A_696, %get3A_1413 : vector<16xf32>
    %add3A_1415 = arith.addf %add3A_1410, %mul3A_1414 : vector<16xf32>
    %get3A_1416 = arith.constant 2 : i32
    %get3A_1417 = arith.index_cast %get3A_1416 : i32 to index
    %get3A_1418 = arith.constant 112 : index
    %get3A_1419 = tpu.vector_load %arg8[%get3A_1417, %get3A_1418] {strides = array<i32>} : memref<8x256xf32, #tpu.memory_space<vmem>>, vector<16xf32>,
    %mul3A_1420 = arith.mulf %gather3A_661, %get3A_1419 : vector<16xf32>
    %add3A_1421 = arith.addf %add3A_1415, %mul3A_1420 : vector<16xf32>
    %get3A_1422 = arith.index_cast %squeeze3A_732 : i32 to index
    %get3A_1423 = arith.constant 112 : index
    %get3A_1424 = tpu.vector_load %arg7[%get3A_1422, %get3A_1423] {strides = array<i32>} : memref<16x256xf32, #tpu.memory_space<vmem>>, vector<16xf32>,
    %mul3A_1425 = arith.mulf %gather3A_701, %get3A_1424 : vector<16xf32>
    %add3A_1426 = arith.addf %add3A_1421, %mul3A_1425 : vector<16xf32>
    %get3A_1427 = arith.constant 3 : i32
    %get3A_1428 = arith.index_cast %get3A_1427 : i32 to index
    %get3A_1429 = arith.constant 112 : index
    %get3A_1430 = tpu.vector_load %arg8[%get3A_1428, %get3A_1429] {strides = array<i32>} : memref<8x256xf32, #tpu.memory_space<vmem>>, vector<16xf32>,
    %mul3A_1431 = arith.mulf %gather3A_666, %get3A_1430 : vector<16xf32>
    %add3A_1432 = arith.addf %add3A_1426, %mul3A_1431 : vector<16xf32>
    %get3A_1433 = arith.index_cast %squeeze3A_734 : i32 to index
    %get3A_1434 = arith.constant 112 : index
    %get3A_1435 = tpu.vector_load %arg7[%get3A_1433, %get3A_1434] {strides = array<i32>} : memref<16x256xf32, #tpu.memory_space<vmem>>, vector<16xf32>,
    %mul3A_1436 = arith.mulf %gather3A_706, %get3A_1435 : vector<16xf32>
    %add3A_1437 = arith.addf %add3A_1432, %mul3A_1436 : vector<16xf32>
    %get3A_1438 = arith.constant 4 : i32
    %get3A_1439 = arith.index_cast %get3A_1438 : i32 to index
    %get3A_1440 = arith.constant 112 : index
    %get3A_1441 = tpu.vector_load %arg8[%get3A_1439, %get3A_1440] {strides = array<i32>} : memref<8x256xf32, #tpu.memory_space<vmem>>, vector<16xf32>,
    %mul3A_1442 = arith.mulf %gather3A_671, %get3A_1441 : vector<16xf32>
    %add3A_1443 = arith.addf %add3A_1437, %mul3A_1442 : vector<16xf32>
    %get3A_1444 = arith.index_cast %squeeze3A_736 : i32 to index
    %get3A_1445 = arith.constant 112 : index
    %get3A_1446 = tpu.vector_load %arg7[%get3A_1444, %get3A_1445] {strides = array<i32>} : memref<16x256xf32, #tpu.memory_space<vmem>>, vector<16xf32>,
    %mul3A_1447 = arith.mulf %gather3A_711, %get3A_1446 : vector<16xf32>
    %add3A_1448 = arith.addf %add3A_1443, %mul3A_1447 : vector<16xf32>
    %get3A_1449 = arith.constant 5 : i32
    %get3A_1450 = arith.index_cast %get3A_1449 : i32 to index
    %get3A_1451 = arith.constant 112 : index
    %get3A_1452 = tpu.vector_load %arg8[%get3A_1450, %get3A_1451] {strides = array<i32>} : memref<8x256xf32, #tpu.memory_space<vmem>>, vector<16xf32>,
    %mul3A_1453 = arith.mulf %gather3A_676, %get3A_1452 : vector<16xf32>
    %add3A_1454 = arith.addf %add3A_1448, %mul3A_1453 : vector<16xf32>
    %get3A_1455 = arith.index_cast %squeeze3A_738 : i32 to index
    %get3A_1456 = arith.constant 112 : index
    %get3A_1457 = tpu.vector_load %arg7[%get3A_1455, %get3A_1456] {strides = array<i32>} : memref<16x256xf32, #tpu.memory_space<vmem>>, vector<16xf32>,
    %mul3A_1458 = arith.mulf %gather3A_716, %get3A_1457 : vector<16xf32>
    %add3A_1459 = arith.addf %add3A_1454, %mul3A_1458 : vector<16xf32>
    %get3A_1460 = arith.constant 6 : i32
    %get3A_1461 = arith.index_cast %get3A_1460 : i32 to index
    %get3A_1462 = arith.constant 112 : index
    %get3A_1463 = tpu.vector_load %arg8[%get3A_1461, %get3A_1462] {strides = array<i32>} : memref<8x256xf32, #tpu.memory_space<vmem>>, vector<16xf32>,
    %mul3A_1464 = arith.mulf %gather3A_681, %get3A_1463 : vector<16xf32>
    %add3A_1465 = arith.addf %add3A_1459, %mul3A_1464 : vector<16xf32>
    %get3A_1466 = arith.index_cast %squeeze3A_740 : i32 to index
    %get3A_1467 = arith.constant 112 : index
    %get3A_1468 = tpu.vector_load %arg7[%get3A_1466, %get3A_1467] {strides = array<i32>} : memref<16x256xf32, #tpu.memory_space<vmem>>, vector<16xf32>,
    %mul3A_1469 = arith.mulf %gather3A_721, %get3A_1468 : vector<16xf32>
    %add3A_1470 = arith.addf %add3A_1465, %mul3A_1469 : vector<16xf32>
    %get3A_1471 = arith.constant 7 : i32
    %get3A_1472 = arith.index_cast %get3A_1471 : i32 to index
    %get3A_1473 = arith.constant 112 : index
    %get3A_1474 = tpu.vector_load %arg8[%get3A_1472, %get3A_1473] {strides = array<i32>} : memref<8x256xf32, #tpu.memory_space<vmem>>, vector<16xf32>,
    %mul3A_1475 = arith.mulf %gather3A_686, %get3A_1474 : vector<16xf32>
    %add3A_1476 = arith.addf %add3A_1470, %mul3A_1475 : vector<16xf32>
    %get3A_1477 = arith.index_cast %squeeze3A_742 : i32 to index
    %get3A_1478 = arith.constant 112 : index
    %get3A_1479 = tpu.vector_load %arg7[%get3A_1477, %get3A_1478] {strides = array<i32>} : memref<16x256xf32, #tpu.memory_space<vmem>>, vector<16xf32>,
    %mul3A_1480 = arith.mulf %gather3A_726, %get3A_1479 : vector<16xf32>
    %add3A_1481 = arith.addf %add3A_1476, %mul3A_1480 : vector<16xf32>
    %div3A_1482 = arith.divf %add3A_1481, %add3A_401 : vector<16xf32>
    %swap3A_1483 = arith.constant 112 : index
    %swap3A_1484 = tpu.vector_load %arg9[%swap3A_1483] {strides = array<i32>} : memref<256xf32, #tpu.memory_space<vmem>>, vector<16xf32>,
    tpu.vector_store %arg9[%swap3A_1483], %div3A_1482 {strides = array<i32>} : memref<256xf32, #tpu.memory_space<vmem>>, vector<16xf32>,
    %broadcast_in_dim3A_1485 = arith.constant 0.000000e+00 : f32
    %broadcast_in_dim3A_1486 = vector.broadcast %broadcast_in_dim3A_1485 : f32 to vector<16xf32>
    %get3A_1487 = arith.constant 0 : i32
    %get3A_1488 = arith.index_cast %get3A_1487 : i32 to index
    %get3A_1489 = arith.constant 128 : index
    %get3A_1490 = tpu.vector_load %arg8[%get3A_1488, %get3A_1489] {strides = array<i32>} : memref<8x256xf32, #tpu.memory_space<vmem>>, vector<16xf32>,
    %mul3A_1491 = arith.mulf %gather3A_651, %get3A_1490 : vector<16xf32>
    %add3A_1492 = arith.addf %broadcast_in_dim3A_1486, %mul3A_1491 : vector<16xf32>
    %get3A_1493 = arith.index_cast %squeeze3A_728 : i32 to index
    %get3A_1494 = arith.constant 128 : index
    %get3A_1495 = tpu.vector_load %arg7[%get3A_1493, %get3A_1494] {strides = array<i32>} : memref<16x256xf32, #tpu.memory_space<vmem>>, vector<16xf32>,
    %mul3A_1496 = arith.mulf %gather3A_691, %get3A_1495 : vector<16xf32>
    %add3A_1497 = arith.addf %add3A_1492, %mul3A_1496 : vector<16xf32>
    %get3A_1498 = arith.constant 1 : i32
    %get3A_1499 = arith.index_cast %get3A_1498 : i32 to index
    %get3A_1500 = arith.constant 128 : index
    %get3A_1501 = tpu.vector_load %arg8[%get3A_1499, %get3A_1500] {strides = array<i32>} : memref<8x256xf32, #tpu.memory_space<vmem>>, vector<16xf32>,
    %mul3A_1502 = arith.mulf %gather3A_656, %get3A_1501 : vector<16xf32>
    %add3A_1503 = arith.addf %add3A_1497, %mul3A_1502 : vector<16xf32>
    %get3A_1504 = arith.index_cast %squeeze3A_730 : i32 to index
    %get3A_1505 = arith.constant 128 : index
    %get3A_1506 = tpu.vector_load %arg7[%get3A_1504, %get3A_1505] {strides = array<i32>} : memref<16x256xf32, #tpu.memory_space<vmem>>, vector<16xf32>,
    %mul3A_1507 = arith.mulf %gather3A_696, %get3A_1506 : vector<16xf32>
    %add3A_1508 = arith.addf %add3A_1503, %mul3A_1507 : vector<16xf32>
    %get3A_1509 = arith.constant 2 : i32
    %get3A_1510 = arith.index_cast %get3A_1509 : i32 to index
    %get3A_1511 = arith.constant 128 : index
    %get3A_1512 = tpu.vector_load %arg8[%get3A_1510, %get3A_1511] {strides = array<i32>} : memref<8x256xf32, #tpu.memory_space<vmem>>, vector<16xf32>,
    %mul3A_1513 = arith.mulf %gather3A_661, %get3A_1512 : vector<16xf32>
    %add3A_1514 = arith.addf %add3A_1508, %mul3A_1513 : vector<16xf32>
    %get3A_1515 = arith.index_cast %squeeze3A_732 : i32 to index
    %get3A_1516 = arith.constant 128 : index
    %get3A_1517 = tpu.vector_load %arg7[%get3A_1515, %get3A_1516] {strides = array<i32>} : memref<16x256xf32, #tpu.memory_space<vmem>>, vector<16xf32>,
    %mul3A_1518 = arith.mulf %gather3A_701, %get3A_1517 : vector<16xf32>
    %add3A_1519 = arith.addf %add3A_1514, %mul3A_1518 : vector<16xf32>
    %get3A_1520 = arith.constant 3 : i32
    %get3A_1521 = arith.index_cast %get3A_1520 : i32 to index
    %get3A_1522 = arith.constant 128 : index
    %get3A_1523 = tpu.vector_load %arg8[%get3A_1521, %get3A_1522] {strides = array<i32>} : memref<8x256xf32, #tpu.memory_space<vmem>>, vector<16xf32>,
    %mul3A_1524 = arith.mulf %gather3A_666, %get3A_1523 : vector<16xf32>
    %add3A_1525 = arith.addf %add3A_1519, %mul3A_1524 : vector<16xf32>
    %get3A_1526 = arith.index_cast %squeeze3A_734 : i32 to index
    %get3A_1527 = arith.constant 128 : index
    %get3A_1528 = tpu.vector_load %arg7[%get3A_1526, %get3A_1527] {strides = array<i32>} : memref<16x256xf32, #tpu.memory_space<vmem>>, vector<16xf32>,
    %mul3A_1529 = arith.mulf %gather3A_706, %get3A_1528 : vector<16xf32>
    %add3A_1530 = arith.addf %add3A_1525, %mul3A_1529 : vector<16xf32>
    %get3A_1531 = arith.constant 4 : i32
    %get3A_1532 = arith.index_cast %get3A_1531 : i32 to index
    %get3A_1533 = arith.constant 128 : index
    %get3A_1534 = tpu.vector_load %arg8[%get3A_1532, %get3A_1533] {strides = array<i32>} : memref<8x256xf32, #tpu.memory_space<vmem>>, vector<16xf32>,
    %mul3A_1535 = arith.mulf %gather3A_671, %get3A_1534 : vector<16xf32>
    %add3A_1536 = arith.addf %add3A_1530, %mul3A_1535 : vector<16xf32>
    %get3A_1537 = arith.index_cast %squeeze3A_736 : i32 to index
    %get3A_1538 = arith.constant 128 : index
    %get3A_1539 = tpu.vector_load %arg7[%get3A_1537, %get3A_1538] {strides = array<i32>} : memref<16x256xf32, #tpu.memory_space<vmem>>, vector<16xf32>,
    %mul3A_1540 = arith.mulf %gather3A_711, %get3A_1539 : vector<16xf32>
    %add3A_1541 = arith.addf %add3A_1536, %mul3A_1540 : vector<16xf32>
    %get3A_1542 = arith.constant 5 : i32
    %get3A_1543 = arith.index_cast %get3A_1542 : i32 to index
    %get3A_1544 = arith.constant 128 : index
    %get3A_1545 = tpu.vector_load %arg8[%get3A_1543, %get3A_1544] {strides = array<i32>} : memref<8x256xf32, #tpu.memory_space<vmem>>, vector<16xf32>,
    %mul3A_1546 = arith.mulf %gather3A_676, %get3A_1545 : vector<16xf32>
    %add3A_1547 = arith.addf %add3A_1541, %mul3A_1546 : vector<16xf32>
    %get3A_1548 = arith.index_cast %squeeze3A_738 : i32 to index
    %get3A_1549 = arith.constant 128 : index
    %get3A_1550 = tpu.vector_load %arg7[%get3A_1548, %get3A_1549] {strides = array<i32>} : memref<16x256xf32, #tpu.memory_space<vmem>>, vector<16xf32>,
    %mul3A_1551 = arith.mulf %gather3A_716, %get3A_1550 : vector<16xf32>
    %add3A_1552 = arith.addf %add3A_1547, %mul3A_1551 : vector<16xf32>
    %get3A_1553 = arith.constant 6 : i32
    %get3A_1554 = arith.index_cast %get3A_1553 : i32 to index
    %get3A_1555 = arith.constant 128 : index
    %get3A_1556 = tpu.vector_load %arg8[%get3A_1554, %get3A_1555] {strides = array<i32>} : memref<8x256xf32, #tpu.memory_space<vmem>>, vector<16xf32>,
    %mul3A_1557 = arith.mulf %gather3A_681, %get3A_1556 : vector<16xf32>
    %add3A_1558 = arith.addf %add3A_1552, %mul3A_1557 : vector<16xf32>
    %get3A_1559 = arith.index_cast %squeeze3A_740 : i32 to index
    %get3A_1560 = arith.constant 128 : index
    %get3A_1561 = tpu.vector_load %arg7[%get3A_1559, %get3A_1560] {strides = array<i32>} : memref<16x256xf32, #tpu.memory_space<vmem>>, vector<16xf32>,
    %mul3A_1562 = arith.mulf %gather3A_721, %get3A_1561 : vector<16xf32>
    %add3A_1563 = arith.addf %add3A_1558, %mul3A_1562 : vector<16xf32>
    %get3A_1564 = arith.constant 7 : i32
    %get3A_1565 = arith.index_cast %get3A_1564 : i32 to index
    %get3A_1566 = arith.constant 128 : index
    %get3A_1567 = tpu.vector_load %arg8[%get3A_1565, %get3A_1566] {strides = array<i32>} : memref<8x256xf32, #tpu.memory_space<vmem>>, vector<16xf32>,
    %mul3A_1568 = arith.mulf %gather3A_686, %get3A_1567 : vector<16xf32>
    %add3A_1569 = arith.addf %add3A_1563, %mul3A_1568 : vector<16xf32>
    %get3A_1570 = arith.index_cast %squeeze3A_742 : i32 to index
    %get3A_1571 = arith.constant 128 : index
    %get3A_1572 = tpu.vector_load %arg7[%get3A_1570, %get3A_1571] {strides = array<i32>} : memref<16x256xf32, #tpu.memory_space<vmem>>, vector<16xf32>,
    %mul3A_1573 = arith.mulf %gather3A_726, %get3A_1572 : vector<16xf32>
    %add3A_1574 = arith.addf %add3A_1569, %mul3A_1573 : vector<16xf32>
    %div3A_1575 = arith.divf %add3A_1574, %add3A_401 : vector<16xf32>
    %swap3A_1576 = arith.constant 128 : index
    %swap3A_1577 = tpu.vector_load %arg9[%swap3A_1576] {strides = array<i32>} : memref<256xf32, #tpu.memory_space<vmem>>, vector<16xf32>,
    tpu.vector_store %arg9[%swap3A_1576], %div3A_1575 {strides = array<i32>} : memref<256xf32, #tpu.memory_space<vmem>>, vector<16xf32>,
    %broadcast_in_dim3A_1578 = arith.constant 0.000000e+00 : f32
    %broadcast_in_dim3A_1579 = vector.broadcast %broadcast_in_dim3A_1578 : f32 to vector<16xf32>
    %get3A_1580 = arith.constant 0 : i32
    %get3A_1581 = arith.index_cast %get3A_1580 : i32 to index
    %get3A_1582 = arith.constant 144 : index
    %get3A_1583 = tpu.vector_load %arg8[%get3A_1581, %get3A_1582] {strides = array<i32>} : memref<8x256xf32, #tpu.memory_space<vmem>>, vector<16xf32>,
    %mul3A_1584 = arith.mulf %gather3A_651, %get3A_1583 : vector<16xf32>
    %add3A_1585 = arith.addf %broadcast_in_dim3A_1579, %mul3A_1584 : vector<16xf32>
    %get3A_1586 = arith.index_cast %squeeze3A_728 : i32 to index
    %get3A_1587 = arith.constant 144 : index
    %get3A_1588 = tpu.vector_load %arg7[%get3A_1586, %get3A_1587] {strides = array<i32>} : memref<16x256xf32, #tpu.memory_space<vmem>>, vector<16xf32>,
    %mul3A_1589 = arith.mulf %gather3A_691, %get3A_1588 : vector<16xf32>
    %add3A_1590 = arith.addf %add3A_1585, %mul3A_1589 : vector<16xf32>
    %get3A_1591 = arith.constant 1 : i32
    %get3A_1592 = arith.index_cast %get3A_1591 : i32 to index
    %get3A_1593 = arith.constant 144 : index
    %get3A_1594 = tpu.vector_load %arg8[%get3A_1592, %get3A_1593] {strides = array<i32>} : memref<8x256xf32, #tpu.memory_space<vmem>>, vector<16xf32>,
    %mul3A_1595 = arith.mulf %gather3A_656, %get3A_1594 : vector<16xf32>
    %add3A_1596 = arith.addf %add3A_1590, %mul3A_1595 : vector<16xf32>
    %get3A_1597 = arith.index_cast %squeeze3A_730 : i32 to index
    %get3A_1598 = arith.constant 144 : index
    %get3A_1599 = tpu.vector_load %arg7[%get3A_1597, %get3A_1598] {strides = array<i32>} : memref<16x256xf32, #tpu.memory_space<vmem>>, vector<16xf32>,
    %mul3A_1600 = arith.mulf %gather3A_696, %get3A_1599 : vector<16xf32>
    %add3A_1601 = arith.addf %add3A_1596, %mul3A_1600 : vector<16xf32>
    %get3A_1602 = arith.constant 2 : i32
    %get3A_1603 = arith.index_cast %get3A_1602 : i32 to index
    %get3A_1604 = arith.constant 144 : index
    %get3A_1605 = tpu.vector_load %arg8[%get3A_1603, %get3A_1604] {strides = array<i32>} : memref<8x256xf32, #tpu.memory_space<vmem>>, vector<16xf32>,
    %mul3A_1606 = arith.mulf %gather3A_661, %get3A_1605 : vector<16xf32>
    %add3A_1607 = arith.addf %add3A_1601, %mul3A_1606 : vector<16xf32>
    %get3A_1608 = arith.index_cast %squeeze3A_732 : i32 to index
    %get3A_1609 = arith.constant 144 : index
    %get3A_1610 = tpu.vector_load %arg7[%get3A_1608, %get3A_1609] {strides = array<i32>} : memref<16x256xf32, #tpu.memory_space<vmem>>, vector<16xf32>,
    %mul3A_1611 = arith.mulf %gather3A_701, %get3A_1610 : vector<16xf32>
    %add3A_1612 = arith.addf %add3A_1607, %mul3A_1611 : vector<16xf32>
    %get3A_1613 = arith.constant 3 : i32
    %get3A_1614 = arith.index_cast %get3A_1613 : i32 to index
    %get3A_1615 = arith.constant 144 : index
    %get3A_1616 = tpu.vector_load %arg8[%get3A_1614, %get3A_1615] {strides = array<i32>} : memref<8x256xf32, #tpu.memory_space<vmem>>, vector<16xf32>,
    %mul3A_1617 = arith.mulf %gather3A_666, %get3A_1616 : vector<16xf32>
    %add3A_1618 = arith.addf %add3A_1612, %mul3A_1617 : vector<16xf32>
    %get3A_1619 = arith.index_cast %squeeze3A_734 : i32 to index
    %get3A_1620 = arith.constant 144 : index
    %get3A_1621 = tpu.vector_load %arg7[%get3A_1619, %get3A_1620] {strides = array<i32>} : memref<16x256xf32, #tpu.memory_space<vmem>>, vector<16xf32>,
    %mul3A_1622 = arith.mulf %gather3A_706, %get3A_1621 : vector<16xf32>
    %add3A_1623 = arith.addf %add3A_1618, %mul3A_1622 : vector<16xf32>
    %get3A_1624 = arith.constant 4 : i32
    %get3A_1625 = arith.index_cast %get3A_1624 : i32 to index
    %get3A_1626 = arith.constant 144 : index
    %get3A_1627 = tpu.vector_load %arg8[%get3A_1625, %get3A_1626] {strides = array<i32>} : memref<8x256xf32, #tpu.memory_space<vmem>>, vector<16xf32>,
    %mul3A_1628 = arith.mulf %gather3A_671, %get3A_1627 : vector<16xf32>
    %add3A_1629 = arith.addf %add3A_1623, %mul3A_1628 : vector<16xf32>
    %get3A_1630 = arith.index_cast %squeeze3A_736 : i32 to index
    %get3A_1631 = arith.constant 144 : index
    %get3A_1632 = tpu.vector_load %arg7[%get3A_1630, %get3A_1631] {strides = array<i32>} : memref<16x256xf32, #tpu.memory_space<vmem>>, vector<16xf32>,
    %mul3A_1633 = arith.mulf %gather3A_711, %get3A_1632 : vector<16xf32>
    %add3A_1634 = arith.addf %add3A_1629, %mul3A_1633 : vector<16xf32>
    %get3A_1635 = arith.constant 5 : i32
    %get3A_1636 = arith.index_cast %get3A_1635 : i32 to index
    %get3A_1637 = arith.constant 144 : index
    %get3A_1638 = tpu.vector_load %arg8[%get3A_1636, %get3A_1637] {strides = array<i32>} : memref<8x256xf32, #tpu.memory_space<vmem>>, vector<16xf32>,
    %mul3A_1639 = arith.mulf %gather3A_676, %get3A_1638 : vector<16xf32>
    %add3A_1640 = arith.addf %add3A_1634, %mul3A_1639 : vector<16xf32>
    %get3A_1641 = arith.index_cast %squeeze3A_738 : i32 to index
    %get3A_1642 = arith.constant 144 : index
    %get3A_1643 = tpu.vector_load %arg7[%get3A_1641, %get3A_1642] {strides = array<i32>} : memref<16x256xf32, #tpu.memory_space<vmem>>, vector<16xf32>,
    %mul3A_1644 = arith.mulf %gather3A_716, %get3A_1643 : vector<16xf32>
    %add3A_1645 = arith.addf %add3A_1640, %mul3A_1644 : vector<16xf32>
    %get3A_1646 = arith.constant 6 : i32
    %get3A_1647 = arith.index_cast %get3A_1646 : i32 to index
    %get3A_1648 = arith.constant 144 : index
    %get3A_1649 = tpu.vector_load %arg8[%get3A_1647, %get3A_1648] {strides = array<i32>} : memref<8x256xf32, #tpu.memory_space<vmem>>, vector<16xf32>,
    %mul3A_1650 = arith.mulf %gather3A_681, %get3A_1649 : vector<16xf32>
    %add3A_1651 = arith.addf %add3A_1645, %mul3A_1650 : vector<16xf32>
    %get3A_1652 = arith.index_cast %squeeze3A_740 : i32 to index
    %get3A_1653 = arith.constant 144 : index
    %get3A_1654 = tpu.vector_load %arg7[%get3A_1652, %get3A_1653] {strides = array<i32>} : memref<16x256xf32, #tpu.memory_space<vmem>>, vector<16xf32>,
    %mul3A_1655 = arith.mulf %gather3A_721, %get3A_1654 : vector<16xf32>
    %add3A_1656 = arith.addf %add3A_1651, %mul3A_1655 : vector<16xf32>
    %get3A_1657 = arith.constant 7 : i32
    %get3A_1658 = arith.index_cast %get3A_1657 : i32 to index
    %get3A_1659 = arith.constant 144 : index
    %get3A_1660 = tpu.vector_load %arg8[%get3A_1658, %get3A_1659] {strides = array<i32>} : memref<8x256xf32, #tpu.memory_space<vmem>>, vector<16xf32>,
    %mul3A_1661 = arith.mulf %gather3A_686, %get3A_1660 : vector<16xf32>
    %add3A_1662 = arith.addf %add3A_1656, %mul3A_1661 : vector<16xf32>
    %get3A_1663 = arith.index_cast %squeeze3A_742 : i32 to index
    %get3A_1664 = arith.constant 144 : index
    %get3A_1665 = tpu.vector_load %arg7[%get3A_1663, %get3A_1664] {strides = array<i32>} : memref<16x256xf32, #tpu.memory_space<vmem>>, vector<16xf32>,
    %mul3A_1666 = arith.mulf %gather3A_726, %get3A_1665 : vector<16xf32>
    %add3A_1667 = arith.addf %add3A_1662, %mul3A_1666 : vector<16xf32>
    %div3A_1668 = arith.divf %add3A_1667, %add3A_401 : vector<16xf32>
    %swap3A_1669 = arith.constant 144 : index
    %swap3A_1670 = tpu.vector_load %arg9[%swap3A_1669] {strides = array<i32>} : memref<256xf32, #tpu.memory_space<vmem>>, vector<16xf32>,
    tpu.vector_store %arg9[%swap3A_1669], %div3A_1668 {strides = array<i32>} : memref<256xf32, #tpu.memory_space<vmem>>, vector<16xf32>,
    %broadcast_in_dim3A_1671 = arith.constant 0.000000e+00 : f32
    %broadcast_in_dim3A_1672 = vector.broadcast %broadcast_in_dim3A_1671 : f32 to vector<16xf32>
    %get3A_1673 = arith.constant 0 : i32
    %get3A_1674 = arith.index_cast %get3A_1673 : i32 to index
    %get3A_1675 = arith.constant 160 : index
    %get3A_1676 = tpu.vector_load %arg8[%get3A_1674, %get3A_1675] {strides = array<i32>} : memref<8x256xf32, #tpu.memory_space<vmem>>, vector<16xf32>,
    %mul3A_1677 = arith.mulf %gather3A_651, %get3A_1676 : vector<16xf32>
    %add3A_1678 = arith.addf %broadcast_in_dim3A_1672, %mul3A_1677 : vector<16xf32>
    %get3A_1679 = arith.index_cast %squeeze3A_728 : i32 to index
    %get3A_1680 = arith.constant 160 : index
    %get3A_1681 = tpu.vector_load %arg7[%get3A_1679, %get3A_1680] {strides = array<i32>} : memref<16x256xf32, #tpu.memory_space<vmem>>, vector<16xf32>,
    %mul3A_1682 = arith.mulf %gather3A_691, %get3A_1681 : vector<16xf32>
    %add3A_1683 = arith.addf %add3A_1678, %mul3A_1682 : vector<16xf32>
    %get3A_1684 = arith.constant 1 : i32
    %get3A_1685 = arith.index_cast %get3A_1684 : i32 to index
    %get3A_1686 = arith.constant 160 : index
    %get3A_1687 = tpu.vector_load %arg8[%get3A_1685, %get3A_1686] {strides = array<i32>} : memref<8x256xf32, #tpu.memory_space<vmem>>, vector<16xf32>,
    %mul3A_1688 = arith.mulf %gather3A_656, %get3A_1687 : vector<16xf32>
    %add3A_1689 = arith.addf %add3A_1683, %mul3A_1688 : vector<16xf32>
    %get3A_1690 = arith.index_cast %squeeze3A_730 : i32 to index
    %get3A_1691 = arith.constant 160 : index
    %get3A_1692 = tpu.vector_load %arg7[%get3A_1690, %get3A_1691] {strides = array<i32>} : memref<16x256xf32, #tpu.memory_space<vmem>>, vector<16xf32>,
    %mul3A_1693 = arith.mulf %gather3A_696, %get3A_1692 : vector<16xf32>
    %add3A_1694 = arith.addf %add3A_1689, %mul3A_1693 : vector<16xf32>
    %get3A_1695 = arith.constant 2 : i32
    %get3A_1696 = arith.index_cast %get3A_1695 : i32 to index
    %get3A_1697 = arith.constant 160 : index
    %get3A_1698 = tpu.vector_load %arg8[%get3A_1696, %get3A_1697] {strides = array<i32>} : memref<8x256xf32, #tpu.memory_space<vmem>>, vector<16xf32>,
    %mul3A_1699 = arith.mulf %gather3A_661, %get3A_1698 : vector<16xf32>
    %add3A_1700 = arith.addf %add3A_1694, %mul3A_1699 : vector<16xf32>
    %get3A_1701 = arith.index_cast %squeeze3A_732 : i32 to index
    %get3A_1702 = arith.constant 160 : index
    %get3A_1703 = tpu.vector_load %arg7[%get3A_1701, %get3A_1702] {strides = array<i32>} : memref<16x256xf32, #tpu.memory_space<vmem>>, vector<16xf32>,
    %mul3A_1704 = arith.mulf %gather3A_701, %get3A_1703 : vector<16xf32>
    %add3A_1705 = arith.addf %add3A_1700, %mul3A_1704 : vector<16xf32>
    %get3A_1706 = arith.constant 3 : i32
    %get3A_1707 = arith.index_cast %get3A_1706 : i32 to index
    %get3A_1708 = arith.constant 160 : index
    %get3A_1709 = tpu.vector_load %arg8[%get3A_1707, %get3A_1708] {strides = array<i32>} : memref<8x256xf32, #tpu.memory_space<vmem>>, vector<16xf32>,
    %mul3A_1710 = arith.mulf %gather3A_666, %get3A_1709 : vector<16xf32>
    %add3A_1711 = arith.addf %add3A_1705, %mul3A_1710 : vector<16xf32>
    %get3A_1712 = arith.index_cast %squeeze3A_734 : i32 to index
    %get3A_1713 = arith.constant 160 : index
    %get3A_1714 = tpu.vector_load %arg7[%get3A_1712, %get3A_1713] {strides = array<i32>} : memref<16x256xf32, #tpu.memory_space<vmem>>, vector<16xf32>,
    %mul3A_1715 = arith.mulf %gather3A_706, %get3A_1714 : vector<16xf32>
    %add3A_1716 = arith.addf %add3A_1711, %mul3A_1715 : vector<16xf32>
    %get3A_1717 = arith.constant 4 : i32
    %get3A_1718 = arith.index_cast %get3A_1717 : i32 to index
    %get3A_1719 = arith.constant 160 : index
    %get3A_1720 = tpu.vector_load %arg8[%get3A_1718, %get3A_1719] {strides = array<i32>} : memref<8x256xf32, #tpu.memory_space<vmem>>, vector<16xf32>,
    %mul3A_1721 = arith.mulf %gather3A_671, %get3A_1720 : vector<16xf32>
    %add3A_1722 = arith.addf %add3A_1716, %mul3A_1721 : vector<16xf32>
    %get3A_1723 = arith.index_cast %squeeze3A_736 : i32 to index
    %get3A_1724 = arith.constant 160 : index
    %get3A_1725 = tpu.vector_load %arg7[%get3A_1723, %get3A_1724] {strides = array<i32>} : memref<16x256xf32, #tpu.memory_space<vmem>>, vector<16xf32>,
    %mul3A_1726 = arith.mulf %gather3A_711, %get3A_1725 : vector<16xf32>
    %add3A_1727 = arith.addf %add3A_1722, %mul3A_1726 : vector<16xf32>
    %get3A_1728 = arith.constant 5 : i32
    %get3A_1729 = arith.index_cast %get3A_1728 : i32 to index
    %get3A_1730 = arith.constant 160 : index
    %get3A_1731 = tpu.vector_load %arg8[%get3A_1729, %get3A_1730] {strides = array<i32>} : memref<8x256xf32, #tpu.memory_space<vmem>>, vector<16xf32>,
    %mul3A_1732 = arith.mulf %gather3A_676, %get3A_1731 : vector<16xf32>
    %add3A_1733 = arith.addf %add3A_1727, %mul3A_1732 : vector<16xf32>
    %get3A_1734 = arith.index_cast %squeeze3A_738 : i32 to index
    %get3A_1735 = arith.constant 160 : index
    %get3A_1736 = tpu.vector_load %arg7[%get3A_1734, %get3A_1735] {strides = array<i32>} : memref<16x256xf32, #tpu.memory_space<vmem>>, vector<16xf32>,
    %mul3A_1737 = arith.mulf %gather3A_716, %get3A_1736 : vector<16xf32>
    %add3A_1738 = arith.addf %add3A_1733, %mul3A_1737 : vector<16xf32>
    %get3A_1739 = arith.constant 6 : i32
    %get3A_1740 = arith.index_cast %get3A_1739 : i32 to index
    %get3A_1741 = arith.constant 160 : index
    %get3A_1742 = tpu.vector_load %arg8[%get3A_1740, %get3A_1741] {strides = array<i32>} : memref<8x256xf32, #tpu.memory_space<vmem>>, vector<16xf32>,
    %mul3A_1743 = arith.mulf %gather3A_681, %get3A_1742 : vector<16xf32>
    %add3A_1744 = arith.addf %add3A_1738, %mul3A_1743 : vector<16xf32>
    %get3A_1745 = arith.index_cast %squeeze3A_740 : i32 to index
    %get3A_1746 = arith.constant 160 : index
    %get3A_1747 = tpu.vector_load %arg7[%get3A_1745, %get3A_1746] {strides = array<i32>} : memref<16x256xf32, #tpu.memory_space<vmem>>, vector<16xf32>,
    %mul3A_1748 = arith.mulf %gather3A_721, %get3A_1747 : vector<16xf32>
    %add3A_1749 = arith.addf %add3A_1744, %mul3A_1748 : vector<16xf32>
    %get3A_1750 = arith.constant 7 : i32
    %get3A_1751 = arith.index_cast %get3A_1750 : i32 to index
    %get3A_1752 = arith.constant 160 : index
    %get3A_1753 = tpu.vector_load %arg8[%get3A_1751, %get3A_1752] {strides = array<i32>} : memref<8x256xf32, #tpu.memory_space<vmem>>, vector<16xf32>,
    %mul3A_1754 = arith.mulf %gather3A_686, %get3A_1753 : vector<16xf32>
    %add3A_1755 = arith.addf %add3A_1749, %mul3A_1754 : vector<16xf32>
    %get3A_1756 = arith.index_cast %squeeze3A_742 : i32 to index
    %get3A_1757 = arith.constant 160 : index
    %get3A_1758 = tpu.vector_load %arg7[%get3A_1756, %get3A_1757] {strides = array<i32>} : memref<16x256xf32, #tpu.memory_space<vmem>>, vector<16xf32>,
    %mul3A_1759 = arith.mulf %gather3A_726, %get3A_1758 : vector<16xf32>
    %add3A_1760 = arith.addf %add3A_1755, %mul3A_1759 : vector<16xf32>
    %div3A_1761 = arith.divf %add3A_1760, %add3A_401 : vector<16xf32>
    %swap3A_1762 = arith.constant 160 : index
    %swap3A_1763 = tpu.vector_load %arg9[%swap3A_1762] {strides = array<i32>} : memref<256xf32, #tpu.memory_space<vmem>>, vector<16xf32>,
    tpu.vector_store %arg9[%swap3A_1762], %div3A_1761 {strides = array<i32>} : memref<256xf32, #tpu.memory_space<vmem>>, vector<16xf32>,
    %broadcast_in_dim3A_1764 = arith.constant 0.000000e+00 : f32
    %broadcast_in_dim3A_1765 = vector.broadcast %broadcast_in_dim3A_1764 : f32 to vector<16xf32>
    %get3A_1766 = arith.constant 0 : i32
    %get3A_1767 = arith.index_cast %get3A_1766 : i32 to index
    %get3A_1768 = arith.constant 176 : index
    %get3A_1769 = tpu.vector_load %arg8[%get3A_1767, %get3A_1768] {strides = array<i32>} : memref<8x256xf32, #tpu.memory_space<vmem>>, vector<16xf32>,
    %mul3A_1770 = arith.mulf %gather3A_651, %get3A_1769 : vector<16xf32>
    %add3A_1771 = arith.addf %broadcast_in_dim3A_1765, %mul3A_1770 : vector<16xf32>
    %get3A_1772 = arith.index_cast %squeeze3A_728 : i32 to index
    %get3A_1773 = arith.constant 176 : index
    %get3A_1774 = tpu.vector_load %arg7[%get3A_1772, %get3A_1773] {strides = array<i32>} : memref<16x256xf32, #tpu.memory_space<vmem>>, vector<16xf32>,
    %mul3A_1775 = arith.mulf %gather3A_691, %get3A_1774 : vector<16xf32>
    %add3A_1776 = arith.addf %add3A_1771, %mul3A_1775 : vector<16xf32>
    %get3A_1777 = arith.constant 1 : i32
    %get3A_1778 = arith.index_cast %get3A_1777 : i32 to index
    %get3A_1779 = arith.constant 176 : index
    %get3A_1780 = tpu.vector_load %arg8[%get3A_1778, %get3A_1779] {strides = array<i32>} : memref<8x256xf32, #tpu.memory_space<vmem>>, vector<16xf32>,
    %mul3A_1781 = arith.mulf %gather3A_656, %get3A_1780 : vector<16xf32>
    %add3A_1782 = arith.addf %add3A_1776, %mul3A_1781 : vector<16xf32>
    %get3A_1783 = arith.index_cast %squeeze3A_730 : i32 to index
    %get3A_1784 = arith.constant 176 : index
    %get3A_1785 = tpu.vector_load %arg7[%get3A_1783, %get3A_1784] {strides = array<i32>} : memref<16x256xf32, #tpu.memory_space<vmem>>, vector<16xf32>,
    %mul3A_1786 = arith.mulf %gather3A_696, %get3A_1785 : vector<16xf32>
    %add3A_1787 = arith.addf %add3A_1782, %mul3A_1786 : vector<16xf32>
    %get3A_1788 = arith.constant 2 : i32
    %get3A_1789 = arith.index_cast %get3A_1788 : i32 to index
    %get3A_1790 = arith.constant 176 : index
    %get3A_1791 = tpu.vector_load %arg8[%get3A_1789, %get3A_1790] {strides = array<i32>} : memref<8x256xf32, #tpu.memory_space<vmem>>, vector<16xf32>,
    %mul3A_1792 = arith.mulf %gather3A_661, %get3A_1791 : vector<16xf32>
    %add3A_1793 = arith.addf %add3A_1787, %mul3A_1792 : vector<16xf32>
    %get3A_1794 = arith.index_cast %squeeze3A_732 : i32 to index
    %get3A_1795 = arith.constant 176 : index
    %get3A_1796 = tpu.vector_load %arg7[%get3A_1794, %get3A_1795] {strides = array<i32>} : memref<16x256xf32, #tpu.memory_space<vmem>>, vector<16xf32>,
    %mul3A_1797 = arith.mulf %gather3A_701, %get3A_1796 : vector<16xf32>
    %add3A_1798 = arith.addf %add3A_1793, %mul3A_1797 : vector<16xf32>
    %get3A_1799 = arith.constant 3 : i32
    %get3A_1800 = arith.index_cast %get3A_1799 : i32 to index
    %get3A_1801 = arith.constant 176 : index
    %get3A_1802 = tpu.vector_load %arg8[%get3A_1800, %get3A_1801] {strides = array<i32>} : memref<8x256xf32, #tpu.memory_space<vmem>>, vector<16xf32>,
    %mul3A_1803 = arith.mulf %gather3A_666, %get3A_1802 : vector<16xf32>
    %add3A_1804 = arith.addf %add3A_1798, %mul3A_1803 : vector<16xf32>
    %get3A_1805 = arith.index_cast %squeeze3A_734 : i32 to index
    %get3A_1806 = arith.constant 176 : index
    %get3A_1807 = tpu.vector_load %arg7[%get3A_1805, %get3A_1806] {strides = array<i32>} : memref<16x256xf32, #tpu.memory_space<vmem>>, vector<16xf32>,
    %mul3A_1808 = arith.mulf %gather3A_706, %get3A_1807 : vector<16xf32>
    %add3A_1809 = arith.addf %add3A_1804, %mul3A_1808 : vector<16xf32>
    %get3A_1810 = arith.constant 4 : i32
    %get3A_1811 = arith.index_cast %get3A_1810 : i32 to index
    %get3A_1812 = arith.constant 176 : index
    %get3A_1813 = tpu.vector_load %arg8[%get3A_1811, %get3A_1812] {strides = array<i32>} : memref<8x256xf32, #tpu.memory_space<vmem>>, vector<16xf32>,
    %mul3A_1814 = arith.mulf %gather3A_671, %get3A_1813 : vector<16xf32>
    %add3A_1815 = arith.addf %add3A_1809, %mul3A_1814 : vector<16xf32>
    %get3A_1816 = arith.index_cast %squeeze3A_736 : i32 to index
    %get3A_1817 = arith.constant 176 : index
    %get3A_1818 = tpu.vector_load %arg7[%get3A_1816, %get3A_1817] {strides = array<i32>} : memref<16x256xf32, #tpu.memory_space<vmem>>, vector<16xf32>,
    %mul3A_1819 = arith.mulf %gather3A_711, %get3A_1818 : vector<16xf32>
    %add3A_1820 = arith.addf %add3A_1815, %mul3A_1819 : vector<16xf32>
    %get3A_1821 = arith.constant 5 : i32
    %get3A_1822 = arith.index_cast %get3A_1821 : i32 to index
    %get3A_1823 = arith.constant 176 : index
    %get3A_1824 = tpu.vector_load %arg8[%get3A_1822, %get3A_1823] {strides = array<i32>} : memref<8x256xf32, #tpu.memory_space<vmem>>, vector<16xf32>,
    %mul3A_1825 = arith.mulf %gather3A_676, %get3A_1824 : vector<16xf32>
    %add3A_1826 = arith.addf %add3A_1820, %mul3A_1825 : vector<16xf32>
    %get3A_1827 = arith.index_cast %squeeze3A_738 : i32 to index
    %get3A_1828 = arith.constant 176 : index
    %get3A_1829 = tpu.vector_load %arg7[%get3A_1827, %get3A_1828] {strides = array<i32>} : memref<16x256xf32, #tpu.memory_space<vmem>>, vector<16xf32>,
    %mul3A_1830 = arith.mulf %gather3A_716, %get3A_1829 : vector<16xf32>
    %add3A_1831 = arith.addf %add3A_1826, %mul3A_1830 : vector<16xf32>
    %get3A_1832 = arith.constant 6 : i32
    %get3A_1833 = arith.index_cast %get3A_1832 : i32 to index
    %get3A_1834 = arith.constant 176 : index
    %get3A_1835 = tpu.vector_load %arg8[%get3A_1833, %get3A_1834] {strides = array<i32>} : memref<8x256xf32, #tpu.memory_space<vmem>>, vector<16xf32>,
    %mul3A_1836 = arith.mulf %gather3A_681, %get3A_1835 : vector<16xf32>
    %add3A_1837 = arith.addf %add3A_1831, %mul3A_1836 : vector<16xf32>
    %get3A_1838 = arith.index_cast %squeeze3A_740 : i32 to index
    %get3A_1839 = arith.constant 176 : index
    %get3A_1840 = tpu.vector_load %arg7[%get3A_1838, %get3A_1839] {strides = array<i32>} : memref<16x256xf32, #tpu.memory_space<vmem>>, vector<16xf32>,
    %mul3A_1841 = arith.mulf %gather3A_721, %get3A_1840 : vector<16xf32>
    %add3A_1842 = arith.addf %add3A_1837, %mul3A_1841 : vector<16xf32>
    %get3A_1843 = arith.constant 7 : i32
    %get3A_1844 = arith.index_cast %get3A_1843 : i32 to index
    %get3A_1845 = arith.constant 176 : index
    %get3A_1846 = tpu.vector_load %arg8[%get3A_1844, %get3A_1845] {strides = array<i32>} : memref<8x256xf32, #tpu.memory_space<vmem>>, vector<16xf32>,
    %mul3A_1847 = arith.mulf %gather3A_686, %get3A_1846 : vector<16xf32>
    %add3A_1848 = arith.addf %add3A_1842, %mul3A_1847 : vector<16xf32>
    %get3A_1849 = arith.index_cast %squeeze3A_742 : i32 to index
    %get3A_1850 = arith.constant 176 : index
    %get3A_1851 = tpu.vector_load %arg7[%get3A_1849, %get3A_1850] {strides = array<i32>} : memref<16x256xf32, #tpu.memory_space<vmem>>, vector<16xf32>,
    %mul3A_1852 = arith.mulf %gather3A_726, %get3A_1851 : vector<16xf32>
    %add3A_1853 = arith.addf %add3A_1848, %mul3A_1852 : vector<16xf32>
    %div3A_1854 = arith.divf %add3A_1853, %add3A_401 : vector<16xf32>
    %swap3A_1855 = arith.constant 176 : index
    %swap3A_1856 = tpu.vector_load %arg9[%swap3A_1855] {strides = array<i32>} : memref<256xf32, #tpu.memory_space<vmem>>, vector<16xf32>,
    tpu.vector_store %arg9[%swap3A_1855], %div3A_1854 {strides = array<i32>} : memref<256xf32, #tpu.memory_space<vmem>>, vector<16xf32>,
    %broadcast_in_dim3A_1857 = arith.constant 0.000000e+00 : f32
    %broadcast_in_dim3A_1858 = vector.broadcast %broadcast_in_dim3A_1857 : f32 to vector<16xf32>
    %get3A_1859 = arith.constant 0 : i32
    %get3A_1860 = arith.index_cast %get3A_1859 : i32 to index
    %get3A_1861 = arith.constant 192 : index
    %get3A_1862 = tpu.vector_load %arg8[%get3A_1860, %get3A_1861] {strides = array<i32>} : memref<8x256xf32, #tpu.memory_space<vmem>>, vector<16xf32>,
    %mul3A_1863 = arith.mulf %gather3A_651, %get3A_1862 : vector<16xf32>
    %add3A_1864 = arith.addf %broadcast_in_dim3A_1858, %mul3A_1863 : vector<16xf32>
    %get3A_1865 = arith.index_cast %squeeze3A_728 : i32 to index
    %get3A_1866 = arith.constant 192 : index
    %get3A_1867 = tpu.vector_load %arg7[%get3A_1865, %get3A_1866] {strides = array<i32>} : memref<16x256xf32, #tpu.memory_space<vmem>>, vector<16xf32>,
    %mul3A_1868 = arith.mulf %gather3A_691, %get3A_1867 : vector<16xf32>
    %add3A_1869 = arith.addf %add3A_1864, %mul3A_1868 : vector<16xf32>
    %get3A_1870 = arith.constant 1 : i32
    %get3A_1871 = arith.index_cast %get3A_1870 : i32 to index
    %get3A_1872 = arith.constant 192 : index
    %get3A_1873 = tpu.vector_load %arg8[%get3A_1871, %get3A_1872] {strides = array<i32>} : memref<8x256xf32, #tpu.memory_space<vmem>>, vector<16xf32>,
    %mul3A_1874 = arith.mulf %gather3A_656, %get3A_1873 : vector<16xf32>
    %add3A_1875 = arith.addf %add3A_1869, %mul3A_1874 : vector<16xf32>
    %get3A_1876 = arith.index_cast %squeeze3A_730 : i32 to index
    %get3A_1877 = arith.constant 192 : index
    %get3A_1878 = tpu.vector_load %arg7[%get3A_1876, %get3A_1877] {strides = array<i32>} : memref<16x256xf32, #tpu.memory_space<vmem>>, vector<16xf32>,
    %mul3A_1879 = arith.mulf %gather3A_696, %get3A_1878 : vector<16xf32>
    %add3A_1880 = arith.addf %add3A_1875, %mul3A_1879 : vector<16xf32>
    %get3A_1881 = arith.constant 2 : i32
    %get3A_1882 = arith.index_cast %get3A_1881 : i32 to index
    %get3A_1883 = arith.constant 192 : index
    %get3A_1884 = tpu.vector_load %arg8[%get3A_1882, %get3A_1883] {strides = array<i32>} : memref<8x256xf32, #tpu.memory_space<vmem>>, vector<16xf32>,
    %mul3A_1885 = arith.mulf %gather3A_661, %get3A_1884 : vector<16xf32>
    %add3A_1886 = arith.addf %add3A_1880, %mul3A_1885 : vector<16xf32>
    %get3A_1887 = arith.index_cast %squeeze3A_732 : i32 to index
    %get3A_1888 = arith.constant 192 : index
    %get3A_1889 = tpu.vector_load %arg7[%get3A_1887, %get3A_1888] {strides = array<i32>} : memref<16x256xf32, #tpu.memory_space<vmem>>, vector<16xf32>,
    %mul3A_1890 = arith.mulf %gather3A_701, %get3A_1889 : vector<16xf32>
    %add3A_1891 = arith.addf %add3A_1886, %mul3A_1890 : vector<16xf32>
    %get3A_1892 = arith.constant 3 : i32
    %get3A_1893 = arith.index_cast %get3A_1892 : i32 to index
    %get3A_1894 = arith.constant 192 : index
    %get3A_1895 = tpu.vector_load %arg8[%get3A_1893, %get3A_1894] {strides = array<i32>} : memref<8x256xf32, #tpu.memory_space<vmem>>, vector<16xf32>,
    %mul3A_1896 = arith.mulf %gather3A_666, %get3A_1895 : vector<16xf32>
    %add3A_1897 = arith.addf %add3A_1891, %mul3A_1896 : vector<16xf32>
    %get3A_1898 = arith.index_cast %squeeze3A_734 : i32 to index
    %get3A_1899 = arith.constant 192 : index
    %get3A_1900 = tpu.vector_load %arg7[%get3A_1898, %get3A_1899] {strides = array<i32>} : memref<16x256xf32, #tpu.memory_space<vmem>>, vector<16xf32>,
    %mul3A_1901 = arith.mulf %gather3A_706, %get3A_1900 : vector<16xf32>
    %add3A_1902 = arith.addf %add3A_1897, %mul3A_1901 : vector<16xf32>
    %get3A_1903 = arith.constant 4 : i32
    %get3A_1904 = arith.index_cast %get3A_1903 : i32 to index
    %get3A_1905 = arith.constant 192 : index
    %get3A_1906 = tpu.vector_load %arg8[%get3A_1904, %get3A_1905] {strides = array<i32>} : memref<8x256xf32, #tpu.memory_space<vmem>>, vector<16xf32>,
    %mul3A_1907 = arith.mulf %gather3A_671, %get3A_1906 : vector<16xf32>
    %add3A_1908 = arith.addf %add3A_1902, %mul3A_1907 : vector<16xf32>
    %get3A_1909 = arith.index_cast %squeeze3A_736 : i32 to index
    %get3A_1910 = arith.constant 192 : index
    %get3A_1911 = tpu.vector_load %arg7[%get3A_1909, %get3A_1910] {strides = array<i32>} : memref<16x256xf32, #tpu.memory_space<vmem>>, vector<16xf32>,
    %mul3A_1912 = arith.mulf %gather3A_711, %get3A_1911 : vector<16xf32>
    %add3A_1913 = arith.addf %add3A_1908, %mul3A_1912 : vector<16xf32>
    %get3A_1914 = arith.constant 5 : i32
    %get3A_1915 = arith.index_cast %get3A_1914 : i32 to index
    %get3A_1916 = arith.constant 192 : index
    %get3A_1917 = tpu.vector_load %arg8[%get3A_1915, %get3A_1916] {strides = array<i32>} : memref<8x256xf32, #tpu.memory_space<vmem>>, vector<16xf32>,
    %mul3A_1918 = arith.mulf %gather3A_676, %get3A_1917 : vector<16xf32>
    %add3A_1919 = arith.addf %add3A_1913, %mul3A_1918 : vector<16xf32>
    %get3A_1920 = arith.index_cast %squeeze3A_738 : i32 to index
    %get3A_1921 = arith.constant 192 : index
    %get3A_1922 = tpu.vector_load %arg7[%get3A_1920, %get3A_1921] {strides = array<i32>} : memref<16x256xf32, #tpu.memory_space<vmem>>, vector<16xf32>,
    %mul3A_1923 = arith.mulf %gather3A_716, %get3A_1922 : vector<16xf32>
    %add3A_1924 = arith.addf %add3A_1919, %mul3A_1923 : vector<16xf32>
    %get3A_1925 = arith.constant 6 : i32
    %get3A_1926 = arith.index_cast %get3A_1925 : i32 to index
    %get3A_1927 = arith.constant 192 : index
    %get3A_1928 = tpu.vector_load %arg8[%get3A_1926, %get3A_1927] {strides = array<i32>} : memref<8x256xf32, #tpu.memory_space<vmem>>, vector<16xf32>,
    %mul3A_1929 = arith.mulf %gather3A_681, %get3A_1928 : vector<16xf32>
    %add3A_1930 = arith.addf %add3A_1924, %mul3A_1929 : vector<16xf32>
    %get3A_1931 = arith.index_cast %squeeze3A_740 : i32 to index
    %get3A_1932 = arith.constant 192 : index
    %get3A_1933 = tpu.vector_load %arg7[%get3A_1931, %get3A_1932] {strides = array<i32>} : memref<16x256xf32, #tpu.memory_space<vmem>>, vector<16xf32>,
    %mul3A_1934 = arith.mulf %gather3A_721, %get3A_1933 : vector<16xf32>
    %add3A_1935 = arith.addf %add3A_1930, %mul3A_1934 : vector<16xf32>
    %get3A_1936 = arith.constant 7 : i32
    %get3A_1937 = arith.index_cast %get3A_1936 : i32 to index
    %get3A_1938 = arith.constant 192 : index
    %get3A_1939 = tpu.vector_load %arg8[%get3A_1937, %get3A_1938] {strides = array<i32>} : memref<8x256xf32, #tpu.memory_space<vmem>>, vector<16xf32>,
    %mul3A_1940 = arith.mulf %gather3A_686, %get3A_1939 : vector<16xf32>
    %add3A_1941 = arith.addf %add3A_1935, %mul3A_1940 : vector<16xf32>
    %get3A_1942 = arith.index_cast %squeeze3A_742 : i32 to index
    %get3A_1943 = arith.constant 192 : index
    %get3A_1944 = tpu.vector_load %arg7[%get3A_1942, %get3A_1943] {strides = array<i32>} : memref<16x256xf32, #tpu.memory_space<vmem>>, vector<16xf32>,
    %mul3A_1945 = arith.mulf %gather3A_726, %get3A_1944 : vector<16xf32>
    %add3A_1946 = arith.addf %add3A_1941, %mul3A_1945 : vector<16xf32>
    %div3A_1947 = arith.divf %add3A_1946, %add3A_401 : vector<16xf32>
    %swap3A_1948 = arith.constant 192 : index
    %swap3A_1949 = tpu.vector_load %arg9[%swap3A_1948] {strides = array<i32>} : memref<256xf32, #tpu.memory_space<vmem>>, vector<16xf32>,
    tpu.vector_store %arg9[%swap3A_1948], %div3A_1947 {strides = array<i32>} : memref<256xf32, #tpu.memory_space<vmem>>, vector<16xf32>,
    %broadcast_in_dim3A_1950 = arith.constant 0.000000e+00 : f32
    %broadcast_in_dim3A_1951 = vector.broadcast %broadcast_in_dim3A_1950 : f32 to vector<16xf32>
    %get3A_1952 = arith.constant 0 : i32
    %get3A_1953 = arith.index_cast %get3A_1952 : i32 to index
    %get3A_1954 = arith.constant 208 : index
    %get3A_1955 = tpu.vector_load %arg8[%get3A_1953, %get3A_1954] {strides = array<i32>} : memref<8x256xf32, #tpu.memory_space<vmem>>, vector<16xf32>,
    %mul3A_1956 = arith.mulf %gather3A_651, %get3A_1955 : vector<16xf32>
    %add3A_1957 = arith.addf %broadcast_in_dim3A_1951, %mul3A_1956 : vector<16xf32>
    %get3A_1958 = arith.index_cast %squeeze3A_728 : i32 to index
    %get3A_1959 = arith.constant 208 : index
    %get3A_1960 = tpu.vector_load %arg7[%get3A_1958, %get3A_1959] {strides = array<i32>} : memref<16x256xf32, #tpu.memory_space<vmem>>, vector<16xf32>,
    %mul3A_1961 = arith.mulf %gather3A_691, %get3A_1960 : vector<16xf32>
    %add3A_1962 = arith.addf %add3A_1957, %mul3A_1961 : vector<16xf32>
    %get3A_1963 = arith.constant 1 : i32
    %get3A_1964 = arith.index_cast %get3A_1963 : i32 to index
    %get3A_1965 = arith.constant 208 : index
    %get3A_1966 = tpu.vector_load %arg8[%get3A_1964, %get3A_1965] {strides = array<i32>} : memref<8x256xf32, #tpu.memory_space<vmem>>, vector<16xf32>,
    %mul3A_1967 = arith.mulf %gather3A_656, %get3A_1966 : vector<16xf32>
    %add3A_1968 = arith.addf %add3A_1962, %mul3A_1967 : vector<16xf32>
    %get3A_1969 = arith.index_cast %squeeze3A_730 : i32 to index
    %get3A_1970 = arith.constant 208 : index
    %get3A_1971 = tpu.vector_load %arg7[%get3A_1969, %get3A_1970] {strides = array<i32>} : memref<16x256xf32, #tpu.memory_space<vmem>>, vector<16xf32>,
    %mul3A_1972 = arith.mulf %gather3A_696, %get3A_1971 : vector<16xf32>
    %add3A_1973 = arith.addf %add3A_1968, %mul3A_1972 : vector<16xf32>
    %get3A_1974 = arith.constant 2 : i32
    %get3A_1975 = arith.index_cast %get3A_1974 : i32 to index
    %get3A_1976 = arith.constant 208 : index
    %get3A_1977 = tpu.vector_load %arg8[%get3A_1975, %get3A_1976] {strides = array<i32>} : memref<8x256xf32, #tpu.memory_space<vmem>>, vector<16xf32>,
    %mul3A_1978 = arith.mulf %gather3A_661, %get3A_1977 : vector<16xf32>
    %add3A_1979 = arith.addf %add3A_1973, %mul3A_1978 : vector<16xf32>
    %get3A_1980 = arith.index_cast %squeeze3A_732 : i32 to index
    %get3A_1981 = arith.constant 208 : index
    %get3A_1982 = tpu.vector_load %arg7[%get3A_1980, %get3A_1981] {strides = array<i32>} : memref<16x256xf32, #tpu.memory_space<vmem>>, vector<16xf32>,
    %mul3A_1983 = arith.mulf %gather3A_701, %get3A_1982 : vector<16xf32>
    %add3A_1984 = arith.addf %add3A_1979, %mul3A_1983 : vector<16xf32>
    %get3A_1985 = arith.constant 3 : i32
    %get3A_1986 = arith.index_cast %get3A_1985 : i32 to index
    %get3A_1987 = arith.constant 208 : index
    %get3A_1988 = tpu.vector_load %arg8[%get3A_1986, %get3A_1987] {strides = array<i32>} : memref<8x256xf32, #tpu.memory_space<vmem>>, vector<16xf32>,
    %mul3A_1989 = arith.mulf %gather3A_666, %get3A_1988 : vector<16xf32>
    %add3A_1990 = arith.addf %add3A_1984, %mul3A_1989 : vector<16xf32>
    %get3A_1991 = arith.index_cast %squeeze3A_734 : i32 to index
    %get3A_1992 = arith.constant 208 : index
    %get3A_1993 = tpu.vector_load %arg7[%get3A_1991, %get3A_1992] {strides = array<i32>} : memref<16x256xf32, #tpu.memory_space<vmem>>, vector<16xf32>,
    %mul3A_1994 = arith.mulf %gather3A_706, %get3A_1993 : vector<16xf32>
    %add3A_1995 = arith.addf %add3A_1990, %mul3A_1994 : vector<16xf32>
    %get3A_1996 = arith.constant 4 : i32
    %get3A_1997 = arith.index_cast %get3A_1996 : i32 to index
    %get3A_1998 = arith.constant 208 : index
    %get3A_1999 = tpu.vector_load %arg8[%get3A_1997, %get3A_1998] {strides = array<i32>} : memref<8x256xf32, #tpu.memory_space<vmem>>, vector<16xf32>,
    %mul3A_2000 = arith.mulf %gather3A_671, %get3A_1999 : vector<16xf32>
    %add3A_2001 = arith.addf %add3A_1995, %mul3A_2000 : vector<16xf32>
    %get3A_2002 = arith.index_cast %squeeze3A_736 : i32 to index
    %get3A_2003 = arith.constant 208 : index
    %get3A_2004 = tpu.vector_load %arg7[%get3A_2002, %get3A_2003] {strides = array<i32>} : memref<16x256xf32, #tpu.memory_space<vmem>>, vector<16xf32>,
    %mul3A_2005 = arith.mulf %gather3A_711, %get3A_2004 : vector<16xf32>
    %add3A_2006 = arith.addf %add3A_2001, %mul3A_2005 : vector<16xf32>
    %get3A_2007 = arith.constant 5 : i32
    %get3A_2008 = arith.index_cast %get3A_2007 : i32 to index
    %get3A_2009 = arith.constant 208 : index
    %get3A_2010 = tpu.vector_load %arg8[%get3A_2008, %get3A_2009] {strides = array<i32>} : memref<8x256xf32, #tpu.memory_space<vmem>>, vector<16xf32>,
    %mul3A_2011 = arith.mulf %gather3A_676, %get3A_2010 : vector<16xf32>
    %add3A_2012 = arith.addf %add3A_2006, %mul3A_2011 : vector<16xf32>
    %get3A_2013 = arith.index_cast %squeeze3A_738 : i32 to index
    %get3A_2014 = arith.constant 208 : index
    %get3A_2015 = tpu.vector_load %arg7[%get3A_2013, %get3A_2014] {strides = array<i32>} : memref<16x256xf32, #tpu.memory_space<vmem>>, vector<16xf32>,
    %mul3A_2016 = arith.mulf %gather3A_716, %get3A_2015 : vector<16xf32>
    %add3A_2017 = arith.addf %add3A_2012, %mul3A_2016 : vector<16xf32>
    %get3A_2018 = arith.constant 6 : i32
    %get3A_2019 = arith.index_cast %get3A_2018 : i32 to index
    %get3A_2020 = arith.constant 208 : index
    %get3A_2021 = tpu.vector_load %arg8[%get3A_2019, %get3A_2020] {strides = array<i32>} : memref<8x256xf32, #tpu.memory_space<vmem>>, vector<16xf32>,
    %mul3A_2022 = arith.mulf %gather3A_681, %get3A_2021 : vector<16xf32>
    %add3A_2023 = arith.addf %add3A_2017, %mul3A_2022 : vector<16xf32>
    %get3A_2024 = arith.index_cast %squeeze3A_740 : i32 to index
    %get3A_2025 = arith.constant 208 : index
    %get3A_2026 = tpu.vector_load %arg7[%get3A_2024, %get3A_2025] {strides = array<i32>} : memref<16x256xf32, #tpu.memory_space<vmem>>, vector<16xf32>,
    %mul3A_2027 = arith.mulf %gather3A_721, %get3A_2026 : vector<16xf32>
    %add3A_2028 = arith.addf %add3A_2023, %mul3A_2027 : vector<16xf32>
    %get3A_2029 = arith.constant 7 : i32
    %get3A_2030 = arith.index_cast %get3A_2029 : i32 to index
    %get3A_2031 = arith.constant 208 : index
    %get3A_2032 = tpu.vector_load %arg8[%get3A_2030, %get3A_2031] {strides = array<i32>} : memref<8x256xf32, #tpu.memory_space<vmem>>, vector<16xf32>,
    %mul3A_2033 = arith.mulf %gather3A_686, %get3A_2032 : vector<16xf32>
    %add3A_2034 = arith.addf %add3A_2028, %mul3A_2033 : vector<16xf32>
    %get3A_2035 = arith.index_cast %squeeze3A_742 : i32 to index
    %get3A_2036 = arith.constant 208 : index
    %get3A_2037 = tpu.vector_load %arg7[%get3A_2035, %get3A_2036] {strides = array<i32>} : memref<16x256xf32, #tpu.memory_space<vmem>>, vector<16xf32>,
    %mul3A_2038 = arith.mulf %gather3A_726, %get3A_2037 : vector<16xf32>
    %add3A_2039 = arith.addf %add3A_2034, %mul3A_2038 : vector<16xf32>
    %div3A_2040 = arith.divf %add3A_2039, %add3A_401 : vector<16xf32>
    %swap3A_2041 = arith.constant 208 : index
    %swap3A_2042 = tpu.vector_load %arg9[%swap3A_2041] {strides = array<i32>} : memref<256xf32, #tpu.memory_space<vmem>>, vector<16xf32>,
    tpu.vector_store %arg9[%swap3A_2041], %div3A_2040 {strides = array<i32>} : memref<256xf32, #tpu.memory_space<vmem>>, vector<16xf32>,
    %broadcast_in_dim3A_2043 = arith.constant 0.000000e+00 : f32
    %broadcast_in_dim3A_2044 = vector.broadcast %broadcast_in_dim3A_2043 : f32 to vector<16xf32>
    %get3A_2045 = arith.constant 0 : i32
    %get3A_2046 = arith.index_cast %get3A_2045 : i32 to index
    %get3A_2047 = arith.constant 224 : index
    %get3A_2048 = tpu.vector_load %arg8[%get3A_2046, %get3A_2047] {strides = array<i32>} : memref<8x256xf32, #tpu.memory_space<vmem>>, vector<16xf32>,
    %mul3A_2049 = arith.mulf %gather3A_651, %get3A_2048 : vector<16xf32>
    %add3A_2050 = arith.addf %broadcast_in_dim3A_2044, %mul3A_2049 : vector<16xf32>
    %get3A_2051 = arith.index_cast %squeeze3A_728 : i32 to index
    %get3A_2052 = arith.constant 224 : index
    %get3A_2053 = tpu.vector_load %arg7[%get3A_2051, %get3A_2052] {strides = array<i32>} : memref<16x256xf32, #tpu.memory_space<vmem>>, vector<16xf32>,
    %mul3A_2054 = arith.mulf %gather3A_691, %get3A_2053 : vector<16xf32>
    %add3A_2055 = arith.addf %add3A_2050, %mul3A_2054 : vector<16xf32>
    %get3A_2056 = arith.constant 1 : i32
    %get3A_2057 = arith.index_cast %get3A_2056 : i32 to index
    %get3A_2058 = arith.constant 224 : index
    %get3A_2059 = tpu.vector_load %arg8[%get3A_2057, %get3A_2058] {strides = array<i32>} : memref<8x256xf32, #tpu.memory_space<vmem>>, vector<16xf32>,
    %mul3A_2060 = arith.mulf %gather3A_656, %get3A_2059 : vector<16xf32>
    %add3A_2061 = arith.addf %add3A_2055, %mul3A_2060 : vector<16xf32>
    %get3A_2062 = arith.index_cast %squeeze3A_730 : i32 to index
    %get3A_2063 = arith.constant 224 : index
    %get3A_2064 = tpu.vector_load %arg7[%get3A_2062, %get3A_2063] {strides = array<i32>} : memref<16x256xf32, #tpu.memory_space<vmem>>, vector<16xf32>,
    %mul3A_2065 = arith.mulf %gather3A_696, %get3A_2064 : vector<16xf32>
    %add3A_2066 = arith.addf %add3A_2061, %mul3A_2065 : vector<16xf32>
    %get3A_2067 = arith.constant 2 : i32
    %get3A_2068 = arith.index_cast %get3A_2067 : i32 to index
    %get3A_2069 = arith.constant 224 : index
    %get3A_2070 = tpu.vector_load %arg8[%get3A_2068, %get3A_2069] {strides = array<i32>} : memref<8x256xf32, #tpu.memory_space<vmem>>, vector<16xf32>,
    %mul3A_2071 = arith.mulf %gather3A_661, %get3A_2070 : vector<16xf32>
    %add3A_2072 = arith.addf %add3A_2066, %mul3A_2071 : vector<16xf32>
    %get3A_2073 = arith.index_cast %squeeze3A_732 : i32 to index
    %get3A_2074 = arith.constant 224 : index
    %get3A_2075 = tpu.vector_load %arg7[%get3A_2073, %get3A_2074] {strides = array<i32>} : memref<16x256xf32, #tpu.memory_space<vmem>>, vector<16xf32>,
    %mul3A_2076 = arith.mulf %gather3A_701, %get3A_2075 : vector<16xf32>
    %add3A_2077 = arith.addf %add3A_2072, %mul3A_2076 : vector<16xf32>
    %get3A_2078 = arith.constant 3 : i32
    %get3A_2079 = arith.index_cast %get3A_2078 : i32 to index
    %get3A_2080 = arith.constant 224 : index
    %get3A_2081 = tpu.vector_load %arg8[%get3A_2079, %get3A_2080] {strides = array<i32>} : memref<8x256xf32, #tpu.memory_space<vmem>>, vector<16xf32>,
    %mul3A_2082 = arith.mulf %gather3A_666, %get3A_2081 : vector<16xf32>
    %add3A_2083 = arith.addf %add3A_2077, %mul3A_2082 : vector<16xf32>
    %get3A_2084 = arith.index_cast %squeeze3A_734 : i32 to index
    %get3A_2085 = arith.constant 224 : index
    %get3A_2086 = tpu.vector_load %arg7[%get3A_2084, %get3A_2085] {strides = array<i32>} : memref<16x256xf32, #tpu.memory_space<vmem>>, vector<16xf32>,
    %mul3A_2087 = arith.mulf %gather3A_706, %get3A_2086 : vector<16xf32>
    %add3A_2088 = arith.addf %add3A_2083, %mul3A_2087 : vector<16xf32>
    %get3A_2089 = arith.constant 4 : i32
    %get3A_2090 = arith.index_cast %get3A_2089 : i32 to index
    %get3A_2091 = arith.constant 224 : index
    %get3A_2092 = tpu.vector_load %arg8[%get3A_2090, %get3A_2091] {strides = array<i32>} : memref<8x256xf32, #tpu.memory_space<vmem>>, vector<16xf32>,
    %mul3A_2093 = arith.mulf %gather3A_671, %get3A_2092 : vector<16xf32>
    %add3A_2094 = arith.addf %add3A_2088, %mul3A_2093 : vector<16xf32>
    %get3A_2095 = arith.index_cast %squeeze3A_736 : i32 to index
    %get3A_2096 = arith.constant 224 : index
    %get3A_2097 = tpu.vector_load %arg7[%get3A_2095, %get3A_2096] {strides = array<i32>} : memref<16x256xf32, #tpu.memory_space<vmem>>, vector<16xf32>,
    %mul3A_2098 = arith.mulf %gather3A_711, %get3A_2097 : vector<16xf32>
    %add3A_2099 = arith.addf %add3A_2094, %mul3A_2098 : vector<16xf32>
    %get3A_2100 = arith.constant 5 : i32
    %get3A_2101 = arith.index_cast %get3A_2100 : i32 to index
    %get3A_2102 = arith.constant 224 : index
    %get3A_2103 = tpu.vector_load %arg8[%get3A_2101, %get3A_2102] {strides = array<i32>} : memref<8x256xf32, #tpu.memory_space<vmem>>, vector<16xf32>,
    %mul3A_2104 = arith.mulf %gather3A_676, %get3A_2103 : vector<16xf32>
    %add3A_2105 = arith.addf %add3A_2099, %mul3A_2104 : vector<16xf32>
    %get3A_2106 = arith.index_cast %squeeze3A_738 : i32 to index
    %get3A_2107 = arith.constant 224 : index
    %get3A_2108 = tpu.vector_load %arg7[%get3A_2106, %get3A_2107] {strides = array<i32>} : memref<16x256xf32, #tpu.memory_space<vmem>>, vector<16xf32>,
    %mul3A_2109 = arith.mulf %gather3A_716, %get3A_2108 : vector<16xf32>
    %add3A_2110 = arith.addf %add3A_2105, %mul3A_2109 : vector<16xf32>
    %get3A_2111 = arith.constant 6 : i32
    %get3A_2112 = arith.index_cast %get3A_2111 : i32 to index
    %get3A_2113 = arith.constant 224 : index
    %get3A_2114 = tpu.vector_load %arg8[%get3A_2112, %get3A_2113] {strides = array<i32>} : memref<8x256xf32, #tpu.memory_space<vmem>>, vector<16xf32>,
    %mul3A_2115 = arith.mulf %gather3A_681, %get3A_2114 : vector<16xf32>
    %add3A_2116 = arith.addf %add3A_2110, %mul3A_2115 : vector<16xf32>
    %get3A_2117 = arith.index_cast %squeeze3A_740 : i32 to index
    %get3A_2118 = arith.constant 224 : index
    %get3A_2119 = tpu.vector_load %arg7[%get3A_2117, %get3A_2118] {strides = array<i32>} : memref<16x256xf32, #tpu.memory_space<vmem>>, vector<16xf32>,
    %mul3A_2120 = arith.mulf %gather3A_721, %get3A_2119 : vector<16xf32>
    %add3A_2121 = arith.addf %add3A_2116, %mul3A_2120 : vector<16xf32>
    %get3A_2122 = arith.constant 7 : i32
    %get3A_2123 = arith.index_cast %get3A_2122 : i32 to index
    %get3A_2124 = arith.constant 224 : index
    %get3A_2125 = tpu.vector_load %arg8[%get3A_2123, %get3A_2124] {strides = array<i32>} : memref<8x256xf32, #tpu.memory_space<vmem>>, vector<16xf32>,
    %mul3A_2126 = arith.mulf %gather3A_686, %get3A_2125 : vector<16xf32>
    %add3A_2127 = arith.addf %add3A_2121, %mul3A_2126 : vector<16xf32>
    %get3A_2128 = arith.index_cast %squeeze3A_742 : i32 to index
    %get3A_2129 = arith.constant 224 : index
    %get3A_2130 = tpu.vector_load %arg7[%get3A_2128, %get3A_2129] {strides = array<i32>} : memref<16x256xf32, #tpu.memory_space<vmem>>, vector<16xf32>,
    %mul3A_2131 = arith.mulf %gather3A_726, %get3A_2130 : vector<16xf32>
    %add3A_2132 = arith.addf %add3A_2127, %mul3A_2131 : vector<16xf32>
    %div3A_2133 = arith.divf %add3A_2132, %add3A_401 : vector<16xf32>
    %swap3A_2134 = arith.constant 224 : index
    %swap3A_2135 = tpu.vector_load %arg9[%swap3A_2134] {strides = array<i32>} : memref<256xf32, #tpu.memory_space<vmem>>, vector<16xf32>,
    tpu.vector_store %arg9[%swap3A_2134], %div3A_2133 {strides = array<i32>} : memref<256xf32, #tpu.memory_space<vmem>>, vector<16xf32>,
    %broadcast_in_dim3A_2136 = arith.constant 0.000000e+00 : f32
    %broadcast_in_dim3A_2137 = vector.broadcast %broadcast_in_dim3A_2136 : f32 to vector<16xf32>
    %get3A_2138 = arith.constant 0 : i32
    %get3A_2139 = arith.index_cast %get3A_2138 : i32 to index
    %get3A_2140 = arith.constant 240 : index
    %get3A_2141 = tpu.vector_load %arg8[%get3A_2139, %get3A_2140] {strides = array<i32>} : memref<8x256xf32, #tpu.memory_space<vmem>>, vector<16xf32>,
    %mul3A_2142 = arith.mulf %gather3A_651, %get3A_2141 : vector<16xf32>
    %add3A_2143 = arith.addf %broadcast_in_dim3A_2137, %mul3A_2142 : vector<16xf32>
    %get3A_2144 = arith.index_cast %squeeze3A_728 : i32 to index
    %get3A_2145 = arith.constant 240 : index
    %get3A_2146 = tpu.vector_load %arg7[%get3A_2144, %get3A_2145] {strides = array<i32>} : memref<16x256xf32, #tpu.memory_space<vmem>>, vector<16xf32>,
    %mul3A_2147 = arith.mulf %gather3A_691, %get3A_2146 : vector<16xf32>
    %add3A_2148 = arith.addf %add3A_2143, %mul3A_2147 : vector<16xf32>
    %get3A_2149 = arith.constant 1 : i32
    %get3A_2150 = arith.index_cast %get3A_2149 : i32 to index
    %get3A_2151 = arith.constant 240 : index
    %get3A_2152 = tpu.vector_load %arg8[%get3A_2150, %get3A_2151] {strides = array<i32>} : memref<8x256xf32, #tpu.memory_space<vmem>>, vector<16xf32>,
    %mul3A_2153 = arith.mulf %gather3A_656, %get3A_2152 : vector<16xf32>
    %add3A_2154 = arith.addf %add3A_2148, %mul3A_2153 : vector<16xf32>
    %get3A_2155 = arith.index_cast %squeeze3A_730 : i32 to index
    %get3A_2156 = arith.constant 240 : index
    %get3A_2157 = tpu.vector_load %arg7[%get3A_2155, %get3A_2156] {strides = array<i32>} : memref<16x256xf32, #tpu.memory_space<vmem>>, vector<16xf32>,
    %mul3A_2158 = arith.mulf %gather3A_696, %get3A_2157 : vector<16xf32>
    %add3A_2159 = arith.addf %add3A_2154, %mul3A_2158 : vector<16xf32>
    %get3A_2160 = arith.constant 2 : i32
    %get3A_2161 = arith.index_cast %get3A_2160 : i32 to index
    %get3A_2162 = arith.constant 240 : index
    %get3A_2163 = tpu.vector_load %arg8[%get3A_2161, %get3A_2162] {strides = array<i32>} : memref<8x256xf32, #tpu.memory_space<vmem>>, vector<16xf32>,
    %mul3A_2164 = arith.mulf %gather3A_661, %get3A_2163 : vector<16xf32>
    %add3A_2165 = arith.addf %add3A_2159, %mul3A_2164 : vector<16xf32>
    %get3A_2166 = arith.index_cast %squeeze3A_732 : i32 to index
    %get3A_2167 = arith.constant 240 : index
    %get3A_2168 = tpu.vector_load %arg7[%get3A_2166, %get3A_2167] {strides = array<i32>} : memref<16x256xf32, #tpu.memory_space<vmem>>, vector<16xf32>,
    %mul3A_2169 = arith.mulf %gather3A_701, %get3A_2168 : vector<16xf32>
    %add3A_2170 = arith.addf %add3A_2165, %mul3A_2169 : vector<16xf32>
    %get3A_2171 = arith.constant 3 : i32
    %get3A_2172 = arith.index_cast %get3A_2171 : i32 to index
    %get3A_2173 = arith.constant 240 : index
    %get3A_2174 = tpu.vector_load %arg8[%get3A_2172, %get3A_2173] {strides = array<i32>} : memref<8x256xf32, #tpu.memory_space<vmem>>, vector<16xf32>,
    %mul3A_2175 = arith.mulf %gather3A_666, %get3A_2174 : vector<16xf32>
    %add3A_2176 = arith.addf %add3A_2170, %mul3A_2175 : vector<16xf32>
    %get3A_2177 = arith.index_cast %squeeze3A_734 : i32 to index
    %get3A_2178 = arith.constant 240 : index
    %get3A_2179 = tpu.vector_load %arg7[%get3A_2177, %get3A_2178] {strides = array<i32>} : memref<16x256xf32, #tpu.memory_space<vmem>>, vector<16xf32>,
    %mul3A_2180 = arith.mulf %gather3A_706, %get3A_2179 : vector<16xf32>
    %add3A_2181 = arith.addf %add3A_2176, %mul3A_2180 : vector<16xf32>
    %get3A_2182 = arith.constant 4 : i32
    %get3A_2183 = arith.index_cast %get3A_2182 : i32 to index
    %get3A_2184 = arith.constant 240 : index
    %get3A_2185 = tpu.vector_load %arg8[%get3A_2183, %get3A_2184] {strides = array<i32>} : memref<8x256xf32, #tpu.memory_space<vmem>>, vector<16xf32>,
    %mul3A_2186 = arith.mulf %gather3A_671, %get3A_2185 : vector<16xf32>
    %add3A_2187 = arith.addf %add3A_2181, %mul3A_2186 : vector<16xf32>
    %get3A_2188 = arith.index_cast %squeeze3A_736 : i32 to index
    %get3A_2189 = arith.constant 240 : index
    %get3A_2190 = tpu.vector_load %arg7[%get3A_2188, %get3A_2189] {strides = array<i32>} : memref<16x256xf32, #tpu.memory_space<vmem>>, vector<16xf32>,
    %mul3A_2191 = arith.mulf %gather3A_711, %get3A_2190 : vector<16xf32>
    %add3A_2192 = arith.addf %add3A_2187, %mul3A_2191 : vector<16xf32>
    %get3A_2193 = arith.constant 5 : i32
    %get3A_2194 = arith.index_cast %get3A_2193 : i32 to index
    %get3A_2195 = arith.constant 240 : index
    %get3A_2196 = tpu.vector_load %arg8[%get3A_2194, %get3A_2195] {strides = array<i32>} : memref<8x256xf32, #tpu.memory_space<vmem>>, vector<16xf32>,
    %mul3A_2197 = arith.mulf %gather3A_676, %get3A_2196 : vector<16xf32>
    %add3A_2198 = arith.addf %add3A_2192, %mul3A_2197 : vector<16xf32>
    %get3A_2199 = arith.index_cast %squeeze3A_738 : i32 to index
    %get3A_2200 = arith.constant 240 : index
    %get3A_2201 = tpu.vector_load %arg7[%get3A_2199, %get3A_2200] {strides = array<i32>} : memref<16x256xf32, #tpu.memory_space<vmem>>, vector<16xf32>,
    %mul3A_2202 = arith.mulf %gather3A_716, %get3A_2201 : vector<16xf32>
    %add3A_2203 = arith.addf %add3A_2198, %mul3A_2202 : vector<16xf32>
    %get3A_2204 = arith.constant 6 : i32
    %get3A_2205 = arith.index_cast %get3A_2204 : i32 to index
    %get3A_2206 = arith.constant 240 : index
    %get3A_2207 = tpu.vector_load %arg8[%get3A_2205, %get3A_2206] {strides = array<i32>} : memref<8x256xf32, #tpu.memory_space<vmem>>, vector<16xf32>,
    %mul3A_2208 = arith.mulf %gather3A_681, %get3A_2207 : vector<16xf32>
    %add3A_2209 = arith.addf %add3A_2203, %mul3A_2208 : vector<16xf32>
    %get3A_2210 = arith.index_cast %squeeze3A_740 : i32 to index
    %get3A_2211 = arith.constant 240 : index
    %get3A_2212 = tpu.vector_load %arg7[%get3A_2210, %get3A_2211] {strides = array<i32>} : memref<16x256xf32, #tpu.memory_space<vmem>>, vector<16xf32>,
    %mul3A_2213 = arith.mulf %gather3A_721, %get3A_2212 : vector<16xf32>
    %add3A_2214 = arith.addf %add3A_2209, %mul3A_2213 : vector<16xf32>
    %get3A_2215 = arith.constant 7 : i32
    %get3A_2216 = arith.index_cast %get3A_2215 : i32 to index
    %get3A_2217 = arith.constant 240 : index
    %get3A_2218 = tpu.vector_load %arg8[%get3A_2216, %get3A_2217] {strides = array<i32>} : memref<8x256xf32, #tpu.memory_space<vmem>>, vector<16xf32>,
    %mul3A_2219 = arith.mulf %gather3A_686, %get3A_2218 : vector<16xf32>
    %add3A_2220 = arith.addf %add3A_2214, %mul3A_2219 : vector<16xf32>
    %get3A_2221 = arith.index_cast %squeeze3A_742 : i32 to index
    %get3A_2222 = arith.constant 240 : index
    %get3A_2223 = tpu.vector_load %arg7[%get3A_2221, %get3A_2222] {strides = array<i32>} : memref<16x256xf32, #tpu.memory_space<vmem>>, vector<16xf32>,
    %mul3A_2224 = arith.mulf %gather3A_726, %get3A_2223 : vector<16xf32>
    %add3A_2225 = arith.addf %add3A_2220, %mul3A_2224 : vector<16xf32>
    %div3A_2226 = arith.divf %add3A_2225, %add3A_401 : vector<16xf32>
    %swap3A_2227 = arith.constant 240 : index
    %swap3A_2228 = tpu.vector_load %arg9[%swap3A_2227] {strides = array<i32>} : memref<256xf32, #tpu.memory_space<vmem>>, vector<16xf32>,
    tpu.vector_store %arg9[%swap3A_2227], %div3A_2226 {strides = array<i32>} : memref<256xf32, #tpu.memory_space<vmem>>, vector<16xf32>,
    "tpu.region"() ({
      %run_scoped3A = tpu.sem_alloc : memref<!tpu.dma_semaphore, #tpu.memory_space<semaphore_mem>>
      %dma_start3A_2229 = arith.constant 0 : i32
      %dma_start3A_2230 = tpu.memref_slice %arg5[%add3A, %dma_start3A_2229] : memref<32x256xf32, #tpu.memory_space<hbm>> -> memref<1x256xf32, #tpu.memory_space<hbm>>
      %dma_start3A_2231 = tpu.memref_squeeze %dma_start3A_2230 : memref<1x256xf32, #tpu.memory_space<hbm>> -> memref<256xf32, #tpu.memory_space<hbm>>
      %dma_start3A_2232 = arith.constant 0 : i32
      %dma_start3A_2233 = tpu.memref_slice %arg5[%add3A, %dma_start3A_2232] : memref<32x256xf32, #tpu.memory_space<hbm>> -> memref<1x256xf32, #tpu.memory_space<hbm>>
      %dma_start3A_2234 = tpu.memref_squeeze %dma_start3A_2233 : memref<1x256xf32, #tpu.memory_space<hbm>> -> memref<256xf32, #tpu.memory_space<hbm>>
      tpu.enqueue_dma source(%arg9 : memref<256xf32, #tpu.memory_space<vmem>>) target(%dma_start3A_2234 : memref<256xf32, #tpu.memory_space<hbm>>) target_semaphore(%run_scoped3A : memref<!tpu.dma_semaphore, #tpu.memory_space<semaphore_mem>>)
      %dma_wait3A_2235 = arith.constant 0 : i32
      %dma_wait3A_2236 = tpu.memref_slice %arg5[%add3A, %dma_wait3A_2235] : memref<32x256xf32, #tpu.memory_space<hbm>> -> memref<1x256xf32, #tpu.memory_space<hbm>>
      %dma_wait3A_2237 = tpu.memref_squeeze %dma_wait3A_2236 : memref<1x256xf32, #tpu.memory_space<hbm>> -> memref<256xf32, #tpu.memory_space<hbm>>
      %dma_wait3A_2238 = arith.constant 0 : i32
      %dma_wait3A_2239 = tpu.memref_slice %arg5[%add3A, %dma_wait3A_2238] : memref<32x256xf32, #tpu.memory_space<hbm>> -> memref<1x256xf32, #tpu.memory_space<hbm>>
      %dma_wait3A_2240 = tpu.memref_squeeze %dma_wait3A_2239 : memref<1x256xf32, #tpu.memory_space<hbm>> -> memref<256xf32, #tpu.memory_space<hbm>>
      tpu.wait_dma2 semaphore(%run_scoped3A : memref<!tpu.dma_semaphore, #tpu.memory_space<semaphore_mem>>) src(%arg9 : memref<256xf32, #tpu.memory_space<vmem>>) dst(%dma_wait3A_2240 : memref<256xf32, #tpu.memory_space<hbm>>)
      tpu.yield
    }) : () -> ()
    return
  }
}

module attributes {stable_mosaic.version = 14 : i64} {
  func.func @_sim_body(%arg0: i32, %arg1: memref<512x256xf32, #tpu.memory_space<vmem>>, %arg2: memref<1024x256xf32, #tpu.memory_space<vmem>>, %arg3: memref<1024x1xf32, #tpu.memory_space<vmem>>, %arg4: memref<32x1024xf32, #tpu.memory_space<vmem>>) attributes {dimension_semantics = [#tpu.dimension_semantics<arbitrary>], iteration_bounds = array<i64: 9>, scalar_prefetch = 0 : i64, scratch_operands = 0 : i64, tpu.core_type = #tpu.core_type<tc>, window_params = [{pipeline_mode = #tpu.pipeline_mode<synchronous>, transform_indices = @transform_0, window_bounds = array<i64: 512, 256>}, {transform_indices = @transform_1, window_bounds = array<i64: 1024, 256>}, {transform_indices = @transform_2, window_bounds = array<i64: 1024, 1>}, {transform_indices = @transform_3, window_bounds = array<i64: 32, 1024>}]} {
    %lt3A = arith.constant 8 : i32
    %lt3A_0 = arith.cmpi slt, %arg0, %lt3A : i32
    %convert_element_type3A = arith.extui %lt3A_0 : i1 to i32
    %cond3A = arith.constant 0 : i32
    %cond3A_1 = arith.cmpi ne, %convert_element_type3A, %cond3A : i32
    scf.if %cond3A_1 {
      %get3A = arith.constant 0 : index
      %get3A_6 = arith.constant 0 : index
      %get3A_7 = vector.load %arg2[%get3A, %get3A_6] : memref<1024x256xf32, #tpu.memory_space<vmem>>, vector<1024x256xf32>
      %get3A_8 = arith.constant 0 : index
      %get3A_9 = arith.constant 0 : index
      %get3A_10 = vector.load %arg3[%get3A_8, %get3A_9] : memref<1024x1xf32, #tpu.memory_space<vmem>>, vector<1024x1xf32>
      %max3A = arith.constant 9.99999996E-13 : f32
      %max3A_11 = vector.broadcast %max3A : f32 to vector<1024x1xf32>
      %max3A_12 = arith.maximumf %get3A_10, %max3A_11 : vector<1024x1xf32>
      %div3A = vector.broadcast %max3A_12 : vector<1024x1xf32> to vector<1024x256xf32>
      %div3A_13 = arith.divf %get3A_7, %div3A : vector<1024x256xf32>
      %get3A_14 = arith.constant 0 : index
      %get3A_15 = arith.constant 0 : index
      %get3A_16 = vector.load %arg1[%get3A_14, %get3A_15] : memref<512x256xf32, #tpu.memory_space<vmem>>, vector<512x256xf32>
      %dot_general3A = arith.constant dense<0.000000e+00> : vector<512x1024xf32>
      %dot_general3A_17 = tpu.matmul %get3A_16, %div3A_13, %dot_general3A {dimension_numbers = #tpu.dot_dimension_numbers<[1], [1], [0], [0], [0, 0, 1, 0], [], []>, transpose_lhs_hint = false} : vector<512x256xf32>, vector<1024x256xf32>, vector<512x1024xf32> -> vector<512x1024xf32>
      %reshape3A = vector.shape_cast %dot_general3A_17 : vector<512x1024xf32> to vector<32x16x1024xf32>
      %reduce_sum3A = arith.constant dense<0.000000e+00> : vector<32x1024xf32>
      %reduce_sum3A_18 = vector.multi_reduction <add>, %reshape3A, %reduce_sum3A [1] : vector<32x16x1024xf32> to vector<32x1024xf32>
      %div3A_19 = arith.constant 1.600000e+01 : f32
      %div3A_20 = vector.broadcast %div3A_19 : f32 to vector<32x1024xf32>
      %div3A_21 = arith.divf %reduce_sum3A_18, %div3A_20 : vector<32x1024xf32>
      %swap3A = arith.constant 0 : index
      %swap3A_22 = arith.constant 0 : index
      %swap3A_23 = vector.load %arg4[%swap3A, %swap3A_22] : memref<32x1024xf32, #tpu.memory_space<vmem>>, vector<32x1024xf32>
      tpu.vector_store %arg4[%swap3A, %swap3A_22], %div3A_21 {strides = array<i32>} : memref<32x1024xf32, #tpu.memory_space<vmem>>, vector<32x1024xf32>,
    } else {
    }
    %eq3A = arith.constant 8 : i32
    %eq3A_2 = arith.cmpi eq, %arg0, %eq3A : i32
    %convert_element_type3A_3 = arith.extui %eq3A_2 : i1 to i32
    %cond3A_4 = arith.constant 0 : i32
    %cond3A_5 = arith.cmpi ne, %convert_element_type3A_3, %cond3A_4 : i32
    scf.if %cond3A_5 {
      %get3A = arith.constant 0 : index
      %get3A_6 = arith.constant 0 : index
      %get3A_7 = vector.load %arg1[%get3A, %get3A_6] : memref<512x256xf32, #tpu.memory_space<vmem>>, vector<512x256xf32>
      %dot_general3A = arith.constant dense<0.000000e+00> : vector<512x512xf32>
      %dot_general3A_8 = tpu.matmul %get3A_7, %get3A_7, %dot_general3A {dimension_numbers = #tpu.dot_dimension_numbers<[1], [1], [0], [0], [0, 0, 1, 0], [], []>, transpose_lhs_hint = false} : vector<512x256xf32>, vector<512x256xf32>, vector<512x512xf32> -> vector<512x512xf32>
      %reshape3A = vector.shape_cast %dot_general3A_8 : vector<512x512xf32> to vector<32x16x512xf32>
      %iota3A = tpu.iota {dimensions = array<i32: 2>} : vector<32x16x512xi32>
      %jit3A = arith.constant 16 : i32
      %div3A = vector.broadcast %jit3A : i32 to vector<32x16x512xi32>
      %div3A_9 = arith.divsi %iota3A, %div3A : vector<32x16x512xi32>
      %sign3A = arith.constant 0 : i32
      %sign3A_10 = vector.broadcast %sign3A : i32 to vector<32x16x512xi32>
      %sign3A_11 = arith.cmpi sgt, %iota3A, %sign3A_10 : vector<32x16x512xi32>
      %sign3A_12 = arith.extui %sign3A_11 : vector<32x16x512xi1> to vector<32x16x512xi32>
      %sign3A_13 = arith.constant 0 : i32
      %sign3A_14 = vector.broadcast %sign3A_13 : i32 to vector<32x16x512xi32>
      %sign3A_15 = arith.cmpi slt, %iota3A, %sign3A_14 : vector<32x16x512xi32>
      %sign3A_16 = arith.extui %sign3A_15 : vector<32x16x512xi1> to vector<32x16x512xi32>
      %sign3A_17 = arith.subi %sign3A_12, %sign3A_16 : vector<32x16x512xi32>
      %sign3A_18 = arith.constant 0 : i32
      %sign3A_19 = arith.cmpi sgt, %jit3A, %sign3A_18 : i32
      %sign3A_20 = arith.extui %sign3A_19 : i1 to i32
      %sign3A_21 = arith.constant 0 : i32
      %sign3A_22 = arith.cmpi slt, %jit3A, %sign3A_21 : i32
      %sign3A_23 = arith.extui %sign3A_22 : i1 to i32
      %sign3A_24 = arith.subi %sign3A_20, %sign3A_23 : i32
      %ne3A = vector.broadcast %sign3A_24 : i32 to vector<32x16x512xi32>
      %ne3A_25 = arith.cmpi ne, %sign3A_17, %ne3A : vector<32x16x512xi32>
      %rem3A = vector.broadcast %jit3A : i32 to vector<32x16x512xi32>
      %rem3A_26 = arith.remsi %iota3A, %rem3A : vector<32x16x512xi32>
      %ne3A_27 = arith.constant 0 : i32
      %ne3A_28 = vector.broadcast %ne3A_27 : i32 to vector<32x16x512xi32>
      %ne3A_29 = arith.cmpi ne, %rem3A_26, %ne3A_28 : vector<32x16x512xi32>
      %and3A = arith.andi %ne3A_25, %ne3A_29 : vector<32x16x512xi1>
      %sub3A = arith.constant 1 : i32
      %sub3A_30 = vector.broadcast %sub3A : i32 to vector<32x16x512xi32>
      %sub3A_31 = arith.subi %div3A_9, %sub3A_30 : vector<32x16x512xi32>
      %select_n3A = arith.select %and3A, %sub3A_31, %div3A_9 : vector<32x16x512xi1>, vector<32x16x512xi32>
      %iota3A_32 = tpu.iota {dimensions = array<i32: 0>} : vector<32x16x512xi32>
      %eq3A_33 = arith.cmpi eq, %select_n3A, %iota3A_32 : vector<32x16x512xi32>
      %jit3A_34 = arith.constant 0.000000e+00 : f32
      %broadcast_in_dim3A = vector.broadcast %jit3A_34 : f32 to vector<32x16x512xf32>
      %select_n3A_35 = arith.select %eq3A_33, %reshape3A, %broadcast_in_dim3A : vector<32x16x512xi1>, vector<32x16x512xf32>
      %reduce_sum3A = arith.constant dense<0.000000e+00> : vector<32x512xf32>
      %reduce_sum3A_36 = vector.multi_reduction <add>, %select_n3A_35, %reduce_sum3A [1] : vector<32x16x512xf32> to vector<32x512xf32>
      %div3A_37 = arith.constant 1.600000e+01 : f32
      %div3A_38 = vector.broadcast %div3A_37 : f32 to vector<32x512xf32>
      %div3A_39 = arith.divf %reduce_sum3A_36, %div3A_38 : vector<32x512xf32>
      %reshape3A_40 = vector.shape_cast %div3A_39 : vector<32x512xf32> to vector<32x32x16xf32>
      %iota3A_41 = tpu.iota {dimensions = array<i32: 1>} : vector<32x32x16xi32>
      %iota3A_42 = tpu.iota {dimensions = array<i32: 0>} : vector<32x32x16xi32>
      %eq3A_43 = arith.cmpi eq, %iota3A_41, %iota3A_42 : vector<32x32x16xi32>
      %jit3A_44 = arith.constant 0.000000e+00 : f32
      %broadcast_in_dim3A_45 = vector.broadcast %jit3A_44 : f32 to vector<32x32x16xf32>
      %select_n3A_46 = arith.select %eq3A_43, %reshape3A_40, %broadcast_in_dim3A_45 : vector<32x32x16xi1>, vector<32x32x16xf32>
      %reduce_sum3A_47 = arith.constant dense<0.000000e+00> : vector<32x16xf32>
      %reduce_sum3A_48 = vector.multi_reduction <add>, %select_n3A_46, %reduce_sum3A_47 [1] : vector<32x32x16xf32> to vector<32x16xf32>
      %broadcast_in_dim3A_49 = arith.constant -3.000000e+38 : f32
      %broadcast_in_dim3A_50 = vector.broadcast %broadcast_in_dim3A_49 : f32 to vector<32x1008xf32>
      %concatenate3A = tpu.concatenate %reduce_sum3A_48, %broadcast_in_dim3A_50 in 1 : vector<32x16xf32>, vector<32x1008xf32> -> vector<32x1024xf32>
      %swap3A = arith.constant 0 : index
      %swap3A_51 = arith.constant 0 : index
      %swap3A_52 = vector.load %arg4[%swap3A, %swap3A_51] : memref<32x1024xf32, #tpu.memory_space<vmem>>, vector<32x1024xf32>
      tpu.vector_store %arg4[%swap3A, %swap3A_51], %concatenate3A {strides = array<i32>} : memref<32x1024xf32, #tpu.memory_space<vmem>>, vector<32x1024xf32>,
    } else {
    }
    return
  }
  func.func @transform_0(%arg0: i32) -> (i32, i32) {
    %c0_i32 = arith.constant 0 : i32
    %c0_i32_0 = arith.constant 0 : i32
    %c0_i32_1 = arith.constant 0 : i32
    return %c0_i32, %c0_i32_0 : i32, i32
  }
  func.func @transform_1(%arg0: i32) -> (i32, i32) {
    %min3A = arith.constant 7 : i32
    %min3A_0 = arith.minsi %arg0, %min3A : i32
    %c0_i32 = arith.constant 0 : i32
    %c0_i32_1 = arith.constant 0 : i32
    return %min3A_0, %c0_i32 : i32, i32
  }
  func.func @transform_2(%arg0: i32) -> (i32, i32) {
    %min3A = arith.constant 7 : i32
    %min3A_0 = arith.minsi %arg0, %min3A : i32
    %c0_i32 = arith.constant 0 : i32
    %c0_i32_1 = arith.constant 0 : i32
    return %min3A_0, %c0_i32 : i32, i32
  }
  func.func @transform_3(%arg0: i32) -> (i32, i32) {
    %c0_i32 = arith.constant 0 : i32
    %c0_i32_0 = arith.constant 0 : i32
    return %c0_i32, %arg0 : i32, i32
  }
}

</mosaic_0001>

<sc_bundles>
// kernel: kernel.4.cloned.1.call-start
scs
__scs_entry_jumppad:
0x0: {  	(pc) =	sbr.rel $0x88, $3  }
0x1: {  	(tag) =	ssettag $0x0;
	lr =	simm.s32 $0x1  }
0x2: {  	[smem:$0x3F9F] =	sst lr;
	_ =	strace $0xD0000000  }
0x3: {  	_ = 	snop  }
0x4: {  	_ = 	snop  }
0x5: {  	_ = 	snop  }
0x6: {  	_ = 	snop  }
0x7: {  	_ = 	snop  }
__scs_overlays_trampoline_lowered:
0x8: {  	[smem:$0x3FAE] =	sst s0  }
0x9: {  	[smem:$0x3FAF] =	sst s1  }
0xa: {  	[smem:$0x3FB0] =	sst s2  }
0xb: {  	[smem:$0x3FB1] =	sst s3  }
0xc: {  	[smem:$0x3FB2] =	sst s4  }
0xd: {  	[smem:$0x3FB3] =	sst s5  }
0xe: {  	[smem:$0x3FB4] =	sst s6  }
0xf: {  	[smem:$0x3FB5] =	sst s7  }
0x10: {  	[smem:$0x3FB6] =	sst s8  }
0x11: {  	[smem:$0x3FB7] =	sst s9;
	s0 =	simm.s32 @!p0 $0x0  }
0x12: {  	s1 =	sld [smem:$0x3F9D];
	s0 =	simm.s32 @p0 $0x1  }
0x13: {  	[smem:$0x3FB8] =	sst s0;
	s0 =	simm.s32 @!p1 $0x0  }
0x14: {  	s2 =	sld [smem:$0x3F9C];
	s0 =	simm.s32 @p1 $0x1  }
0x15: {  	[smem:$0x3FB9] =	sst s0;
	s0 =	simm.s32 @!p2 $0x0  }
0x16: {  	s3 =	sld [smem:$0x3FDB];
	s0 =	simm.s32 @p2 $0x1  }
0x17: {  	s4 =	simm.s32 $0x1BF5;
	[smem:$0x3FBB] =	sst s0  }
0x18: {  	s0 =	sld [smem:$0x3F9E];
	_ =	swait.ge [sflag:s4], $0x0  }
0x19: {  	s7 =	sld [smem:$0x3F9F]  }
0x1a: {  	s8 =	sadd.s32 $0xFFFFE003, lr  }
0x1b: {  	s9 =	sadd.s32 $0xFFFFFEF7, lr;
	s5 =	simm.s32 $0xFFFFFFFF;
	p2 =	slt.u32 s8, $0xFFFFF086  }
0x1c: {  	p1 =	slt.u32 s9, $0xF7A;
	s5 =	simm.s32 @!p2 $0x0  }
0x1d: {  	s5 =	simm.s32 @p1 $0x1;
	p0 =	seq.s32 s7, s2  }
0x1e: {  	s7 =	smul.u32 @!p0 $0xF7A, s2;
	p2 =	seq.s32 @!p0 s5, $0x0  }
0x1f: {  	s9 =	smul.u32 $0xF7A, s1;
	s8 =	simm.s32 @!p0 $0x1BF5;
	p2 =	por !p2, p0  }
0x20: {  	[sflag:s8] =	ssyncset.s32 @!p0 $0xFFFFF086;
	s6 =	sadd.s32 @!p0 s3, s7;
	s7 =	simm.s32 @!p0 $0x108  }
0x21: {  	s3 =	sadd.s32 s3, s9;
	s6 =	sadd.s32 @!p0 $0x88, s6;
	s7 =	simm.s32 @p2 $0x1082  }
0x22: {  	[simem:s7], [sflag:s8] =	dma.local @!p0 [hbm:s6], $0xF7A  }
0x23: {  	s9 =	sor.u32 $0xD0000000, s2;
	s6 =	simm.s32 $0x108;
	_ =	swait.ge @!p0 [sflag:s8], $0x0  }
0x24: {  	s3 =	sadd.s32 $0x88, s3;
	s6 =	simm.s32 @!p1 $0x1082;
	[sflag:s4] =	ssyncset.s32 $0xFFFFF086  }
0x25: {  	[simem:s6], [sflag:s4] =	dma.local [hbm:s3], $0xF7A  }
0x26: {  	[smem:$0x3F9F] =	sst s1;
	(tag) =	ssettag s2;
	_ =	strace s9  }
0x27: {  	s1 =	sld [smem:$0x3FAF]  }
0x28: {  	s2 =	sld [smem:$0x3FB0]  }
0x29: {  	s4 =	sld [smem:$0x3FB2]  }
0x2a: {  	p0 =	seq.s32 s5, $0x0;
	s5 =	sld [smem:$0x3FB3]  }
0x2b: {  	s6 =	sld [smem:$0x3FB4]  }
0x2c: {  	s7 =	sld [smem:$0x3FB5]  }
0x2d: {  	s3 =	simm.s32 $0x108;
	s8 =	sld [smem:$0x3FB6]  }
0x2e: {  	s3 =	simm.s32 @!p0 $0x1082;
	s9 =	sld [smem:$0x3FB7]  }
0x2f: {  	lr =	sadd.s32 s0, s3;
	s0 =	sld [smem:$0x3FAE]  }
0x30: {  	s3 =	sld [smem:$0x3FB1]  }
0x31: {  	[smem:$0x3FBA] =	sst s10  }
0x32: {  	s10 =	sld [smem:$0x3FB8];
	_ =	sdelay $0x3  }
0x33: {  	p0 =	seq.s32 s10, $0x1;
	s10 =	sld [smem:$0x3FBA];
	_ =	sdelay $0x3  }
0x34: {  	[smem:$0x3FBA] =	sst s10  }
0x35: {  	s10 =	sld [smem:$0x3FB9];
	_ =	sdelay $0x3  }
0x36: {  	p1 =	seq.s32 s10, $0x1;
	s10 =	sld [smem:$0x3FBA];
	_ =	sdelay $0x3  }
0x37: {  	[smem:$0x3FBA] =	sst s10  }
0x38: {  	s10 =	sld [smem:$0x3FBB]  }
0x39: {  	_ = 	snop;
	(pc) =	sbr.ind lr, $3  }
0x3a: {  	_ = 	snop  }
0x3b: {  	_ = 	snop  }
0x3c: {  	p2 =	seq.s32 s10, $0x1;
	s10 =	sld [smem:$0x3FBA]  }
0x3d: {  	_ =	shalt  }
0x3e: {  	_ =	shalt  }
0x3f: {  	_ =	shalt  }
0x40: {  	_ =	shalt  }
0x41: {  	_ =	shalt  }
0x42: {  	_ =	shalt  }
0x43: {  	_ =	shalt  }
0x44: {  	_ =	shalt  }
0x45: {  	_ =	shalt  }
0x46: {  	_ =	shalt  }
0x47: {  	_ =	shalt  }
0x48: {  	_ =	shalt  }
0x49: {  	_ =	shalt  }
0x4a: {  	_ =	shalt  }
0x4b: {  	_ =	shalt  }
0x4c: {  	_ =	shalt  }
0x4d: {  	_ =	shalt  }
0x4e: {  	_ =	shalt  }
0x4f: {  	_ =	shalt  }
0x50: {  	_ =	shalt  }
0x51: {  	_ =	shalt  }
0x52: {  	_ =	shalt  }
0x53: {  	_ =	shalt  }
0x54: {  	_ =	shalt  }
0x55: {  	_ =	shalt  }
0x56: {  	_ =	shalt  }
0x57: {  	_ =	shalt  }
0x58: {  	_ =	shalt  }
0x59: {  	_ =	shalt  }
0x5a: {  	_ =	shalt  }
0x5b: {  	_ =	shalt  }
0x5c: {  	_ =	shalt  }
0x5d: {  	_ =	shalt  }
0x5e: {  	_ =	shalt  }
0x5f: {  	_ =	shalt  }
0x60: {  	_ =	shalt  }
0x61: {  	_ =	shalt  }
0x62: {  	_ =	shalt  }
0x63: {  	_ =	shalt  }
0x64: {  	_ =	shalt  }
0x65: {  	_ =	shalt  }
0x66: {  	_ =	shalt  }
0x67: {  	_ =	shalt  }
0x68: {  	_ =	shalt  }
0x69: {  	_ =	shalt  }
0x6a: {  	_ =	shalt  }
0x6b: {  	_ =	shalt  }
0x6c: {  	_ =	shalt  }
0x6d: {  	_ =	shalt  }
0x6e: {  	_ =	shalt  }
0x6f: {  	_ =	shalt  }
0x70: {  	_ =	shalt  }
0x71: {  	_ =	shalt  }
0x72: {  	_ =	shalt  }
0x73: {  	_ =	shalt  }
0x74: {  	_ =	shalt  }
0x75: {  	_ =	shalt  }
0x76: {  	_ =	shalt  }
0x77: {  	_ =	shalt  }
0x78: {  	_ =	shalt  }
0x79: {  	_ =	shalt  }
0x7a: {  	_ =	shalt  }
0x7b: {  	_ =	shalt  }
0x7c: {  	_ =	shalt  }
0x7d: {  	_ =	shalt  }
0x7e: {  	_ =	shalt  }
0x7f: {  	_ =	shalt  }
0x80: {  	_ =	shalt  }
0x81: {  	_ =	shalt  }
0x82: {  	_ =	shalt  }
0x83: {  	_ =	shalt  }
0x84: {  	_ =	shalt  }
0x85: {  	_ =	shalt  }
0x86: {  	_ =	shalt  }
0x87: {  	_ =	shalt  }
.Lfunc_end0:
.L_simem_size_0:
called_computation_lowered:
.L_overlay_start_0:
0x88: {  	s2 =	sld [smem:$0x3FD9]  }
0x89: {  	s3 =	sld [smem:$0x3FFE];
	_ =	sdelay $0x1  }
0x8a: {  	s1 =	srdreg.scid  }
0x8b: {  	s0 =	sand.u32 $0x1, s1  }
0x8c: {  	s17 =	sshll.u32 s0, $0xA;
	s2 =	sadd.s32 s3, s2  }
0x8d: {  	s2 =	sadd.s32 s2, s17  }
0x8e: {  	[smem:$0x3FC6] =	sst s2  }
0x8f: {  	_ = 	snop  }
0x90: {  	s2 =	sld [smem:$0x3FC8]  }
0x91: {  	s18 =	sld [smem:$0x3FD0];
	(tm) =	ssettm $0x1  }
0x92: {  	s4 =	sld [smem:$0x3FFB];
	_ =	sdelay $0x3  }
0x93: {  	_ =	strace s4  }
0x94: {  	s4 =	sld [smem:$0x3FFC];
	_ =	sdelay $0x3  }
0x95: {  	_ =	strace s4  }
0x96: {  	s4 =	sld [smem:$0x3FFD];
	_ =	sdelay $0x3  }
0x97: {  	_ =	strace s4  }
0x98: {  	_ =	strace $0x8FFFFFFF  }
0x99: {  	s19 =	sld [smem:$0x3FDB];
	_ =	sdelay $0x1  }
0x9a: {  	s5 =	simm.s32 $_scs_section_size  }
0x9b: {  	s6 =	simm.s32 $_size__tile_overlayer_lowered;
	s7 =	simm.s32 $_tile_overlayer_lowered  }
0x9c: {  	s22 =	simm.s32 $0x1BFF;
	s21 =	sshll.u32 s7, $0x1;
	s4 =	sadd.s32 s5, s19  }
0x9d: {  	s8 =	simm.s32 $0x0;
	s20 =	sshll.u32 s6, $0x1;
	s6 =	sadd.s32 s21, s4  }
0x9e: {  	[timem:s8], [sflag:s22] =	dma.local [hbm:s6], s20  }
0x9f: {  	_ =	swait.ge [sflag:s22], s20  }
0xa0: {  	s5 =	ssub.s32 $0x0, s20;
	[sflag:s22] =	ssyncset.done $0x0  }
0xa1: {  	[sflag:s22] =	ssyncadd.s32 s5;
	_ =	sdelay $0x1  }
0xa2: {  	s23 =	simm.s32 $0x1B8B  }
0xa3: {  	_ =	swait.ge [sflag:s23], $0x1  }
0xa4: {  	[sflag:s23] =	ssyncset.done $0x0  }
0xa5: {  	s25 =	simm.s32 $0x1B8E;
	s24 =	sld [smem:$0x3FFE];
	[sflag:s23] =	ssyncadd.s32 $0xFFFFFFFF  }
0xa6: {  	s26 =	simm.s32 $execute0_lowered;
	[smem:$0x3FD2] =	sst s25  }
0xa7: {  	s6 =	sshll.u32 s26, $0x1;
	_ =	strace $0x80000046;
	[dreg:$0x1] =	wrdreg $0xFFFFFFFF  }
0xa8: {  	s28 =	simm.s32 $_size_execute0_lowered;
	s4 =	sadd.s32 s4, s6;
	[dreg:$0x0] =	wrdreg $0x0  }
0xa9: {  	s6 =	sshll.u32 s28, $0x1;
	[dreg:$0x2] =	wrdreg s4  }
0xaa: {  	[dreg:$0x3] =	wrdreg s6  }
0xab: {  	[dreg:$0x4] =	wrdreg $0xC0  }
0xac: {  	_ =	task [dreg:s8], $0x5FFFF  }
0xad: {  	[dreg:$0x1] =	wrdreg $0xFFFFFFFF  }
0xae: {  	[dreg:$0x0] =	wrdreg $0x60  }
0xaf: {  	[dreg:$0x2] =	wrdreg s24  }
0xb0: {  	[dreg:$0x3] =	wrdreg s2  }
0xb1: {  	[dreg:$0x4] =	wrdreg s18  }
0xb2: {  	[dreg:$0x5] =	wrdreg $0x9  }
0xb3: {  	_ =	task.clear_ibuf [dreg:s8], $0x6FFFF;
	_ =	strace $0x90000046  }
0xb4: {  	s29 =	simm.s32 $0x9;
	_ =	strace $0x80000048  }
0xb5: {  	_ =	swait.ge [sflag:s29], $0x1  }
0xb6: {  	[sflag:s29] =	ssyncadd.s32 $0xFFFFFFFF  }
0xb7: {  	_ =	strace $0x90000048  }
0xb8: {  	_ =	sfence  }
0xb9: {  	s30 =	sld [smem:$0x0];
	_ =	sdelay $0x2  }
0xba: {  	s31 =	sshll.u32 s1, $0xD;
	s1 =	sshrl.u32 s1, $0x2  }
0xbb: {  	s3 =	sand.u32 $0x4000, s31;
	s1 =	sadd.s32 s1, s30  }
0xbc: {  	s0 =	sor.u32 s3, s0;
	s1 =	sshll.u32 s1, $0x11  }
0xbd: {  	s0 =	sor.u32 s1, s0  }
0xbe: {  	s0 =	sadd.s32 $0x8F2B, s0  }
0xbf: {  	[sflag:s0] =	ssyncadd.remote.s32 $0x1  }
0xc0: {  	_ =	sfence.sel $0xFFFF  }
0xc1: {  	[dreg:$0x0] =	wrdreg $0xFFFFFFFF;
	(pc) =	sbr.abs _section_cstart, $3  }
0xc2: {  	[dreg:$0x1] =	wrdreg $0xFFFFFFFF  }
0xc3: {  	_ =	task.clear_ibuf [dreg:s8], $0x2FFFF;
	_ =	strace $0x9FFFFFFF  }
0xc4: {  	(tm) =	ssettm $0x7FFFFFFF  }
0xc5: {  	_ =	shalt  }
tec
execute0_lowered:
.L_overlay_start_1:
0x0: {  	(tag) =	ssettag $0x1  }
0x1: {  	s0 =	srdreg.scid;
	s4 =	rddreg [dreg:$0x0]  }
0x2: {  	s2 =	stileid.u32;
	s7 =	rddreg [dreg:$0x2];
	v0 =	vimm.s32 $0xFEDCBA98;
	v1 =	vimm.s32 $0x76543210  }
0x3: {  	v2 =	vimm.s32 $0xBA98FEDC;
	v3 =	vimm.s32 $0x32107654;
	s9 =	simm.s32 $0x80;
	s10 =	simm.s32 $0x400;
	s11 =	simm.s32 $0x3  }
0x4: {  	v4 =	vimm.s32 $0xDCFE98BA;
	s19 =	simm.s32 $0x3980;
	s20 =	simm.s32 $0x3600;
	s21 =	simm.s32 $0x3A00  }
0x5: {  	v5 =	vimm.s32 $0x54761032;
	s22 =	simm.s32 $0x3680;
	s23 =	simm.s32 $0x3A80;
	s24 =	simm.s32 $0x3700  }
0x6: {  	v6 =	vimm.s32 $0xEFCDAB89;
	v7 =	vimm.s32 $0x67452301;
	s28 =	simm.s32 $0x3B80;
	s29 =	simm.s32 $0x2;
	s30 =	simm.s32 $0x1  }
0x7: {  	v8 =	vimm.s32 $0x3;
	v9 =	vimm.s32 $0x4;
	v10 =	vimm.s32 $0x5;
	s31 =	simm.s32 $0x3C00;
	s0 =	sand.u32 $0x1, s0;
	s1 =	sshll.u32 s2, $0x1  }
0x8: {  	v11 =	vimm.s32 $0x6;
	v12 =	vimm.s32 $0x7;
	s5 =	sshrl.u32 s2, $0x2;
	s2 =	rddreg [dreg:$0x1];
	v0 =	vunpack.c.l.s4.s8 v0;
	s1 =	sor.u32 s0, s1  }
0x9: {  	v1 =	vunpack.c.l.s4.s8 v1;
	v2 =	vunpack.c.l.s4.s8 v2;
	v3 =	vunpack.c.l.s4.s8 v3;
	s6 =	smul.u32 $0x12000, s5;
	s0 =	ssub.s32 $0x2, s0;
	s5 =	sshll.u32 s5, $0xB  }
0xa: {  	v4 =	vunpack.c.l.s4.s8 v4;
	v5 =	vunpack.c.l.s4.s8 v5;
	v6 =	vunpack.c.l.s4.s8 v6;
	s3 =	sshll.u32 s1, $0x7;
	s1 =	sshll.u32 s1, $0x9;
	s25 =	sshrl.u32 s0, $0x1  }
0xb: {  	v7 =	vunpack.c.l.s4.s8 v7;
	v0 =	vunpack.c.0.s8.s32 v0;
	v2 =	vunpack.c.0.s8.s32 v2;
	s8 =	sand.u32 $0x380, s3;
	s3 =	simm.s32 $0x0;
	s1 =	sadd.s32 s1, s4  }
0xc: {  	v3 =	vunpack.c.0.s8.s32 v3;
	v4 =	vunpack.c.0.s8.s32 v4;
	v5 =	vunpack.c.0.s8.s32 v5;
	s0 =	ssub.s32 s0, s25;
	s25 =	simm.s32 $0x3B00;
	s6 =	sor.u32 s6, s8  }
0xd: {  	v1 =	vunpack.c.0.s8.s32 v1;
	v6 =	vunpack.c.0.s8.s32 v6;
	v7 =	vunpack.c.0.s8.s32 v7;
	[smem:$0x7FF] =	sst s3;
	s5 =	sor.u32 s5, s8;
	s6 =	sshrl.u32 s6, $0x3  }
0xe: {  	v0 =	vand.u32 $0xF, v0;
	v2 =	vcombine.low v3, v2;
	v3 =	vcombine.low v5, v4;
	_ =	strace $0x80000047;
	s26 =	sshrl.u32 s5, $0x3;
	s6 =	sadd.s32 s6, s4  }
0xf: {  	v4 =	vcombine.low v7, v6;
	v5 =	vimm.s32 $0x0;
	v6 =	vimm.s32 $0x1;
	s4 =	sadd.s32 $0x600, s1;
	s1 =	simm.s32 $0x0;
	s5 =	sadd.s32 $0x4600, s6  }
0x10: {  	v7 =	vimm.s32 $0x2;
	v0 =	vcombine.low v0, v1;
	v1 =	vlaneseq.u32;
	s6 =	sadd.s32 s7, s26;
	s7 =	smax.u32 s0, $0x1;
	s26 =	simm.s32 $0x3780  }
.LBB2_1:
0x11: {  	v13 =	vimm.f32 $-3.000000010e+38;
	v14 =	vimm.s32 $0x0  }
0x12: {  	v15 =	vimm.s32 $0x0;
	v16 =	vimm.s32 $0x0;
	v18 =	vimm.s32 $0x0  }
0x13: {  	v20 =	vimm.s32 $0x0;
	v22 =	vimm.s32 $0x0;
	v24 =	vimm.s32 $0x0  }
0x14: {  	v26 =	vimm.s32 $0x0;
	v17 =	vimm.f32 $-3.000000010e+38;
	v19 =	vimm.f32 $-3.000000010e+38  }
0x15: {  	s0 =	simm.s32 $0x2400;
	v21 =	vimm.f32 $-3.000000010e+38;
	v23 =	vimm.f32 $-3.000000010e+38;
	v25 =	vimm.f32 $-3.000000010e+38  }
0x16: {  	v27 =	vimm.f32 $-3.000000010e+38;
	v28 =	vimm.f32 $-3.000000010e+38;
	v29 =	vimm.s32 $0x0;
	[tilespmem:s0], [sflag:$0x2] =	stream.linear.gather [hbm4b:s4+s3], $0x1000, $0x38;
	[tilespmem:$0x3D00] =	vst v63  }
0x17: {  	v30 =	vimm.s32 $0x0;
	v33 =	vimm.s32 $0x0;
	v35 =	vimm.s32 $0x0  }
0x18: {  	v37 =	vimm.s32 $0x0;
	v40 =	vimm.s32 $0x0;
	v41 =	vimm.s32 $0x0;
	[tilespmem:s3], [sflag:$0x3] =	stream.strided.gather [hbm4b:s5+s9], $0x2400, s10, s9, $0x38;
	[tilespmem:$0x3D00] =	vst v63  }
0x19: {  	v44 =	vimm.s32 $0x0;
	v31 =	vimm.f32 $-3.000000010e+38;
	v32 =	vimm.f32 $-3.000000010e+38;
	_ =	swait.ge [sflag:s11], $0x2400  }
0x1a: {  	v34 =	vimm.f32 $-3.000000010e+38;
	v36 =	vimm.f32 $-3.000000010e+38;
	v39 =	vimm.f32 $-3.000000010e+38;
	s8 =	simm.s32 $0x40;
	[sflag:s11] =	ssyncset.done $0x0  }
0x1b: {  	s12 =	simm.s32 $0x0;
	v42 =	vimm.f32 $-3.000000010e+38;
	v43 =	vimm.f32 $-3.000000010e+38;
	v45 =	vimm.f32 $-3.000000010e+38;
	s0 =	simm.s32 $0xFFFFFFFC;
	[sflag:s11] =	ssyncadd.s32 $0xFFFFDC00  }
.LBB2_2:
0x1c: {  	v38 =	vld [tilespmem:s8+$0xFFFFFFC0];
	_ =	sdelay $0x1  }
0x1d: {  	v54 =	vld [tilespmem:s8+$0xFFFFFFD0];
	_ =	sdelay $0x2  }
0x1e: {  	vm0 =	vgt.f32 v38, v45  }
0x1f: {  	v47 =	vor.u32 s12, v1;
	v46 =	vsel vm0, v45, v38  }
0x20: {  	vm7 =	vgt.f32 v54, v28;
	v38 =	vsel vm0, v38, v45;
	vm1 =	vgt.f32 v46, v43  }
0x21: {  	v48 =	vsel vm0, v47, v44;
	v49 =	vsel vm0, v44, v47;
	v63 =	vsel vm1, v43, v46  }
0x22: {  	v43 =	vsel vm1, v46, v43;
	v46 =	vsel vm1, v49, v41;
	vm14 =	vgt.f32 v63, v42  }
0x23: {  	v51 =	vsel vm1, v41, v49;
	v50 =	vsel vm14, v42, v63;
	v42 =	vsel vm14, v63, v42  }
0x24: {  	v44 =	vsel vm14, v51, v40;
	v52 =	vsel vm14, v40, v51;
	v63 =	vsel vm7, v28, v54  }
0x25: {  	v28 =	vsel vm7, v54, v28;
	vm15 =	vgt.f32 v50, v39;
	vm3 =	vgt.f32 v63, v27  }
0x26: {  	v53 =	vsel vm15, v39, v50;
	v39 =	vsel vm15, v50, v39;
	v47 =	vsel vm15, v52, v37  }
0x27: {  	v54 =	vld [tilespmem:s8+$0xFFFFFFE0];
	v55 =	vsel vm15, v37, v52;
	v51 =	vsel vm3, v27, v63;
	vm4 =	vgt.f32 v53, v36  }
0x28: {  	v27 =	vsel vm3, v63, v27;
	vm8 =	vgt.f32 v51, v25;
	v56 =	vsel vm4, v36, v53  }
0x29: {  	v40 =	vsel vm4, v53, v36;
	v41 =	vsel vm4, v55, v35;
	vm5 =	vgt.f32 v56, v34  }
0x2a: {  	v57 =	vsel vm4, v35, v55;
	v52 =	vsel vm8, v25, v51;
	v58 =	vsel vm5, v34, v56  }
0x2b: {  	v25 =	vsel vm8, v51, v25;
	vm9 =	vgt.f32 v52, v23;
	vm6 =	vgt.f32 v58, v32  }
0x2c: {  	vm13 =	vgt.f32 v54, v38;
	v60 =	vsel vm5, v33, v57;
	v62 =	vsel vm6, v32, v58  }
0x2d: {  	s13 =	sadd.s32 $0x10, s12;
	v49 =	vsel vm6, v60, v30;
	v30 =	vsel vm6, v30, v60;
	vm2 =	vgt.f32 v62, v31  }
0x2e: {  	v59 =	vsel vm5, v57, v33;
	v29 =	vsel vm2, v30, v29;
	v30 =	vor.u32 s13, v1  }
0x2f: {  	v61 =	vsel vm6, v58, v32;
	v58 =	vld [tilespmem:s8+$0xFFFFFFF0];
	v33 =	vsel vm7, v30, v26;
	v26 =	vsel vm7, v26, v30  }
0x30: {  	v37 =	vsel vm5, v56, v34;
	v31 =	vsel vm2, v62, v31;
	v30 =	vsel vm3, v26, v24  }
0x31: {  	v24 =	vsel vm3, v24, v26;
	v26 =	vsel vm9, v23, v52;
	v23 =	vsel vm9, v52, v23  }
0x32: {  	v53 =	vsel vm8, v24, v22;
	vm10 =	vgt.f32 v26, v21;
	v22 =	vsel vm8, v22, v24  }
0x33: {  	v24 =	vsel vm10, v21, v26;
	v55 =	vsel vm9, v22, v20;
	v20 =	vsel vm9, v20, v22  }
0x34: {  	v21 =	vsel vm10, v26, v21;
	vm9 =	vgt.f32 v58, v28;
	vm11 =	vgt.f32 v24, v19  }
0x35: {  	v22 =	vsel vm10, v20, v18;
	v18 =	vsel vm10, v18, v20;
	v60 =	vsel vm9, v28, v58  }
0x36: {  	v28 =	vsel vm9, v58, v28;
	v26 =	vsel vm11, v19, v24;
	v19 =	vsel vm11, v24, v19  }
0x37: {  	v20 =	vsel vm11, v18, v16;
	v16 =	vsel vm11, v16, v18;
	vm11 =	vgt.f32 v60, v27  }
0x38: {  	vm12 =	vgt.f32 v26, v17;
	v62 =	vsel vm11, v27, v60;
	v27 =	vsel vm11, v60, v27  }
0x39: {  	v18 =	vsel vm12, v26, v17;
	v17 =	vsel vm12, v17, v26;
	v24 =	vsel vm12, v16, v15  }
0x3a: {  	v15 =	vsel vm12, v15, v16;
	v16 =	vsel vm13, v38, v54;
	vm14 =	vgt.f32 v17, v13  }
0x3b: {  	s18 =	sadd.s32 $0x20, s12;
	vm12 =	vgt.f32 v62, v25;
	vm15 =	vgt.f32 v16, v43;
	v13 =	vsel vm14, v17, v13  }
0x3c: {  	v14 =	vsel vm14, v15, v14;
	v15 =	vor.u32 s18, v1;
	v26 =	vsel vm15, v43, v16  }
0x3d: {  	v34 =	vsel vm13, v15, v48;
	v15 =	vsel vm13, v48, v15;
	vm4 =	vgt.f32 v26, v42  }
0x3e: {  	v17 =	vsel vm13, v54, v38;
	v38 =	vsel vm15, v15, v46;
	v56 =	vsel vm4, v42, v26  }
0x3f: {  	v15 =	vsel vm15, v46, v15;
	v26 =	vsel vm4, v26, v42;
	vm5 =	vgt.f32 v56, v39  }
0x40: {  	v42 =	vsel vm4, v15, v44;
	v15 =	vsel vm4, v44, v15;
	v57 =	vsel vm5, v39, v56  }
0x41: {  	v16 =	vsel vm15, v16, v43;
	v43 =	vsel vm5, v15, v47;
	vm6 =	vgt.f32 v57, v40  }
0x42: {  	v15 =	vsel vm5, v47, v15;
	v47 =	vsel vm6, v57, v40;
	v40 =	vsel vm6, v40, v57  }
0x43: {  	v52 =	vsel vm12, v25, v62;
	v44 =	vsel vm6, v15, v41;
	vm7 =	vgt.f32 v40, v37  }
0x44: {  	v15 =	vsel vm6, v41, v15;
	v41 =	vsel vm7, v40, v37;
	v37 =	vsel vm7, v37, v40  }
0x45: {  	v25 =	vsel vm12, v62, v25;
	v54 =	vld [tilespmem:s8+$0x0];
	v40 =	vsel vm7, v15, v59;
	vm8 =	vgt.f32 v37, v61  }
0x46: {  	v15 =	vsel vm7, v59, v15;
	v59 =	vsel vm8, v37, v61;
	v35 =	vsel vm8, v61, v37  }
0x47: {  	s14 =	sadd.s32 $0x30, s12;
	v61 =	vsel vm8, v15, v49;
	v15 =	vsel vm8, v49, v15;
	vm10 =	vgt.f32 v35, v31  }
0x48: {  	vm13 =	vgt.f32 v52, v23;
	v15 =	vsel vm10, v15, v29;
	v29 =	vor.u32 s14, v1  }
0x49: {  	v58 =	vld [tilespmem:s8+$0x10];
	v39 =	vsel vm5, v56, v39;
	v63 =	vsel vm9, v29, v33;
	v29 =	vsel vm9, v33, v29  }
0x4a: {  	vm5 =	vgt.f32 v54, v17;
	v31 =	vsel vm10, v35, v31;
	v33 =	vsel vm11, v29, v30  }
0x4b: {  	v29 =	vsel vm11, v30, v29;
	v30 =	vsel vm13, v23, v52;
	v23 =	vsel vm13, v52, v23  }
0x4c: {  	v35 =	vsel vm12, v29, v53;
	vm14 =	vgt.f32 v30, v21;
	v29 =	vsel vm12, v53, v29  }
0x4d: {  	v53 =	vsel vm14, v21, v30;
	v49 =	vsel vm13, v29, v55;
	v29 =	vsel vm13, v55, v29  }
0x4e: {  	v21 =	vsel vm14, v30, v21;
	vm13 =	vgt.f32 v58, v28;
	vm15 =	vgt.f32 v53, v19  }
0x4f: {  	v30 =	vsel vm14, v29, v22;
	v22 =	vsel vm14, v22, v29;
	v55 =	vsel vm15, v19, v53  }
0x50: {  	v19 =	vsel vm15, v53, v19;
	v29 =	vsel vm15, v22, v20;
	vm4 =	vgt.f32 v55, v18  }
0x51: {  	v20 =	vsel vm15, v20, v22;
	v22 =	vsel vm4, v55, v18;
	v18 =	vsel vm4, v18, v55  }
0x52: {  	v32 =	vsel vm4, v20, v24;
	v20 =	vsel vm4, v24, v20;
	v24 =	vsel vm5, v17, v54  }
0x53: {  	v17 =	vsel vm5, v54, v17;
	vm6 =	vgt.f32 v18, v13;
	vm7 =	vgt.f32 v24, v16  }
0x54: {  	s15 =	sadd.s32 $0x40, s12;
	v13 =	vsel vm6, v18, v13;
	v14 =	vsel vm6, v20, v14;
	v20 =	vsel vm7, v16, v24  }
0x55: {  	v18 =	vor.u32 s15, v1;
	v16 =	vsel vm7, v24, v16;
	vm8 =	vgt.f32 v20, v26  }
0x56: {  	v37 =	vsel vm5, v18, v34;
	v18 =	vsel vm5, v34, v18;
	v56 =	vsel vm8, v26, v20  }
0x57: {  	v24 =	vsel vm7, v18, v38;
	v18 =	vsel vm7, v38, v18;
	vm9 =	vgt.f32 v56, v39  }
0x58: {  	v20 =	vsel vm8, v20, v26;
	v26 =	vsel vm8, v18, v42;
	v57 =	vsel vm9, v39, v56  }
0x59: {  	v18 =	vsel vm8, v42, v18;
	v34 =	vsel vm9, v56, v39;
	vm10 =	vgt.f32 v57, v47  }
0x5a: {  	v50 =	vsel vm9, v18, v43;
	v18 =	vsel vm9, v43, v18;
	v38 =	vsel vm10, v47, v57  }
0x5b: {  	v51 =	vsel vm10, v57, v47;
	v47 =	vsel vm10, v18, v44;
	vm11 =	vgt.f32 v38, v41  }
0x5c: {  	v18 =	vsel vm10, v44, v18;
	v52 =	vsel vm11, v38, v41;
	v38 =	vsel vm11, v41, v38  }
0x5d: {  	v53 =	vsel vm11, v18, v40;
	v18 =	vsel vm11, v40, v18;
	vm12 =	vgt.f32 v38, v59  }
0x5e: {  	v54 =	vsel vm12, v38, v59;
	v36 =	vsel vm12, v59, v38;
	v59 =	vsel vm13, v28, v58  }
0x5f: {  	v55 =	vsel vm12, v18, v61;
	v18 =	vsel vm12, v61, v18;
	vm14 =	vgt.f32 v36, v31  }
0x60: {  	s16 =	sadd.s32 $0x50, s12;
	v28 =	vsel vm13, v58, v28;
	vm15 =	vgt.f32 v59, v27;
	v31 =	vsel vm14, v36, v31  }
0x61: {  	v60 =	vsel vm15, v27, v59;
	v15 =	vsel vm14, v18, v15;
	v18 =	vor.u32 s16, v1  }
0x62: {  	vm6 =	vgt.f32 v60, v25;
	v48 =	vsel vm13, v18, v63;
	v18 =	vsel vm13, v63, v18  }
0x63: {  	v27 =	vsel vm15, v59, v27;
	v61 =	vsel vm6, v25, v60;
	v38 =	vsel vm15, v18, v33  }
0x64: {  	v18 =	vsel vm15, v33, v18;
	v25 =	vsel vm6, v60, v25;
	v60 =	vld [tilespmem:s8+$0x20];
	vm7 =	vgt.f32 v61, v23  }
0x65: {  	v63 =	vsel vm6, v18, v35;
	v18 =	vsel vm6, v35, v18;
	v62 =	vsel vm7, v23, v61  }
0x66: {  	v23 =	vsel vm7, v61, v23;
	v56 =	vsel vm7, v18, v49;
	vm8 =	vgt.f32 v62, v21  }
0x67: {  	v18 =	vsel vm7, v49, v18;
	v45 =	vsel vm8, v21, v62;
	v21 =	vsel vm8, v62, v21  }
0x68: {  	v49 =	vsel vm8, v18, v30;
	v18 =	vsel vm8, v30, v18;
	vm9 =	vgt.f32 v45, v19  }
0x69: {  	vm11 =	vgt.f32 v60, v17;
	v61 =	vsel vm9, v19, v45;
	v19 =	vsel vm9, v45, v19  }
0x6a: {  	v57 =	vsel vm9, v18, v29;
	v18 =	vsel vm9, v29, v18;
	v29 =	vsel vm11, v17, v60  }
0x6b: {  	v45 =	vsel vm11, v60, v17;
	vm10 =	vgt.f32 v61, v22;
	vm13 =	vgt.f32 v29, v16  }
0x6c: {  	v58 =	vsel vm10, v61, v22;
	v22 =	vsel vm10, v22, v61;
	v59 =	vsel vm10, v18, v32  }
0x6d: {  	v18 =	vsel vm10, v32, v18;
	v17 =	vsel vm13, v16, v29;
	vm12 =	vgt.f32 v22, v13  }
0x6e: {  	s17 =	sadd.s32 $0x60, s12;
	v43 =	vsel vm13, v29, v16;
	vm14 =	vgt.f32 v17, v20;
	v13 =	vsel vm12, v22, v13  }
0x6f: {  	v14 =	vsel vm12, v18, v14;
	v18 =	vor.u32 s17, v1;
	v16 =	vsel vm14, v20, v17  }
0x70: {  	v42 =	vsel vm14, v17, v20;
	v44 =	vsel vm11, v18, v37;
	v18 =	vsel vm11, v37, v18  }
0x71: {  	v20 =	vld [tilespmem:s8+$0x30];
	vm15 =	vgt.f32 v16, v34;
	v41 =	vsel vm13, v18, v24;
	v18 =	vsel vm13, v24, v18  }
0x72: {  	v40 =	vsel vm14, v18, v26;
	v17 =	vsel vm14, v26, v18;
	v18 =	vsel vm15, v34, v16  }
0x73: {  	v39 =	vsel vm15, v16, v34;
	v37 =	vsel vm15, v17, v50;
	vm4 =	vgt.f32 v18, v51  }
0x74: {  	v16 =	vsel vm15, v50, v17;
	v36 =	vsel vm4, v18, v51;
	v17 =	vsel vm4, v51, v18  }
0x75: {  	v35 =	vsel vm4, v16, v47;
	v16 =	vsel vm4, v47, v16;
	vm5 =	vgt.f32 v17, v52  }
0x76: {  	vm7 =	vgt.f32 v20, v28;
	v34 =	vsel vm5, v17, v52;
	v17 =	vsel vm5, v52, v17  }
0x77: {  	v18 =	vsel vm7, v28, v20;
	v33 =	vsel vm5, v16, v53;
	vm6 =	vgt.f32 v17, v54  }
0x78: {  	v16 =	vsel vm5, v53, v16;
	v32 =	vsel vm6, v17, v54;
	v17 =	vsel vm6, v54, v17  }
0x79: {  	vm9 =	vgt.f32 v18, v27;
	v30 =	vsel vm6, v16, v55;
	vm8 =	vgt.f32 v17, v31  }
0x7a: {  	v16 =	vsel vm6, v55, v16;
	v31 =	vsel vm8, v17, v31;
	v17 =	vsel vm9, v27, v18  }
0x7b: {  	s18 =	sadd.s32 $0x70, s12;
	v28 =	vsel vm7, v20, v28;
	v29 =	vsel vm8, v16, v15;
	vm10 =	vgt.f32 v17, v25  }
0x7c: {  	v15 =	vor.u32 s18, v1;
	v27 =	vsel vm9, v18, v27;
	v16 =	vsel vm10, v25, v17  }
0x7d: {  	v26 =	vsel vm7, v15, v48;
	v15 =	vsel vm7, v48, v15;
	vm11 =	vgt.f32 v16, v23  }
0x7e: {  	v24 =	vsel vm9, v15, v38;
	v15 =	vsel vm9, v38, v15;
	v18 =	vsel vm11, v23, v16  }
0x7f: {  	v25 =	vsel vm10, v17, v25;
	v22 =	vsel vm10, v15, v63;
	vm12 =	vgt.f32 v18, v21  }
0x80: {  	s0 =	sadd.s32 $0x4, s0;
	v15 =	vsel vm10, v63, v15;
	v23 =	vsel vm11, v16, v23;
	v16 =	vsel vm12, v21, v18  }
0x81: {  	p0 =	slt.u32 s0, $0xFC;
	v20 =	vsel vm11, v15, v56;
	v15 =	vsel vm11, v56, v15;
	vm13 =	vgt.f32 v16, v19  }
.Ltmp0:
0x82: {  	v21 =	vsel vm12, v18, v21;
	v18 =	vsel vm12, v15, v49;
	v17 =	vsel vm13, v19, v16;
	(pc) =	sbr.rel @p0 .LBB2_2-.Ltmp0, $4  }
0x83: {  	v15 =	vsel vm12, v49, v15;
	v19 =	vsel vm13, v16, v19;
	vm14 =	vgt.f32 v17, v58  }
0x84: {  	v16 =	vsel vm13, v15, v57;
	v15 =	vsel vm13, v57, v15;
	v62 =	vsel vm14, v58, v17  }
0x85: {  	v17 =	vsel vm14, v17, v58;
	v63 =	vsel vm14, v59, v15;
	vm15 =	vgt.f32 v62, v13  }
0x86: {  	s12 =	sadd.s32 $0x80, s12;
	s8 =	sadd.s32 $0x80, s8;
	v15 =	vsel vm14, v15, v59;
	v13 =	vsel vm15, v62, v13;
	v14 =	vsel vm15, v63, v14  }
0x87: {  	v46 =	vld [tilespmem:$0x2000];
	_ =	sdelay $0x4  }
0x88: {  	v47 =	vor.u32 $0x2000, v1;
	vm0 =	vgt.f32 v46, v45  }
0x89: {  	v38 =	vsel vm0, v46, v45;
	v48 =	vsel vm0, v47, v44  }
0x8a: {  	(xrf1) =	vsort.dscd.msk.f32 $0xffff, v38, v48;
	_ =	sdelay $0xb  }
0x8b: {  	v55 =	vmul.u32 $0xFFFFFFFF, v1;
	_ =	sdelay $0x1  }
0x8c: {  	v38 =	vadd.s32 $0xF, v55;
	v48, v49, _ =	vpop (xrf1)  }
0x8d: {  	v48 =	vperm.xlane v48, v38;
	v49 =	vperm.xlane v49, v38  }
0x8e: {  	vm8 =	vmmov $0xff;
	v56 =	vsel vm0, v45, v46;
	v57 =	vsel vm0, v44, v47  }
0x8f: {  	vm1 =	vgt.f32 v56, v43;
	v58 =	vsel vm8, $0xFF61B1E6, v48;
	v59 =	vsel vm8, $0x0, v49  }
0x90: {  	v60 =	vsel vm1, v56, v43;
	v61 =	vsel vm1, v57, v41;
	(xrf1) =	vsort.dscd.msk.f32 $0xffff, v58, v59  }
0x91: {  	(xrf1) =	vsort.dscd.msk.f32 $0xffff, v60, v61;
	_ =	sdelay $0xc  }
0x92: {  	v46, v47, _ =	vpop (xrf1)  }
0x93: {  	v48, v49, _ =	vpop (xrf1)  }
0x94: {  	v48 =	vperm.xlane v48, v38;
	v49 =	vperm.xlane v49, v38  }
0x95: {  	v62 =	vsel vm1, v43, v56;
	v63 =	vsel vm1, v41, v57  }
0x96: {  	vm9 =	vgt.f32 v62, v42;
	v48 =	vsel vm8, v46, v48;
	v49 =	vsel vm8, v47, v49  }
0x97: {  	v50 =	vsel vm9, v62, v42;
	v51 =	vsel vm9, v63, v40;
	(xrf1) =	vsort.dscd.msk.f32 $0xffff, v48, v49  }
0x98: {  	(xrf1) =	vsort.dscd.msk.f32 $0xffff, v50, v51;
	_ =	sdelay $0xc  }
0x99: {  	v44, v45, _ =	vpop (xrf1)  }
0x9a: {  	v46, v47, _ =	vpop (xrf1)  }
0x9b: {  	v46 =	vperm.xlane v46, v38;
	v47 =	vperm.xlane v47, v38  }
0x9c: {  	v52 =	vsel vm9, v42, v62;
	v53 =	vsel vm9, v40, v63  }
0x9d: {  	vm10 =	vgt.f32 v52, v39;
	v54 =	vsel vm8, v44, v46;
	v55 =	vsel vm8, v45, v47  }
0x9e: {  	v56 =	vsel vm10, v52, v39;
	v57 =	vsel vm10, v53, v37;
	(xrf1) =	vsort.dscd.msk.f32 $0xffff, v54, v55  }
0x9f: {  	(xrf1) =	vsort.dscd.msk.f32 $0xffff, v56, v57;
	_ =	sdelay $0xc  }
0xa0: {  	v41, v43, _ =	vpop (xrf1)  }
0xa1: {  	v44, v45, _ =	vpop (xrf1)  }
0xa2: {  	v44 =	vperm.xlane v44, v38;
	v45 =	vperm.xlane v45, v38  }
0xa3: {  	v58 =	vsel vm10, v39, v52;
	v59 =	vsel vm10, v37, v53  }
0xa4: {  	vm11 =	vgt.f32 v58, v36;
	v60 =	vsel vm8, v41, v44;
	v61 =	vsel vm8, v43, v45  }
0xa5: {  	v42 =	vsel vm11, v58, v36;
	v62 =	vsel vm11, v59, v35;
	(xrf1) =	vsort.dscd.msk.f32 $0xffff, v60, v61  }
0xa6: {  	(xrf1) =	vsort.dscd.msk.f32 $0xffff, v42, v62;
	_ =	sdelay $0xc  }
0xa7: {  	v40, v41, _ =	vpop (xrf1)  }
0xa8: {  	v42, v43, _ =	vpop (xrf1)  }
0xa9: {  	v63 =	vsel vm11, v36, v58;
	v42 =	vperm.xlane v42, v38;
	v43 =	vperm.xlane v43, v38  }
0xaa: {  	vm12 =	vgt.f32 v63, v34  }
0xab: {  	v44 =	vsel vm11, v35, v59;
	v45 =	vsel vm8, v40, v42;
	v46 =	vsel vm8, v41, v43  }
0xac: {  	v47 =	vsel vm12, v63, v34;
	v48 =	vsel vm12, v44, v33;
	(xrf1) =	vsort.dscd.msk.f32 $0xffff, v45, v46  }
0xad: {  	(xrf1) =	vsort.dscd.msk.f32 $0xffff, v47, v48;
	_ =	sdelay $0xc  }
0xae: {  	v37, v39, _ =	vpop (xrf1)  }
0xaf: {  	v40, v41, _ =	vpop (xrf1)  }
0xb0: {  	v49 =	vsel vm12, v34, v63;
	v40 =	vperm.xlane v40, v38;
	v41 =	vperm.xlane v41, v38  }
0xb1: {  	vm13 =	vgt.f32 v49, v32  }
0xb2: {  	v50 =	vsel vm12, v33, v44;
	v51 =	vsel vm8, v37, v40;
	v52 =	vsel vm8, v39, v41  }
0xb3: {  	v53 =	vsel vm13, v49, v32;
	v54 =	vsel vm13, v50, v30;
	(xrf1) =	vsort.dscd.msk.f32 $0xffff, v51, v52  }
0xb4: {  	(xrf1) =	vsort.dscd.msk.f32 $0xffff, v53, v54;
	_ =	sdelay $0xc  }
0xb5: {  	v35, v36, _ =	vpop (xrf1)  }
0xb6: {  	v37, v39, _ =	vpop (xrf1)  }
0xb7: {  	v55 =	vsel vm13, v32, v49;
	v37 =	vperm.xlane v37, v38;
	v39 =	vperm.xlane v39, v38  }
0xb8: {  	vm14 =	vgt.f32 v55, v31  }
0xb9: {  	v56 =	vsel vm13, v30, v50;
	v57 =	vsel vm8, v35, v37;
	v58 =	vsel vm8, v36, v39  }
0xba: {  	v31 =	vsel vm14, v55, v31;
	v29 =	vsel vm14, v56, v29;
	(xrf1) =	vsort.dscd.msk.f32 $0xffff, v57, v58  }
0xbb: {  	(xrf1) =	vsort.dscd.msk.f32 $0xffff, v31, v29;
	_ =	sdelay $0xc  }
0xbc: {  	v59, v30, _ =	vpop (xrf1)  }
0xbd: {  	v31, v32, _ =	vpop (xrf1)  }
0xbe: {  	v31 =	vperm.xlane v31, v38;
	v32 =	vperm.xlane v32, v38;
	_ =	sdelay $0x1  }
0xbf: {  	v29 =	vsel vm8, v59, v31;
	v30 =	vsel vm8, v30, v32  }
0xc0: {  	(xrf1) =	vsort.dscd.msk.f32 $0xffff, v29, v30  }
0xc1: {  	(xrf1) =	vsort.dscd.msk.f32 $0xffff, v28, v26;
	_ =	sdelay $0xc  }
0xc2: {  	v26, v28, _ =	vpop (xrf1)  }
0xc3: {  	v29, v30, _ =	vpop (xrf1)  }
0xc4: {  	v29 =	vperm.xlane v29, v38;
	v30 =	vperm.xlane v30, v38;
	_ =	sdelay $0x1  }
0xc5: {  	v26 =	vsel vm8, v26, v29;
	v28 =	vsel vm8, v28, v30  }
0xc6: {  	(xrf1) =	vsort.dscd.msk.f32 $0xffff, v26, v28  }
0xc7: {  	(xrf1) =	vsort.dscd.msk.f32 $0xffff, v27, v24;
	_ =	sdelay $0xc  }
0xc8: {  	v60, v26, _ =	vpop (xrf1)  }
0xc9: {  	v27, v61, _ =	vpop (xrf1)  }
0xca: {  	v27 =	vperm.xlane v27, v38;
	v28 =	vperm.xlane v61, v38;
	_ =	sdelay $0x1  }
0xcb: {  	v24 =	vsel vm8, v60, v27;
	v26 =	vsel vm8, v26, v28  }
0xcc: {  	(xrf1) =	vsort.dscd.msk.f32 $0xffff, v24, v26  }
0xcd: {  	(xrf1) =	vsort.dscd.msk.f32 $0xffff, v25, v22;
	_ =	sdelay $0xc  }
0xce: {  	v62, v24, _ =	vpop (xrf1)  }
0xcf: {  	v25, v63, _ =	vpop (xrf1)  }
0xd0: {  	v25 =	vperm.xlane v25, v38;
	v26 =	vperm.xlane v63, v38;
	_ =	sdelay $0x1  }
0xd1: {  	v22 =	vsel vm8, v62, v25;
	v24 =	vsel vm8, v24, v26  }
0xd2: {  	(xrf1) =	vsort.dscd.msk.f32 $0xffff, v22, v24  }
0xd3: {  	(xrf1) =	vsort.dscd.msk.f32 $0xffff, v23, v20;
	_ =	sdelay $0xc  }
0xd4: {  	v28, v22, _ =	vpop (xrf1)  }
0xd5: {  	v23, v29, _ =	vpop (xrf1)  }
0xd6: {  	v23 =	vperm.xlane v23, v38;
	v24 =	vperm.xlane v29, v38;
	_ =	sdelay $0x1  }
0xd7: {  	v20 =	vsel vm8, v28, v23;
	v22 =	vsel vm8, v22, v24  }
0xd8: {  	(xrf1) =	vsort.dscd.msk.f32 $0xffff, v20, v22  }
0xd9: {  	(xrf1) =	vsort.dscd.msk.f32 $0xffff, v21, v18;
	_ =	sdelay $0xc  }
0xda: {  	v30, v20, _ =	vpop (xrf1)  }
0xdb: {  	v21, v31, _ =	vpop (xrf1)  }
0xdc: {  	v21 =	vperm.xlane v21, v38;
	v22 =	vperm.xlane v31, v38;
	_ =	sdelay $0x1  }
0xdd: {  	v18 =	vsel vm8, v30, v21;
	v20 =	vsel vm8, v20, v22  }
0xde: {  	(xrf1) =	vsort.dscd.msk.f32 $0xffff, v18, v20  }
0xdf: {  	(xrf1) =	vsort.dscd.msk.f32 $0xffff, v19, v16;
	_ =	sdelay $0xc  }
0xe0: {  	v32, v18, _ =	vpop (xrf1)  }
0xe1: {  	v19, v33, _ =	vpop (xrf1)  }
0xe2: {  	v19 =	vperm.xlane v19, v38;
	v20 =	vperm.xlane v33, v38;
	_ =	sdelay $0x1  }
0xe3: {  	v16 =	vsel vm8, v32, v19;
	v18 =	vsel vm8, v18, v20  }
0xe4: {  	(xrf1) =	vsort.dscd.msk.f32 $0xffff, v16, v18  }
0xe5: {  	(xrf1) =	vsort.dscd.msk.f32 $0xffff, v17, v15;
	_ =	sdelay $0xc  }
0xe6: {  	v15, v16, _ =	vpop (xrf1)  }
0xe7: {  	v17, v34, _ =	vpop (xrf1)  }
0xe8: {  	v17 =	vperm.xlane v17, v38;
	v18 =	vperm.xlane v34, v38;
	_ =	sdelay $0x1  }
0xe9: {  	v15 =	vsel vm8, v15, v17;
	v16 =	vsel vm8, v16, v18  }
0xea: {  	(xrf1) =	vsort.dscd.msk.f32 $0xffff, v15, v16  }
0xeb: {  	(xrf1) =	vsort.dscd.msk.f32 $0xffff, v13, v14;
	_ =	sdelay $0xc  }
0xec: {  	v13, v14, _ =	vpop (xrf1)  }
0xed: {  	v15, v16, _ =	vpop (xrf1)  }
0xee: {  	v15 =	vperm.xlane v15, v38;
	v16 =	vperm.xlane v16, v38;
	_ =	sdelay $0x1  }
0xef: {  	v13 =	vsel vm8, v13, v15;
	v14 =	vsel vm8, v14, v16  }
0xf0: {  	(xrf1) =	vsort.dscd.msk.f32 $0xffff, v13, v14;
	_ =	sdelay $0xd  }
0xf1: {  	v13, v14, _ =	vpop (xrf1)  }
0xf2: {  	vm15 =	vlt.s32 v14, $0x2000  }
0xf3: {  	vm1 =	vmand vm15, vm8  }
0xf4: {  	v15 =	vnsel vm1, $0x0, v14  }
0xf5: {  	(v2sf) =	vpush v15, $0x0;
	_ =	sdelay $0x6  }
0xf6: {  	(v2sf) =	vpush v15, $0x1;
	_ =	sdelay $0x7  }
0xf7: {  	(v2sf) =	vpush v15, $0x2;
	s0 =	spop (v2sf)  }
0xf8: {  	s8 =	sshll.u32 s0, $0x8;
	s0 =	sshll.u32 s0, $0x7  }
0xf9: {  	s8 =	sand.u32 $0xFFFFF800, s8;
	s0 =	sand.u32 $0x380, s0  }
0xfa: {  	s0 =	sor.u32 s0, s8  }
0xfb: {  	s0 =	sshrl.u32 s0, $0x3  }
0xfc: {  	s13 =	simm.s32 $0x3400;
	s0 =	sadd.s32 s2, s0  }
0xfd: {  	[tilespmem:s13], [sflag:$0x1] =	stream.linear.gather [hbm4b:s0+s3], $0x80, $0x38;
	[tilespmem:$0x3D00] =	vst v63  }
0xfe: {  	s14 =	simm.s32 $0x3800;
	s15 =	spop (v2sf);
	s0 =	sadd.s32 $0x80, s0  }
0xff: {  	(v2sf) =	vpush v15, $0x3;
	[tilespmem:s14], [sflag:$0x1] =	stream.linear.gather [hbm4b:s0+s3], $0x80, $0x38;
	[tilespmem:$0x3D00] =	vst v63  }
0x100: {  	s16 =	sshll.u32 s15, $0x8;
	s0 =	sshll.u32 s15, $0x7  }
0x101: {  	s8 =	sand.u32 $0xFFFFF800, s16;
	s0 =	sand.u32 $0x380, s0  }
0x102: {  	s0 =	sor.u32 s0, s8  }
0x103: {  	s0 =	sshrl.u32 s0, $0x3  }
0x104: {  	s17 =	simm.s32 $0x3480;
	s0 =	sadd.s32 s2, s0  }
0x105: {  	[tilespmem:s17], [sflag:$0x1] =	stream.linear.gather [hbm4b:s0+s3], $0x80, $0x38;
	[tilespmem:$0x3D00] =	vst v63  }
0x106: {  	s18 =	simm.s32 $0x3880;
	s12 =	spop (v2sf);
	s0 =	sadd.s32 $0x80, s0  }
0x107: {  	(v2sf) =	vpush v15, $0x4;
	[tilespmem:s18], [sflag:$0x1] =	stream.linear.gather [hbm4b:s0+s3], $0x80, $0x38;
	[tilespmem:$0x3D00] =	vst v63  }
0x108: {  	s13 =	sshll.u32 s12, $0x8;
	s0 =	sshll.u32 s12, $0x7  }
0x109: {  	s8 =	sand.u32 $0xFFFFF800, s13;
	s0 =	sand.u32 $0x380, s0  }
0x10a: {  	s0 =	sor.u32 s0, s8  }
0x10b: {  	s0 =	sshrl.u32 s0, $0x3  }
0x10c: {  	s14 =	simm.s32 $0x3500;
	s0 =	sadd.s32 s2, s0  }
0x10d: {  	[tilespmem:s14], [sflag:$0x1] =	stream.linear.gather [hbm4b:s0+s3], $0x80, $0x38;
	[tilespmem:$0x3D00] =	vst v63  }
0x10e: {  	s16 =	spop (v2sf);
	s15 =	simm.s32 $0x3900;
	s0 =	sadd.s32 $0x80, s0  }
0x10f: {  	(v2sf) =	vpush v15, $0x5;
	[tilespmem:s15], [sflag:$0x1] =	stream.linear.gather [hbm4b:s0+s3], $0x80, $0x38;
	[tilespmem:$0x3D00] =	vst v63  }
0x110: {  	s17 =	sshll.u32 s16, $0x8;
	s0 =	sshll.u32 s16, $0x7  }
0x111: {  	s8 =	sand.u32 $0xFFFFF800, s17;
	s0 =	sand.u32 $0x380, s0  }
0x112: {  	s0 =	sor.u32 s0, s8  }
0x113: {  	s0 =	sshrl.u32 s0, $0x3  }
0x114: {  	s18 =	simm.s32 $0x3580;
	s0 =	sadd.s32 s2, s0  }
0x115: {  	[tilespmem:s18], [sflag:$0x1] =	stream.linear.gather [hbm4b:s0+s3], $0x80, $0x38;
	[tilespmem:$0x3D00] =	vst v63  }
0x116: {  	s8 =	spop (v2sf);
	s0 =	sadd.s32 $0x80, s0  }
0x117: {  	(v2sf) =	vpush v15, $0x6;
	[tilespmem:s19], [sflag:$0x1] =	stream.linear.gather [hbm4b:s0+s3], $0x80, $0x38;
	[tilespmem:$0x3D00] =	vst v63  }
0x118: {  	s12 =	sshll.u32 s8, $0x8;
	s0 =	sshll.u32 s8, $0x7  }
0x119: {  	s8 =	sand.u32 $0xFFFFF800, s12;
	s0 =	sand.u32 $0x380, s0  }
0x11a: {  	s0 =	sor.u32 s0, s8  }
0x11b: {  	s0 =	sshrl.u32 s0, $0x3  }
0x11c: {  	s0 =	sadd.s32 s2, s0  }
0x11d: {  	[tilespmem:s20], [sflag:$0x1] =	stream.linear.gather [hbm4b:s0+s3], $0x80, $0x38;
	[tilespmem:$0x3D00] =	vst v63  }
0x11e: {  	s13 =	spop (v2sf);
	s0 =	sadd.s32 $0x80, s0  }
0x11f: {  	(v2sf) =	vpush v15, $0x7;
	[tilespmem:s21], [sflag:$0x1] =	stream.linear.gather [hbm4b:s0+s3], $0x80, $0x38;
	[tilespmem:$0x3D00] =	vst v63  }
0x120: {  	s14 =	sshll.u32 s13, $0x8;
	s0 =	sshll.u32 s13, $0x7  }
0x121: {  	s8 =	sand.u32 $0xFFFFF800, s14;
	s0 =	sand.u32 $0x380, s0  }
0x122: {  	s0 =	sor.u32 s0, s8  }
0x123: {  	s0 =	sshrl.u32 s0, $0x3  }
0x124: {  	s0 =	sadd.s32 s2, s0  }
0x125: {  	[tilespmem:s22], [sflag:$0x1] =	stream.linear.gather [hbm4b:s0+s3], $0x80, $0x38;
	[tilespmem:$0x3D00] =	vst v63  }
0x126: {  	s15 =	spop (v2sf);
	s0 =	sadd.s32 $0x80, s0  }
0x127: {  	[tilespmem:s23], [sflag:$0x1] =	stream.linear.gather [hbm4b:s0+s3], $0x80, $0x38;
	[tilespmem:$0x3D00] =	vst v63  }
0x128: {  	s16 =	sshll.u32 s15, $0x8;
	s0 =	sshll.u32 s15, $0x7  }
0x129: {  	s8 =	sand.u32 $0xFFFFF800, s16;
	s0 =	sand.u32 $0x380, s0  }
0x12a: {  	s0 =	sor.u32 s0, s8  }
0x12b: {  	s0 =	sshrl.u32 s0, $0x3  }
0x12c: {  	s0 =	sadd.s32 s2, s0  }
0x12d: {  	[tilespmem:s24], [sflag:$0x1] =	stream.linear.gather [hbm4b:s0+s3], $0x80, $0x38;
	[tilespmem:$0x3D00] =	vst v63  }
0x12e: {  	s17 =	spop (v2sf);
	s0 =	sadd.s32 $0x80, s0  }
0x12f: {  	[tilespmem:s25], [sflag:$0x1] =	stream.linear.gather [hbm4b:s0+s3], $0x80, $0x38;
	[tilespmem:$0x3D00] =	vst v63  }
0x130: {  	s18 =	sshll.u32 s17, $0x8;
	s0 =	sshll.u32 s17, $0x7  }
0x131: {  	s8 =	sand.u32 $0xFFFFF800, s18;
	s0 =	sand.u32 $0x380, s0  }
0x132: {  	s0 =	sor.u32 s0, s8  }
0x133: {  	s0 =	sshrl.u32 s0, $0x3  }
0x134: {  	s0 =	sadd.s32 s2, s0  }
0x135: {  	[tilespmem:s26], [sflag:$0x1] =	stream.linear.gather [hbm4b:s0+s3], $0x80, $0x38;
	[tilespmem:$0x3D00] =	vst v63  }
0x136: {  	s0 =	sadd.s32 $0x80, s0  }
0x137: {  	[tilespmem:s28], [sflag:$0x1] =	stream.linear.gather [hbm4b:s0+s3], $0x80, $0x38;
	[tilespmem:$0x3D00] =	vst v63  }
0x138: {  	_ =	swait.ge [sflag:s29], $0x1000  }
0x139: {  	[sflag:s29] =	ssyncset.done $0x0  }
0x13a: {  	[sflag:s29] =	ssyncadd.s32 $0xFFFFF000  }
0x13b: {  	_ =	swait.ge [sflag:s30], $0x100  }
0x13c: {  	[sflag:s30] =	ssyncset.done $0x0  }
0x13d: {  	[sflag:s30] =	ssyncadd.s32 $0xFFFFFF00  }
0x13e: {  	_ =	swait.ge [sflag:s30], $0x100  }
0x13f: {  	[sflag:s30] =	ssyncset.done $0x0  }
0x140: {  	[sflag:s30] =	ssyncadd.s32 $0xFFFFFF00  }
0x141: {  	_ =	swait.ge [sflag:s30], $0x100  }
0x142: {  	[sflag:s30] =	ssyncset.done $0x0  }
0x143: {  	[sflag:s30] =	ssyncadd.s32 $0xFFFFFF00  }
0x144: {  	_ =	swait.ge [sflag:s30], $0x100  }
0x145: {  	[sflag:s30] =	ssyncset.done $0x0  }
0x146: {  	[sflag:s30] =	ssyncadd.s32 $0xFFFFFF00  }
0x147: {  	_ =	swait.ge [sflag:s30], $0x100  }
0x148: {  	[sflag:s30] =	ssyncset.done $0x0  }
0x149: {  	[sflag:s30] =	ssyncadd.s32 $0xFFFFFF00  }
0x14a: {  	_ =	swait.ge [sflag:s30], $0x100  }
0x14b: {  	[sflag:s30] =	ssyncset.done $0x0  }
0x14c: {  	[sflag:s30] =	ssyncadd.s32 $0xFFFFFF00  }
0x14d: {  	_ =	swait.ge [sflag:s30], $0x100  }
0x14e: {  	vm2 =	vgt.s32 v14, $0x1FFF;
	[sflag:s30] =	ssyncset.done $0x0  }
0x14f: {  	vm2 =	vmand vm2, vm8;
	v14 =	vadd.s32 $0xFFFFE000, v14;
	[sflag:s30] =	ssyncadd.s32 $0xFFFFFF00  }
0x150: {  	v35 =	vnsel vm2, $0x0, v14;
	_ =	swait.ge [sflag:s30], $0x100  }
0x151: {  	(v2sf) =	vpush v35, $0x0;
	_ =	sdelay $0x3  }
0x152: {  	(v2sf) =	vpush v35, $0x1;
	_ =	sdelay $0x3  }
0x153: {  	(v2sf) =	vpush v35, $0x2;
	_ =	sdelay $0x3  }
0x154: {  	(v2sf) =	vpush v35, $0x3;
	_ =	sdelay $0x2  }
0x155: {  	[sflag:s30] =	ssyncset.done $0x0;
	s8 =	spop (v2sf)  }
0x156: {  	[sflag:s30] =	ssyncadd.s32 $0xFFFFFF00;
	(v2sf) =	vpush v35, $0x4;
	s12 =	sshll.u32 s8, $0x8;
	s0 =	sshll.u32 s8, $0x7  }
0x157: {  	v14 =	vld [tilespmem:$0x3400];
	s8 =	sand.u32 $0xFFFFF800, s12;
	s0 =	sand.u32 $0x380, s0  }
0x158: {  	v36 =	vnsel vm8, $0x0, v13;
	s0 =	sor.u32 s0, s8  }
0x159: {  	v37 =	vnsel vm1, $0x0, v36;
	s13 =	spop (v2sf);
	v38 =	vld [tilespmem:s0+$0x2400]  }
0x15a: {  	v13 =	vperm.xlane v37, v5;
	(v2sf) =	vpush v35, $0x5;
	s12 =	sshll.u32 s13, $0x8;
	s8 =	sshll.u32 s13, $0x7  }
0x15b: {  	v39 =	vnsel vm2, $0x0, v36;
	v40 =	vld [tilespmem:$0x3480];
	s12 =	sand.u32 $0xFFFFF800, s12;
	s8 =	sand.u32 $0x380, s8  }
0x15c: {  	v15 =	vperm.xlane v39, v5;
	v41 =	vmul.f32 v14, v13;
	s8 =	sor.u32 s8, s12  }
0x15d: {  	v14 =	vperm.xlane v37, v6;
	s14 =	spop (v2sf);
	v42 =	vld [tilespmem:s8+$0x2400]  }
0x15e: {  	v20 =	vadd.f32 $0.0e+00, v41;
	(v2sf) =	vpush v35, $0x6;
	s13 =	sshll.u32 s14, $0x8;
	s12 =	sshll.u32 s14, $0x7;
	v43 =	vmul.f32 v38, v15  }
0x15f: {  	v44 =	vld [tilespmem:$0x3500];
	s13 =	sand.u32 $0xFFFFF800, s13;
	s12 =	sand.u32 $0x380, s12  }
0x160: {  	v16 =	vperm.xlane v39, v6;
	v45 =	vmul.f32 v40, v14;
	s12 =	sor.u32 s12, s13;
	v20 =	vadd.f32 v43, v20  }
0x161: {  	s15 =	spop (v2sf);
	v46 =	vld [tilespmem:s12+$0x2400]  }
0x162: {  	v17 =	vperm.xlane v37, v7;
	s14 =	sshll.u32 s15, $0x8;
	s13 =	sshll.u32 s15, $0x7;
	v21 =	vmul.f32 v42, v16;
	v20 =	vadd.f32 v45, v20  }
0x163: {  	v47 =	vperm.xlane v36, v0;
	v48 =	vld [tilespmem:$0x3580];
	(v2sf) =	vpush v35, $0x7;
	s14 =	sand.u32 $0xFFFFF800, s14;
	s13 =	sand.u32 $0x380, s13  }
0x164: {  	v18 =	vperm.xlane v39, v7;
	v49 =	vmul.f32 v44, v17;
	s13 =	sor.u32 s13, s14;
	v20 =	vadd.f32 v21, v20  }
0x165: {  	v22 =	vadd.f32 v36, v47;
	v50 =	vld [tilespmem:s13+$0x2400];
	s16 =	spop (v2sf)  }
0x166: {  	v19 =	vperm.xlane v37, v8;
	v24 =	vmul.f32 v46, v18;
	s15 =	sshll.u32 s16, $0x8;
	s14 =	sshll.u32 s16, $0x7;
	v21 =	vadd.f32 v49, v20  }
0x167: {  	v51 =	vperm.xlane v22, v2;
	v52 =	vld [tilespmem:$0x3600];
	s15 =	sand.u32 $0xFFFFF800, s15;
	s14 =	sand.u32 $0x380, s14  }
0x168: {  	v25 =	vmul.f32 v48, v19;
	v20 =	vperm.xlane v39, v8;
	s14 =	sor.u32 s14, s15;
	v24 =	vadd.f32 v24, v21  }
0x169: {  	v26 =	vadd.f32 v22, v51;
	s17 =	spop (v2sf);
	v53 =	vld [tilespmem:s14+$0x2400]  }
0x16a: {  	s16 =	sshll.u32 s17, $0x8;
	s15 =	sshll.u32 s17, $0x7;
	v21 =	vperm.xlane v37, v9;
	v23 =	vmul.f32 v50, v20;
	v24 =	vadd.f32 v25, v24  }
0x16b: {  	v54 =	vperm.xlane v26, v3;
	v55 =	vld [tilespmem:$0x3680];
	s16 =	sand.u32 $0xFFFFF800, s16;
	s15 =	sand.u32 $0x380, s15  }
0x16c: {  	v22 =	vperm.xlane v39, v9;
	s15 =	sor.u32 s15, s16;
	v29 =	vmul.f32 v52, v21;
	v24 =	vadd.f32 v23, v24  }
0x16d: {  	s18 =	spop (v2sf);
	v25 =	vadd.f32 v26, v54;
	v56 =	vld [tilespmem:s15+$0x2400]  }
0x16e: {  	s17 =	sshll.u32 s18, $0x8;
	s16 =	sshll.u32 s18, $0x7;
	v23 =	vperm.xlane v37, v10;
	v30 =	vmul.f32 v53, v22;
	v29 =	vadd.f32 v29, v24  }
0x16f: {  	v58 =	vld [tilespmem:$0x3700];
	s17 =	sand.u32 $0xFFFFF800, s17;
	s16 =	sand.u32 $0x380, s16;
	v57 =	vperm.xlane v25, v4  }
0x170: {  	s16 =	sor.u32 s16, s17;
	v24 =	vperm.xlane v39, v10;
	v59 =	vmul.f32 v55, v23;
	v29 =	vadd.f32 v30, v29  }
0x171: {  	v61 =	vld [tilespmem:s16+$0x2400];
	v60 =	vadd.f32 v25, v57  }
0x172: {  	s17 =	spop (v2sf);
	v25 =	vperm.xlane v37, v11;
	v62 =	vmul.f32 v56, v24;
	v29 =	vadd.f32 v59, v29  }
0x173: {  	v63 =	vld [tilespmem:$0x3780];
	s18 =	sshll.u32 s17, $0x8;
	s17 =	sshll.u32 s17, $0x7  }
0x174: {  	v26 =	vperm.xlane v39, v11;
	s18 =	sand.u32 $0xFFFFF800, s18;
	s17 =	sand.u32 $0x380, s17;
	v33 =	vmul.f32 v58, v25;
	v29 =	vadd.f32 v62, v29  }
0x175: {  	s17 =	sor.u32 s17, s18;
	(erf) = vrcp.f32 v60  }
0x176: {  	v27 =	vperm.xlane v37, v12;
	v35 =	vld [tilespmem:s17+$0x2400];
	v36 =	vmul.f32 v61, v26;
	v29 =	vadd.f32 v33, v29;
	_ =	sdelay $0x1  }
0x177: {  	v37 =	vmul.f32 v63, v27;
	v29 =	vadd.f32 v36, v29  }
0x178: {  	v28 =	vperm.xlane v39, v12  }
0x179: {  	v29 =	vadd.f32 v37, v29  }
0x17a: {  	v38 =	vmul.f32 v35, v28;
	_ =	sdelay $0x1  }
0x17b: {  	v30 =	vadd.f32 v38, v29  }
0x17c: {  	v29 =	vpop (erf)  }
0x17d: {  	v30 =	vmul.f32 v30, v29  }
0x17e: {  	v39 =	vld [tilespmem:$0x3410]  }
0x17f: {  	[tilespmem:$0x3C00] =	vst v30  }
0x180: {  	v30 =	vld [tilespmem:s0+$0x2410];
	_ =	sdelay $0x1  }
0x181: {  	v40 =	vld [tilespmem:$0x3490]  }
0x182: {  	v31 =	vmul.f32 v39, v13  }
0x183: {  	v41 =	vld [tilespmem:s8+$0x2410]  }
0x184: {  	v31 =	vadd.f32 $0.0e+00, v31;
	v30 =	vmul.f32 v30, v15  }
0x185: {  	v42 =	vld [tilespmem:$0x3510]  }
0x186: {  	v43 =	vmul.f32 v40, v14;
	v30 =	vadd.f32 v30, v31  }
0x187: {  	v44 =	vld [tilespmem:s12+$0x2410]  }
0x188: {  	v45 =	vmul.f32 v41, v16;
	v30 =	vadd.f32 v43, v30  }
0x189: {  	v46 =	vld [tilespmem:$0x3590]  }
0x18a: {  	v47 =	vmul.f32 v42, v17;
	v30 =	vadd.f32 v45, v30  }
0x18b: {  	v48 =	vld [tilespmem:s13+$0x2410]  }
0x18c: {  	v49 =	vmul.f32 v44, v18;
	v30 =	vadd.f32 v47, v30  }
0x18d: {  	v50 =	vld [tilespmem:$0x3610]  }
0x18e: {  	v51 =	vmul.f32 v46, v19;
	v30 =	vadd.f32 v49, v30  }
0x18f: {  	v52 =	vld [tilespmem:s14+$0x2410]  }
0x190: {  	v53 =	vmul.f32 v48, v20;
	v30 =	vadd.f32 v51, v30  }
0x191: {  	v54 =	vld [tilespmem:$0x3690]  }
0x192: {  	v55 =	vmul.f32 v50, v21;
	v30 =	vadd.f32 v53, v30  }
0x193: {  	v56 =	vld [tilespmem:s15+$0x2410]  }
0x194: {  	v57 =	vmul.f32 v52, v22;
	v30 =	vadd.f32 v55, v30  }
0x195: {  	v58 =	vld [tilespmem:$0x3710]  }
0x196: {  	v59 =	vmul.f32 v54, v23;
	v30 =	vadd.f32 v57, v30  }
0x197: {  	v60 =	vld [tilespmem:s16+$0x2410]  }
0x198: {  	v61 =	vmul.f32 v56, v24;
	v30 =	vadd.f32 v59, v30  }
0x199: {  	v62 =	vld [tilespmem:$0x3790]  }
0x19a: {  	v63 =	vmul.f32 v58, v25;
	v30 =	vadd.f32 v61, v30  }
0x19b: {  	v36 =	vld [tilespmem:s17+$0x2410]  }
0x19c: {  	v37 =	vmul.f32 v60, v26;
	v30 =	vadd.f32 v63, v30;
	_ =	sdelay $0x1  }
0x19d: {  	v38 =	vmul.f32 v62, v27;
	v30 =	vadd.f32 v37, v30;
	_ =	sdelay $0x1  }
0x19e: {  	v39 =	vmul.f32 v36, v28;
	v30 =	vadd.f32 v38, v30;
	_ =	sdelay $0x1  }
0x19f: {  	v30 =	vadd.f32 v39, v30;
	_ =	sdelay $0x1  }
0x1a0: {  	v30 =	vmul.f32 v30, v29  }
0x1a1: {  	v40 =	vld [tilespmem:$0x3420]  }
0x1a2: {  	[tilespmem:$0x3C10] =	vst v30  }
0x1a3: {  	v30 =	vld [tilespmem:s0+$0x2420];
	_ =	sdelay $0x1  }
0x1a4: {  	v41 =	vld [tilespmem:$0x34A0]  }
0x1a5: {  	v31 =	vmul.f32 v40, v13  }
0x1a6: {  	v42 =	vld [tilespmem:s8+$0x2420]  }
0x1a7: {  	v31 =	vadd.f32 $0.0e+00, v31;
	v30 =	vmul.f32 v30, v15  }
0x1a8: {  	v43 =	vld [tilespmem:$0x3520]  }
0x1a9: {  	v44 =	vmul.f32 v41, v14;
	v30 =	vadd.f32 v30, v31  }
0x1aa: {  	v45 =	vld [tilespmem:s12+$0x2420]  }
0x1ab: {  	v46 =	vmul.f32 v42, v16;
	v30 =	vadd.f32 v44, v30  }
0x1ac: {  	v47 =	vld [tilespmem:$0x35A0]  }
0x1ad: {  	v48 =	vmul.f32 v43, v17;
	v30 =	vadd.f32 v46, v30  }
0x1ae: {  	v49 =	vld [tilespmem:s13+$0x2420]  }
0x1af: {  	v50 =	vmul.f32 v45, v18;
	v30 =	vadd.f32 v48, v30  }
0x1b0: {  	v51 =	vld [tilespmem:$0x3620]  }
0x1b1: {  	v52 =	vmul.f32 v47, v19;
	v30 =	vadd.f32 v50, v30  }
0x1b2: {  	v53 =	vld [tilespmem:s14+$0x2420]  }
0x1b3: {  	v54 =	vmul.f32 v49, v20;
	v30 =	vadd.f32 v52, v30  }
0x1b4: {  	v55 =	vld [tilespmem:$0x36A0]  }
0x1b5: {  	v56 =	vmul.f32 v51, v21;
	v30 =	vadd.f32 v54, v30  }
0x1b6: {  	v57 =	vld [tilespmem:s15+$0x2420]  }
0x1b7: {  	v58 =	vmul.f32 v53, v22;
	v30 =	vadd.f32 v56, v30  }
0x1b8: {  	v59 =	vld [tilespmem:$0x3720]  }
0x1b9: {  	v60 =	vmul.f32 v55, v23;
	v30 =	vadd.f32 v58, v30  }
0x1ba: {  	v61 =	vld [tilespmem:s16+$0x2420]  }
0x1bb: {  	v62 =	vmul.f32 v57, v24;
	v30 =	vadd.f32 v60, v30  }
0x1bc: {  	v63 =	vld [tilespmem:$0x37A0]  }
0x1bd: {  	v36 =	vmul.f32 v59, v25;
	v30 =	vadd.f32 v62, v30  }
0x1be: {  	v37 =	vld [tilespmem:s17+$0x2420]  }
0x1bf: {  	v38 =	vmul.f32 v61, v26;
	v30 =	vadd.f32 v36, v30;
	_ =	sdelay $0x1  }
0x1c0: {  	v39 =	vmul.f32 v63, v27;
	v30 =	vadd.f32 v38, v30;
	_ =	sdelay $0x1  }
0x1c1: {  	v40 =	vmul.f32 v37, v28;
	v30 =	vadd.f32 v39, v30;
	_ =	sdelay $0x1  }
0x1c2: {  	v30 =	vadd.f32 v40, v30;
	_ =	sdelay $0x1  }
0x1c3: {  	v30 =	vmul.f32 v30, v29  }
0x1c4: {  	v41 =	vld [tilespmem:$0x3430]  }
0x1c5: {  	[tilespmem:$0x3C20] =	vst v30  }
0x1c6: {  	v30 =	vld [tilespmem:s0+$0x2430];
	_ =	sdelay $0x1  }
0x1c7: {  	v42 =	vld [tilespmem:$0x34B0]  }
0x1c8: {  	v31 =	vmul.f32 v41, v13  }
0x1c9: {  	v43 =	vld [tilespmem:s8+$0x2430]  }
0x1ca: {  	v31 =	vadd.f32 $0.0e+00, v31;
	v30 =	vmul.f32 v30, v15  }
0x1cb: {  	v44 =	vld [tilespmem:$0x3530]  }
0x1cc: {  	v45 =	vmul.f32 v42, v14;
	v30 =	vadd.f32 v30, v31  }
0x1cd: {  	v46 =	vld [tilespmem:s12+$0x2430]  }
0x1ce: {  	v47 =	vmul.f32 v43, v16;
	v30 =	vadd.f32 v45, v30  }
0x1cf: {  	v48 =	vld [tilespmem:$0x35B0]  }
0x1d0: {  	v49 =	vmul.f32 v44, v17;
	v30 =	vadd.f32 v47, v30  }
0x1d1: {  	v50 =	vld [tilespmem:s13+$0x2430]  }
0x1d2: {  	v51 =	vmul.f32 v46, v18;
	v30 =	vadd.f32 v49, v30  }
0x1d3: {  	v52 =	vld [tilespmem:$0x3630]  }
0x1d4: {  	v53 =	vmul.f32 v48, v19;
	v30 =	vadd.f32 v51, v30  }
0x1d5: {  	v54 =	vld [tilespmem:s14+$0x2430]  }
0x1d6: {  	v55 =	vmul.f32 v50, v20;
	v30 =	vadd.f32 v53, v30  }
0x1d7: {  	v56 =	vld [tilespmem:$0x36B0]  }
0x1d8: {  	v57 =	vmul.f32 v52, v21;
	v30 =	vadd.f32 v55, v30  }
0x1d9: {  	v58 =	vld [tilespmem:s15+$0x2430]  }
0x1da: {  	v59 =	vmul.f32 v54, v22;
	v30 =	vadd.f32 v57, v30  }
0x1db: {  	v60 =	vld [tilespmem:$0x3730]  }
0x1dc: {  	v61 =	vmul.f32 v56, v23;
	v30 =	vadd.f32 v59, v30  }
0x1dd: {  	v62 =	vld [tilespmem:s16+$0x2430]  }
0x1de: {  	v63 =	vmul.f32 v58, v24;
	v30 =	vadd.f32 v61, v30  }
0x1df: {  	v36 =	vld [tilespmem:$0x37B0]  }
0x1e0: {  	v37 =	vmul.f32 v60, v25;
	v30 =	vadd.f32 v63, v30  }
0x1e1: {  	v38 =	vld [tilespmem:s17+$0x2430]  }
0x1e2: {  	v39 =	vmul.f32 v62, v26;
	v30 =	vadd.f32 v37, v30;
	_ =	sdelay $0x1  }
0x1e3: {  	v40 =	vmul.f32 v36, v27;
	v30 =	vadd.f32 v39, v30;
	_ =	sdelay $0x1  }
0x1e4: {  	v41 =	vmul.f32 v38, v28;
	v30 =	vadd.f32 v40, v30;
	_ =	sdelay $0x1  }
0x1e5: {  	v30 =	vadd.f32 v41, v30;
	_ =	sdelay $0x1  }
0x1e6: {  	v30 =	vmul.f32 v30, v29  }
0x1e7: {  	v42 =	vld [tilespmem:$0x3440]  }
0x1e8: {  	[tilespmem:$0x3C30] =	vst v30  }
0x1e9: {  	v30 =	vld [tilespmem:s0+$0x2440];
	_ =	sdelay $0x1  }
0x1ea: {  	v43 =	vld [tilespmem:$0x34C0]  }
0x1eb: {  	v31 =	vmul.f32 v42, v13  }
0x1ec: {  	v44 =	vld [tilespmem:s8+$0x2440]  }
0x1ed: {  	v31 =	vadd.f32 $0.0e+00, v31;
	v30 =	vmul.f32 v30, v15  }
0x1ee: {  	v45 =	vld [tilespmem:$0x3540]  }
0x1ef: {  	v46 =	vmul.f32 v43, v14;
	v30 =	vadd.f32 v30, v31  }
0x1f0: {  	v47 =	vld [tilespmem:s12+$0x2440]  }
0x1f1: {  	v48 =	vmul.f32 v44, v16;
	v30 =	vadd.f32 v46, v30  }
0x1f2: {  	v49 =	vld [tilespmem:$0x35C0]  }
0x1f3: {  	v50 =	vmul.f32 v45, v17;
	v30 =	vadd.f32 v48, v30  }
0x1f4: {  	v51 =	vld [tilespmem:s13+$0x2440]  }
0x1f5: {  	v52 =	vmul.f32 v47, v18;
	v30 =	vadd.f32 v50, v30  }
0x1f6: {  	v53 =	vld [tilespmem:$0x3640]  }
0x1f7: {  	v54 =	vmul.f32 v49, v19;
	v30 =	vadd.f32 v52, v30  }
0x1f8: {  	v55 =	vld [tilespmem:s14+$0x2440]  }
0x1f9: {  	v56 =	vmul.f32 v51, v20;
	v30 =	vadd.f32 v54, v30  }
0x1fa: {  	v57 =	vld [tilespmem:$0x36C0]  }
0x1fb: {  	v58 =	vmul.f32 v53, v21;
	v30 =	vadd.f32 v56, v30  }
0x1fc: {  	v59 =	vld [tilespmem:s15+$0x2440]  }
0x1fd: {  	v60 =	vmul.f32 v55, v22;
	v30 =	vadd.f32 v58, v30  }
0x1fe: {  	v61 =	vld [tilespmem:$0x3740]  }
0x1ff: {  	v62 =	vmul.f32 v57, v23;
	v30 =	vadd.f32 v60, v30  }
0x200: {  	v63 =	vld [tilespmem:s16+$0x2440]  }
0x201: {  	v36 =	vmul.f32 v59, v24;
	v30 =	vadd.f32 v62, v30  }
0x202: {  	v37 =	vld [tilespmem:$0x37C0]  }
0x203: {  	v38 =	vmul.f32 v61, v25;
	v30 =	vadd.f32 v36, v30  }
0x204: {  	v39 =	vld [tilespmem:s17+$0x2440]  }
0x205: {  	v40 =	vmul.f32 v63, v26;
	v30 =	vadd.f32 v38, v30;
	_ =	sdelay $0x1  }
0x206: {  	v41 =	vmul.f32 v37, v27;
	v30 =	vadd.f32 v40, v30;
	_ =	sdelay $0x1  }
0x207: {  	v42 =	vmul.f32 v39, v28;
	v30 =	vadd.f32 v41, v30;
	_ =	sdelay $0x1  }
0x208: {  	v30 =	vadd.f32 v42, v30;
	_ =	sdelay $0x1  }
0x209: {  	v30 =	vmul.f32 v30, v29  }
0x20a: {  	v43 =	vld [tilespmem:$0x3450]  }
0x20b: {  	[tilespmem:$0x3C40] =	vst v30  }
0x20c: {  	v30 =	vld [tilespmem:s0+$0x2450];
	_ =	sdelay $0x1  }
0x20d: {  	v44 =	vld [tilespmem:$0x34D0]  }
0x20e: {  	v31 =	vmul.f32 v43, v13  }
0x20f: {  	v45 =	vld [tilespmem:s8+$0x2450]  }
0x210: {  	v31 =	vadd.f32 $0.0e+00, v31;
	v30 =	vmul.f32 v30, v15  }
0x211: {  	v46 =	vld [tilespmem:$0x3550]  }
0x212: {  	v47 =	vmul.f32 v44, v14;
	v30 =	vadd.f32 v30, v31  }
0x213: {  	v48 =	vld [tilespmem:s12+$0x2450]  }
0x214: {  	v49 =	vmul.f32 v45, v16;
	v30 =	vadd.f32 v47, v30  }
0x215: {  	v50 =	vld [tilespmem:$0x35D0]  }
0x216: {  	v51 =	vmul.f32 v46, v17;
	v30 =	vadd.f32 v49, v30  }
0x217: {  	v52 =	vld [tilespmem:s13+$0x2450]  }
0x218: {  	v53 =	vmul.f32 v48, v18;
	v30 =	vadd.f32 v51, v30  }
0x219: {  	v54 =	vld [tilespmem:$0x3650]  }
0x21a: {  	v55 =	vmul.f32 v50, v19;
	v30 =	vadd.f32 v53, v30  }
0x21b: {  	v56 =	vld [tilespmem:s14+$0x2450]  }
0x21c: {  	v57 =	vmul.f32 v52, v20;
	v30 =	vadd.f32 v55, v30  }
0x21d: {  	v58 =	vld [tilespmem:$0x36D0]  }
0x21e: {  	v59 =	vmul.f32 v54, v21;
	v30 =	vadd.f32 v57, v30  }
0x21f: {  	v60 =	vld [tilespmem:s15+$0x2450]  }
0x220: {  	v61 =	vmul.f32 v56, v22;
	v30 =	vadd.f32 v59, v30  }
0x221: {  	v62 =	vld [tilespmem:$0x3750]  }
0x222: {  	v63 =	vmul.f32 v58, v23;
	v30 =	vadd.f32 v61, v30  }
0x223: {  	v36 =	vld [tilespmem:s16+$0x2450]  }
0x224: {  	v37 =	vmul.f32 v60, v24;
	v30 =	vadd.f32 v63, v30  }
0x225: {  	v38 =	vld [tilespmem:$0x37D0]  }
0x226: {  	v39 =	vmul.f32 v62, v25;
	v30 =	vadd.f32 v37, v30  }
0x227: {  	v40 =	vld [tilespmem:s17+$0x2450]  }
0x228: {  	v41 =	vmul.f32 v36, v26;
	v30 =	vadd.f32 v39, v30;
	_ =	sdelay $0x1  }
0x229: {  	v42 =	vmul.f32 v38, v27;
	v30 =	vadd.f32 v41, v30;
	_ =	sdelay $0x1  }
0x22a: {  	v43 =	vmul.f32 v40, v28;
	v30 =	vadd.f32 v42, v30;
	_ =	sdelay $0x1  }
0x22b: {  	v30 =	vadd.f32 v43, v30;
	_ =	sdelay $0x1  }
0x22c: {  	v30 =	vmul.f32 v30, v29  }
0x22d: {  	v44 =	vld [tilespmem:$0x3460]  }
0x22e: {  	[tilespmem:$0x3C50] =	vst v30  }
0x22f: {  	v30 =	vld [tilespmem:s0+$0x2460];
	_ =	sdelay $0x1  }
0x230: {  	v45 =	vld [tilespmem:$0x34E0]  }
0x231: {  	v31 =	vmul.f32 v44, v13  }
0x232: {  	v46 =	vld [tilespmem:s8+$0x2460]  }
0x233: {  	v31 =	vadd.f32 $0.0e+00, v31;
	v30 =	vmul.f32 v30, v15  }
0x234: {  	v47 =	vld [tilespmem:$0x3560]  }
0x235: {  	v48 =	vmul.f32 v45, v14;
	v30 =	vadd.f32 v30, v31  }
0x236: {  	v49 =	vld [tilespmem:s12+$0x2460]  }
0x237: {  	v50 =	vmul.f32 v46, v16;
	v30 =	vadd.f32 v48, v30  }
0x238: {  	v51 =	vld [tilespmem:$0x35E0]  }
0x239: {  	v52 =	vmul.f32 v47, v17;
	v30 =	vadd.f32 v50, v30  }
0x23a: {  	v53 =	vld [tilespmem:s13+$0x2460]  }
0x23b: {  	v54 =	vmul.f32 v49, v18;
	v30 =	vadd.f32 v52, v30  }
0x23c: {  	v55 =	vld [tilespmem:$0x3660]  }
0x23d: {  	v56 =	vmul.f32 v51, v19;
	v30 =	vadd.f32 v54, v30  }
0x23e: {  	v57 =	vld [tilespmem:s14+$0x2460]  }
0x23f: {  	v58 =	vmul.f32 v53, v20;
	v30 =	vadd.f32 v56, v30  }
0x240: {  	v59 =	vld [tilespmem:$0x36E0]  }
0x241: {  	v60 =	vmul.f32 v55, v21;
	v30 =	vadd.f32 v58, v30  }
0x242: {  	v61 =	vld [tilespmem:s15+$0x2460]  }
0x243: {  	v62 =	vmul.f32 v57, v22;
	v30 =	vadd.f32 v60, v30  }
0x244: {  	v63 =	vld [tilespmem:$0x3760]  }
0x245: {  	v36 =	vmul.f32 v59, v23;
	v30 =	vadd.f32 v62, v30  }
0x246: {  	v37 =	vld [tilespmem:s16+$0x2460]  }
0x247: {  	v38 =	vmul.f32 v61, v24;
	v30 =	vadd.f32 v36, v30  }
0x248: {  	v39 =	vld [tilespmem:$0x37E0]  }
0x249: {  	v40 =	vmul.f32 v63, v25;
	v30 =	vadd.f32 v38, v30  }
0x24a: {  	v41 =	vld [tilespmem:s17+$0x2460]  }
0x24b: {  	v42 =	vmul.f32 v37, v26;
	v30 =	vadd.f32 v40, v30;
	_ =	sdelay $0x1  }
0x24c: {  	v43 =	vmul.f32 v39, v27;
	v30 =	vadd.f32 v42, v30;
	_ =	sdelay $0x1  }
0x24d: {  	v44 =	vmul.f32 v41, v28;
	v30 =	vadd.f32 v43, v30;
	_ =	sdelay $0x1  }
0x24e: {  	v30 =	vadd.f32 v44, v30;
	_ =	sdelay $0x1  }
0x24f: {  	v30 =	vmul.f32 v30, v29  }
0x250: {  	v45 =	vld [tilespmem:$0x3470]  }
0x251: {  	[tilespmem:$0x3C60] =	vst v30  }
0x252: {  	v30 =	vld [tilespmem:s0+$0x2470];
	_ =	sdelay $0x1  }
0x253: {  	v46 =	vld [tilespmem:$0x34F0]  }
0x254: {  	v31 =	vmul.f32 v45, v13  }
0x255: {  	v47 =	vld [tilespmem:s8+$0x2470]  }
0x256: {  	v31 =	vadd.f32 $0.0e+00, v31;
	v30 =	vmul.f32 v30, v15  }
0x257: {  	v48 =	vld [tilespmem:$0x3570]  }
0x258: {  	v49 =	vmul.f32 v46, v14;
	v30 =	vadd.f32 v30, v31  }
0x259: {  	v50 =	vld [tilespmem:s12+$0x2470]  }
0x25a: {  	v51 =	vmul.f32 v47, v16;
	v30 =	vadd.f32 v49, v30  }
0x25b: {  	v52 =	vld [tilespmem:$0x35F0]  }
0x25c: {  	v53 =	vmul.f32 v48, v17;
	v30 =	vadd.f32 v51, v30  }
0x25d: {  	v54 =	vld [tilespmem:s13+$0x2470]  }
0x25e: {  	v55 =	vmul.f32 v50, v18;
	v30 =	vadd.f32 v53, v30  }
0x25f: {  	v56 =	vld [tilespmem:$0x3670]  }
0x260: {  	v57 =	vmul.f32 v52, v19;
	v30 =	vadd.f32 v55, v30  }
0x261: {  	v58 =	vld [tilespmem:s14+$0x2470]  }
0x262: {  	v59 =	vmul.f32 v54, v20;
	v30 =	vadd.f32 v57, v30  }
0x263: {  	v60 =	vld [tilespmem:$0x36F0]  }
0x264: {  	v61 =	vmul.f32 v56, v21;
	v30 =	vadd.f32 v59, v30  }
0x265: {  	v62 =	vld [tilespmem:s15+$0x2470]  }
0x266: {  	v63 =	vmul.f32 v58, v22;
	v30 =	vadd.f32 v61, v30  }
0x267: {  	v36 =	vld [tilespmem:$0x3770]  }
0x268: {  	v37 =	vmul.f32 v60, v23;
	v30 =	vadd.f32 v63, v30  }
0x269: {  	v38 =	vld [tilespmem:s16+$0x2470]  }
0x26a: {  	v39 =	vmul.f32 v62, v24;
	v30 =	vadd.f32 v37, v30  }
0x26b: {  	v40 =	vld [tilespmem:$0x37F0]  }
0x26c: {  	v41 =	vmul.f32 v36, v25;
	v30 =	vadd.f32 v39, v30  }
0x26d: {  	v42 =	vld [tilespmem:s17+$0x2470]  }
0x26e: {  	v43 =	vmul.f32 v38, v26;
	v30 =	vadd.f32 v41, v30;
	_ =	sdelay $0x1  }
0x26f: {  	v44 =	vmul.f32 v40, v27;
	v30 =	vadd.f32 v43, v30;
	_ =	sdelay $0x1  }
0x270: {  	v45 =	vmul.f32 v42, v28;
	v30 =	vadd.f32 v44, v30;
	_ =	sdelay $0x1  }
0x271: {  	v30 =	vadd.f32 v45, v30;
	_ =	sdelay $0x1  }
0x272: {  	v30 =	vmul.f32 v30, v29  }
0x273: {  	v46 =	vld [tilespmem:$0x3800]  }
0x274: {  	[tilespmem:$0x3C70] =	vst v30  }
0x275: {  	v30 =	vld [tilespmem:s0+$0x2800];
	_ =	sdelay $0x1  }
0x276: {  	v47 =	vld [tilespmem:$0x3880]  }
0x277: {  	v31 =	vmul.f32 v46, v13  }
0x278: {  	v48 =	vld [tilespmem:s8+$0x2800]  }
0x279: {  	v31 =	vadd.f32 $0.0e+00, v31;
	v30 =	vmul.f32 v30, v15  }
0x27a: {  	v49 =	vld [tilespmem:$0x3900]  }
0x27b: {  	v50 =	vmul.f32 v47, v14;
	v30 =	vadd.f32 v30, v31  }
0x27c: {  	v51 =	vld [tilespmem:s12+$0x2800]  }
0x27d: {  	v52 =	vmul.f32 v48, v16;
	v30 =	vadd.f32 v50, v30  }
0x27e: {  	v53 =	vld [tilespmem:$0x3980]  }
0x27f: {  	v54 =	vmul.f32 v49, v17;
	v30 =	vadd.f32 v52, v30  }
0x280: {  	v55 =	vld [tilespmem:s13+$0x2800]  }
0x281: {  	v56 =	vmul.f32 v51, v18;
	v30 =	vadd.f32 v54, v30  }
0x282: {  	v57 =	vld [tilespmem:$0x3A00]  }
0x283: {  	v58 =	vmul.f32 v53, v19;
	v30 =	vadd.f32 v56, v30  }
0x284: {  	v59 =	vld [tilespmem:s14+$0x2800]  }
0x285: {  	v60 =	vmul.f32 v55, v20;
	v30 =	vadd.f32 v58, v30  }
0x286: {  	v61 =	vld [tilespmem:$0x3A80]  }
0x287: {  	v62 =	vmul.f32 v57, v21;
	v30 =	vadd.f32 v60, v30  }
0x288: {  	v63 =	vld [tilespmem:s15+$0x2800]  }
0x289: {  	v36 =	vmul.f32 v59, v22;
	v30 =	vadd.f32 v62, v30  }
0x28a: {  	v37 =	vld [tilespmem:$0x3B00]  }
0x28b: {  	v38 =	vmul.f32 v61, v23;
	v30 =	vadd.f32 v36, v30  }
0x28c: {  	v39 =	vld [tilespmem:s16+$0x2800]  }
0x28d: {  	v40 =	vmul.f32 v63, v24;
	v30 =	vadd.f32 v38, v30  }
0x28e: {  	v41 =	vld [tilespmem:$0x3B80]  }
0x28f: {  	v42 =	vmul.f32 v37, v25;
	v30 =	vadd.f32 v40, v30  }
0x290: {  	v43 =	vld [tilespmem:s17+$0x2800]  }
0x291: {  	v44 =	vmul.f32 v39, v26;
	v30 =	vadd.f32 v42, v30;
	_ =	sdelay $0x1  }
0x292: {  	v45 =	vmul.f32 v41, v27;
	v30 =	vadd.f32 v44, v30;
	_ =	sdelay $0x1  }
0x293: {  	v46 =	vmul.f32 v43, v28;
	v30 =	vadd.f32 v45, v30;
	_ =	sdelay $0x1  }
0x294: {  	v30 =	vadd.f32 v46, v30;
	_ =	sdelay $0x1  }
0x295: {  	v30 =	vmul.f32 v30, v29  }
0x296: {  	v47 =	vld [tilespmem:$0x3810]  }
0x297: {  	[tilespmem:$0x3C80] =	vst v30  }
0x298: {  	v30 =	vld [tilespmem:s0+$0x2810];
	_ =	sdelay $0x1  }
0x299: {  	v48 =	vld [tilespmem:$0x3890]  }
0x29a: {  	v31 =	vmul.f32 v47, v13  }
0x29b: {  	v49 =	vld [tilespmem:s8+$0x2810]  }
0x29c: {  	v31 =	vadd.f32 $0.0e+00, v31;
	v30 =	vmul.f32 v30, v15  }
0x29d: {  	v50 =	vld [tilespmem:$0x3910]  }
0x29e: {  	v51 =	vmul.f32 v48, v14;
	v30 =	vadd.f32 v30, v31  }
0x29f: {  	v52 =	vld [tilespmem:s12+$0x2810]  }
0x2a0: {  	v53 =	vmul.f32 v49, v16;
	v30 =	vadd.f32 v51, v30  }
0x2a1: {  	v54 =	vld [tilespmem:$0x3990]  }
0x2a2: {  	v55 =	vmul.f32 v50, v17;
	v30 =	vadd.f32 v53, v30  }
0x2a3: {  	v56 =	vld [tilespmem:s13+$0x2810]  }
0x2a4: {  	v57 =	vmul.f32 v52, v18;
	v30 =	vadd.f32 v55, v30  }
0x2a5: {  	v58 =	vld [tilespmem:$0x3A10]  }
0x2a6: {  	v59 =	vmul.f32 v54, v19;
	v30 =	vadd.f32 v57, v30  }
0x2a7: {  	v60 =	vld [tilespmem:s14+$0x2810]  }
0x2a8: {  	v61 =	vmul.f32 v56, v20;
	v30 =	vadd.f32 v59, v30  }
0x2a9: {  	v62 =	vld [tilespmem:$0x3A90]  }
0x2aa: {  	v63 =	vmul.f32 v58, v21;
	v30 =	vadd.f32 v61, v30  }
0x2ab: {  	v36 =	vld [tilespmem:s15+$0x2810]  }
0x2ac: {  	v37 =	vmul.f32 v60, v22;
	v30 =	vadd.f32 v63, v30  }
0x2ad: {  	v38 =	vld [tilespmem:$0x3B10]  }
0x2ae: {  	v39 =	vmul.f32 v62, v23;
	v30 =	vadd.f32 v37, v30  }
0x2af: {  	v40 =	vld [tilespmem:s16+$0x2810]  }
0x2b0: {  	v41 =	vmul.f32 v36, v24;
	v30 =	vadd.f32 v39, v30  }
0x2b1: {  	v42 =	vld [tilespmem:$0x3B90]  }
0x2b2: {  	v43 =	vmul.f32 v38, v25;
	v30 =	vadd.f32 v41, v30  }
0x2b3: {  	v44 =	vld [tilespmem:s17+$0x2810]  }
0x2b4: {  	v45 =	vmul.f32 v40, v26;
	v30 =	vadd.f32 v43, v30;
	_ =	sdelay $0x1  }
0x2b5: {  	v46 =	vmul.f32 v42, v27;
	v30 =	vadd.f32 v45, v30;
	_ =	sdelay $0x1  }
0x2b6: {  	v47 =	vmul.f32 v44, v28;
	v30 =	vadd.f32 v46, v30;
	_ =	sdelay $0x1  }
0x2b7: {  	v30 =	vadd.f32 v47, v30;
	_ =	sdelay $0x1  }
0x2b8: {  	v30 =	vmul.f32 v30, v29  }
0x2b9: {  	v48 =	vld [tilespmem:$0x3820]  }
0x2ba: {  	[tilespmem:$0x3C90] =	vst v30  }
0x2bb: {  	v30 =	vld [tilespmem:s0+$0x2820];
	_ =	sdelay $0x1  }
0x2bc: {  	v49 =	vld [tilespmem:$0x38A0]  }
0x2bd: {  	v31 =	vmul.f32 v48, v13  }
0x2be: {  	v50 =	vld [tilespmem:s8+$0x2820]  }
0x2bf: {  	v31 =	vadd.f32 $0.0e+00, v31;
	v30 =	vmul.f32 v30, v15  }
0x2c0: {  	v51 =	vld [tilespmem:$0x3920]  }
0x2c1: {  	v52 =	vmul.f32 v49, v14;
	v30 =	vadd.f32 v30, v31  }
0x2c2: {  	v53 =	vld [tilespmem:s12+$0x2820]  }
0x2c3: {  	v54 =	vmul.f32 v50, v16;
	v30 =	vadd.f32 v52, v30  }
0x2c4: {  	v55 =	vld [tilespmem:$0x39A0]  }
0x2c5: {  	v56 =	vmul.f32 v51, v17;
	v30 =	vadd.f32 v54, v30  }
0x2c6: {  	v57 =	vld [tilespmem:s13+$0x2820]  }
0x2c7: {  	v58 =	vmul.f32 v53, v18;
	v30 =	vadd.f32 v56, v30  }
0x2c8: {  	v59 =	vld [tilespmem:$0x3A20]  }
0x2c9: {  	v60 =	vmul.f32 v55, v19;
	v30 =	vadd.f32 v58, v30  }
0x2ca: {  	v61 =	vld [tilespmem:s14+$0x2820]  }
0x2cb: {  	v62 =	vmul.f32 v57, v20;
	v30 =	vadd.f32 v60, v30  }
0x2cc: {  	v63 =	vld [tilespmem:$0x3AA0]  }
0x2cd: {  	v36 =	vmul.f32 v59, v21;
	v30 =	vadd.f32 v62, v30  }
0x2ce: {  	v37 =	vld [tilespmem:s15+$0x2820]  }
0x2cf: {  	v38 =	vmul.f32 v61, v22;
	v30 =	vadd.f32 v36, v30  }
0x2d0: {  	v39 =	vld [tilespmem:$0x3B20]  }
0x2d1: {  	v40 =	vmul.f32 v63, v23;
	v30 =	vadd.f32 v38, v30  }
0x2d2: {  	v41 =	vld [tilespmem:s16+$0x2820]  }
0x2d3: {  	v42 =	vmul.f32 v37, v24;
	v30 =	vadd.f32 v40, v30  }
0x2d4: {  	v43 =	vld [tilespmem:$0x3BA0]  }
0x2d5: {  	v44 =	vmul.f32 v39, v25;
	v30 =	vadd.f32 v42, v30  }
0x2d6: {  	v45 =	vld [tilespmem:s17+$0x2820]  }
0x2d7: {  	v46 =	vmul.f32 v41, v26;
	v30 =	vadd.f32 v44, v30;
	_ =	sdelay $0x1  }
0x2d8: {  	v47 =	vmul.f32 v43, v27;
	v30 =	vadd.f32 v46, v30;
	_ =	sdelay $0x1  }
0x2d9: {  	v48 =	vmul.f32 v45, v28;
	v30 =	vadd.f32 v47, v30;
	_ =	sdelay $0x1  }
0x2da: {  	v30 =	vadd.f32 v48, v30;
	_ =	sdelay $0x1  }
0x2db: {  	v30 =	vmul.f32 v30, v29  }
0x2dc: {  	v49 =	vld [tilespmem:$0x3830]  }
0x2dd: {  	[tilespmem:$0x3CA0] =	vst v30  }
0x2de: {  	v30 =	vld [tilespmem:s0+$0x2830];
	_ =	sdelay $0x1  }
0x2df: {  	v50 =	vld [tilespmem:$0x38B0]  }
0x2e0: {  	v31 =	vmul.f32 v49, v13  }
0x2e1: {  	v51 =	vld [tilespmem:s8+$0x2830]  }
0x2e2: {  	v31 =	vadd.f32 $0.0e+00, v31;
	v30 =	vmul.f32 v30, v15  }
0x2e3: {  	v52 =	vld [tilespmem:$0x3930]  }
0x2e4: {  	v53 =	vmul.f32 v50, v14;
	v30 =	vadd.f32 v30, v31  }
0x2e5: {  	v54 =	vld [tilespmem:s12+$0x2830]  }
0x2e6: {  	v55 =	vmul.f32 v51, v16;
	v30 =	vadd.f32 v53, v30  }
0x2e7: {  	v56 =	vld [tilespmem:$0x39B0]  }
0x2e8: {  	v57 =	vmul.f32 v52, v17;
	v30 =	vadd.f32 v55, v30  }
0x2e9: {  	v58 =	vld [tilespmem:s13+$0x2830]  }
0x2ea: {  	v59 =	vmul.f32 v54, v18;
	v30 =	vadd.f32 v57, v30  }
0x2eb: {  	v60 =	vld [tilespmem:$0x3A30]  }
0x2ec: {  	v61 =	vmul.f32 v56, v19;
	v30 =	vadd.f32 v59, v30  }
0x2ed: {  	v62 =	vld [tilespmem:s14+$0x2830]  }
0x2ee: {  	v63 =	vmul.f32 v58, v20;
	v30 =	vadd.f32 v61, v30  }
0x2ef: {  	v36 =	vld [tilespmem:$0x3AB0]  }
0x2f0: {  	v37 =	vmul.f32 v60, v21;
	v30 =	vadd.f32 v63, v30  }
0x2f1: {  	v38 =	vld [tilespmem:s15+$0x2830]  }
0x2f2: {  	v39 =	vmul.f32 v62, v22;
	v30 =	vadd.f32 v37, v30  }
0x2f3: {  	v40 =	vld [tilespmem:$0x3B30]  }
0x2f4: {  	v41 =	vmul.f32 v36, v23;
	v30 =	vadd.f32 v39, v30  }
0x2f5: {  	v42 =	vld [tilespmem:s16+$0x2830]  }
0x2f6: {  	v43 =	vmul.f32 v38, v24;
	v30 =	vadd.f32 v41, v30  }
0x2f7: {  	v44 =	vld [tilespmem:$0x3BB0]  }
0x2f8: {  	v45 =	vmul.f32 v40, v25;
	v30 =	vadd.f32 v43, v30  }
0x2f9: {  	v46 =	vld [tilespmem:s17+$0x2830]  }
0x2fa: {  	v47 =	vmul.f32 v42, v26;
	v30 =	vadd.f32 v45, v30;
	_ =	sdelay $0x1  }
0x2fb: {  	v48 =	vmul.f32 v44, v27;
	v30 =	vadd.f32 v47, v30;
	_ =	sdelay $0x1  }
0x2fc: {  	v49 =	vmul.f32 v46, v28;
	v30 =	vadd.f32 v48, v30;
	_ =	sdelay $0x1  }
0x2fd: {  	v30 =	vadd.f32 v49, v30;
	_ =	sdelay $0x1  }
0x2fe: {  	v30 =	vmul.f32 v30, v29  }
0x2ff: {  	v50 =	vld [tilespmem:$0x3840]  }
0x300: {  	[tilespmem:$0x3CB0] =	vst v30  }
0x301: {  	v30 =	vld [tilespmem:s0+$0x2840];
	_ =	sdelay $0x1  }
0x302: {  	v51 =	vld [tilespmem:$0x38C0]  }
0x303: {  	v31 =	vmul.f32 v50, v13  }
0x304: {  	v52 =	vld [tilespmem:s8+$0x2840]  }
0x305: {  	v31 =	vadd.f32 $0.0e+00, v31;
	v30 =	vmul.f32 v30, v15  }
0x306: {  	v53 =	vld [tilespmem:$0x3940]  }
0x307: {  	v54 =	vmul.f32 v51, v14;
	v30 =	vadd.f32 v30, v31  }
0x308: {  	v55 =	vld [tilespmem:s12+$0x2840]  }
0x309: {  	v56 =	vmul.f32 v52, v16;
	v30 =	vadd.f32 v54, v30  }
0x30a: {  	v57 =	vld [tilespmem:$0x39C0]  }
0x30b: {  	v58 =	vmul.f32 v53, v17;
	v30 =	vadd.f32 v56, v30  }
0x30c: {  	v59 =	vld [tilespmem:s13+$0x2840]  }
0x30d: {  	v60 =	vmul.f32 v55, v18;
	v30 =	vadd.f32 v58, v30  }
0x30e: {  	v61 =	vld [tilespmem:$0x3A40]  }
0x30f: {  	v62 =	vmul.f32 v57, v19;
	v30 =	vadd.f32 v60, v30  }
0x310: {  	v63 =	vld [tilespmem:s14+$0x2840]  }
0x311: {  	v36 =	vmul.f32 v59, v20;
	v30 =	vadd.f32 v62, v30  }
0x312: {  	v37 =	vld [tilespmem:$0x3AC0]  }
0x313: {  	v38 =	vmul.f32 v61, v21;
	v30 =	vadd.f32 v36, v30  }
0x314: {  	v39 =	vld [tilespmem:s15+$0x2840]  }
0x315: {  	v40 =	vmul.f32 v63, v22;
	v30 =	vadd.f32 v38, v30  }
0x316: {  	v41 =	vld [tilespmem:$0x3B40]  }
0x317: {  	v42 =	vmul.f32 v37, v23;
	v30 =	vadd.f32 v40, v30  }
0x318: {  	v43 =	vld [tilespmem:s16+$0x2840]  }
0x319: {  	v44 =	vmul.f32 v39, v24;
	v30 =	vadd.f32 v42, v30  }
0x31a: {  	v45 =	vld [tilespmem:$0x3BC0]  }
0x31b: {  	v46 =	vmul.f32 v41, v25;
	v30 =	vadd.f32 v44, v30  }
0x31c: {  	v47 =	vld [tilespmem:s17+$0x2840]  }
0x31d: {  	v48 =	vmul.f32 v43, v26;
	v30 =	vadd.f32 v46, v30;
	_ =	sdelay $0x1  }
0x31e: {  	v49 =	vmul.f32 v45, v27;
	v30 =	vadd.f32 v48, v30;
	_ =	sdelay $0x1  }
0x31f: {  	v50 =	vmul.f32 v47, v28;
	v30 =	vadd.f32 v49, v30;
	_ =	sdelay $0x1  }
0x320: {  	v30 =	vadd.f32 v50, v30;
	_ =	sdelay $0x1  }
0x321: {  	v30 =	vmul.f32 v30, v29  }
0x322: {  	v51 =	vld [tilespmem:$0x3850]  }
0x323: {  	[tilespmem:$0x3CC0] =	vst v30  }
0x324: {  	v30 =	vld [tilespmem:s0+$0x2850];
	_ =	sdelay $0x1  }
0x325: {  	v52 =	vld [tilespmem:$0x38D0]  }
0x326: {  	v31 =	vmul.f32 v51, v13  }
0x327: {  	v53 =	vld [tilespmem:s8+$0x2850]  }
0x328: {  	v31 =	vadd.f32 $0.0e+00, v31;
	v30 =	vmul.f32 v30, v15  }
0x329: {  	v54 =	vld [tilespmem:$0x3950]  }
0x32a: {  	v55 =	vmul.f32 v52, v14;
	v30 =	vadd.f32 v30, v31  }
0x32b: {  	v56 =	vld [tilespmem:s12+$0x2850]  }
0x32c: {  	v57 =	vmul.f32 v53, v16;
	v30 =	vadd.f32 v55, v30  }
0x32d: {  	v58 =	vld [tilespmem:$0x39D0]  }
0x32e: {  	v59 =	vmul.f32 v54, v17;
	v30 =	vadd.f32 v57, v30  }
0x32f: {  	v60 =	vld [tilespmem:s13+$0x2850]  }
0x330: {  	v61 =	vmul.f32 v56, v18;
	v30 =	vadd.f32 v59, v30  }
0x331: {  	v62 =	vld [tilespmem:$0x3A50]  }
0x332: {  	v63 =	vmul.f32 v58, v19;
	v30 =	vadd.f32 v61, v30  }
0x333: {  	v36 =	vld [tilespmem:s14+$0x2850]  }
0x334: {  	v37 =	vmul.f32 v60, v20;
	v30 =	vadd.f32 v63, v30  }
0x335: {  	v38 =	vld [tilespmem:$0x3AD0]  }
0x336: {  	v39 =	vmul.f32 v62, v21;
	v30 =	vadd.f32 v37, v30  }
0x337: {  	v40 =	vld [tilespmem:s15+$0x2850]  }
0x338: {  	v41 =	vmul.f32 v36, v22;
	v30 =	vadd.f32 v39, v30  }
0x339: {  	v42 =	vld [tilespmem:$0x3B50]  }
0x33a: {  	v43 =	vmul.f32 v38, v23;
	v30 =	vadd.f32 v41, v30  }
0x33b: {  	v44 =	vld [tilespmem:s16+$0x2850]  }
0x33c: {  	v45 =	vmul.f32 v40, v24;
	v30 =	vadd.f32 v43, v30  }
0x33d: {  	v46 =	vld [tilespmem:$0x3BD0]  }
0x33e: {  	v47 =	vmul.f32 v42, v25;
	v30 =	vadd.f32 v45, v30  }
0x33f: {  	v48 =	vld [tilespmem:s17+$0x2850]  }
0x340: {  	v49 =	vmul.f32 v44, v26;
	v30 =	vadd.f32 v47, v30;
	_ =	sdelay $0x1  }
0x341: {  	v50 =	vmul.f32 v46, v27;
	v30 =	vadd.f32 v49, v30;
	_ =	sdelay $0x1  }
0x342: {  	v51 =	vmul.f32 v48, v28;
	v30 =	vadd.f32 v50, v30;
	_ =	sdelay $0x1  }
0x343: {  	v30 =	vadd.f32 v51, v30;
	_ =	sdelay $0x1  }
0x344: {  	v30 =	vmul.f32 v30, v29  }
0x345: {  	v52 =	vld [tilespmem:$0x3860]  }
0x346: {  	[tilespmem:$0x3CD0] =	vst v30  }
0x347: {  	v30 =	vld [tilespmem:s0+$0x2860];
	_ =	sdelay $0x1  }
0x348: {  	v53 =	vld [tilespmem:$0x38E0]  }
0x349: {  	v31 =	vmul.f32 v52, v13  }
0x34a: {  	v54 =	vld [tilespmem:s8+$0x2860]  }
0x34b: {  	v31 =	vadd.f32 $0.0e+00, v31;
	v30 =	vmul.f32 v30, v15  }
0x34c: {  	v55 =	vld [tilespmem:$0x3960]  }
0x34d: {  	v56 =	vmul.f32 v53, v14;
	v30 =	vadd.f32 v30, v31  }
0x34e: {  	v57 =	vld [tilespmem:s12+$0x2860]  }
0x34f: {  	v58 =	vmul.f32 v54, v16;
	v30 =	vadd.f32 v56, v30  }
0x350: {  	v59 =	vld [tilespmem:$0x39E0]  }
0x351: {  	v60 =	vmul.f32 v55, v17;
	v30 =	vadd.f32 v58, v30  }
0x352: {  	v61 =	vld [tilespmem:s13+$0x2860]  }
0x353: {  	v62 =	vmul.f32 v57, v18;
	v30 =	vadd.f32 v60, v30  }
0x354: {  	v63 =	vld [tilespmem:$0x3A60]  }
0x355: {  	v36 =	vmul.f32 v59, v19;
	v30 =	vadd.f32 v62, v30  }
0x356: {  	v37 =	vld [tilespmem:s14+$0x2860]  }
0x357: {  	v38 =	vmul.f32 v61, v20;
	v30 =	vadd.f32 v36, v30  }
0x358: {  	v39 =	vld [tilespmem:$0x3AE0]  }
0x359: {  	v40 =	vmul.f32 v63, v21;
	v30 =	vadd.f32 v38, v30  }
0x35a: {  	v41 =	vld [tilespmem:s15+$0x2860]  }
0x35b: {  	v42 =	vmul.f32 v37, v22;
	v30 =	vadd.f32 v40, v30  }
0x35c: {  	v43 =	vld [tilespmem:$0x3B60]  }
0x35d: {  	v44 =	vmul.f32 v39, v23;
	v30 =	vadd.f32 v42, v30  }
0x35e: {  	v45 =	vld [tilespmem:s16+$0x2860]  }
0x35f: {  	v46 =	vmul.f32 v41, v24;
	v30 =	vadd.f32 v44, v30  }
0x360: {  	v47 =	vld [tilespmem:$0x3BE0]  }
0x361: {  	v48 =	vmul.f32 v43, v25;
	v30 =	vadd.f32 v46, v30  }
0x362: {  	v49 =	vld [tilespmem:s17+$0x2860]  }
0x363: {  	v50 =	vmul.f32 v45, v26;
	v30 =	vadd.f32 v48, v30;
	_ =	sdelay $0x1  }
0x364: {  	v51 =	vmul.f32 v47, v27;
	v30 =	vadd.f32 v50, v30;
	_ =	sdelay $0x1  }
0x365: {  	v52 =	vmul.f32 v49, v28;
	v30 =	vadd.f32 v51, v30;
	_ =	sdelay $0x1  }
0x366: {  	v30 =	vadd.f32 v52, v30;
	_ =	sdelay $0x1  }
0x367: {  	v30 =	vmul.f32 v30, v29  }
0x368: {  	v53 =	vld [tilespmem:$0x3870]  }
0x369: {  	[tilespmem:$0x3CE0] =	vst v30  }
0x36a: {  	v30 =	vld [tilespmem:s0+$0x2870];
	_ =	sdelay $0x1  }
0x36b: {  	v54 =	vld [tilespmem:$0x38F0]  }
0x36c: {  	v13 =	vmul.f32 v53, v13  }
0x36d: {  	v55 =	vld [tilespmem:s8+$0x2870]  }
0x36e: {  	v13 =	vadd.f32 $0.0e+00, v13;
	v15 =	vmul.f32 v30, v15  }
0x36f: {  	v56 =	vld [tilespmem:$0x3970]  }
0x370: {  	v14 =	vmul.f32 v54, v14;
	v13 =	vadd.f32 v15, v13  }
0x371: {  	v15 =	vld [tilespmem:s12+$0x2870]  }
0x372: {  	v13 =	vadd.f32 v14, v13;
	v14 =	vmul.f32 v55, v16  }
0x373: {  	v57 =	vld [tilespmem:$0x39F0]  }
0x374: {  	v13 =	vadd.f32 v14, v13;
	v14 =	vmul.f32 v56, v17  }
0x375: {  	v58 =	vld [tilespmem:s13+$0x2870]  }
0x376: {  	v13 =	vadd.f32 v14, v13;
	v14 =	vmul.f32 v15, v18  }
0x377: {  	v15 =	vld [tilespmem:$0x3A70]  }
0x378: {  	v13 =	vadd.f32 v14, v13;
	v14 =	vmul.f32 v57, v19  }
0x379: {  	v59 =	vld [tilespmem:s14+$0x2870]  }
0x37a: {  	v13 =	vadd.f32 v14, v13;
	v14 =	vmul.f32 v58, v20  }
0x37b: {  	v60 =	vld [tilespmem:$0x3AF0]  }
0x37c: {  	v13 =	vadd.f32 v14, v13;
	v14 =	vmul.f32 v15, v21  }
0x37d: {  	v15 =	vld [tilespmem:s15+$0x2870]  }
0x37e: {  	v13 =	vadd.f32 v14, v13;
	v14 =	vmul.f32 v59, v22  }
0x37f: {  	v61 =	vld [tilespmem:$0x3B70]  }
0x380: {  	v13 =	vadd.f32 v14, v13;
	v14 =	vmul.f32 v60, v23  }
0x381: {  	v62 =	vld [tilespmem:s16+$0x2870]  }
0x382: {  	v13 =	vadd.f32 v14, v13;
	v14 =	vmul.f32 v15, v24  }
0x383: {  	v15 =	vld [tilespmem:$0x3BF0]  }
0x384: {  	v13 =	vadd.f32 v14, v13;
	v14 =	vmul.f32 v61, v25  }
0x385: {  	v63 =	vld [tilespmem:s17+$0x2870]  }
0x386: {  	v13 =	vadd.f32 v14, v13;
	v14 =	vmul.f32 v62, v26;
	_ =	sdelay $0x1  }
0x387: {  	v13 =	vadd.f32 v14, v13;
	v14 =	vmul.f32 v15, v27;
	_ =	sdelay $0x1  }
0x388: {  	v13 =	vadd.f32 v14, v13;
	v14 =	vmul.f32 v63, v28;
	_ =	sdelay $0x1  }
0x389: {  	v13 =	vadd.f32 v14, v13;
	_ =	sdelay $0x1  }
0x38a: {  	s1 =	sadd.s32 $0x1, s1;
	v13 =	vmul.f32 v13, v29  }
0x38b: {  	p0 =	sne.s32 s1, s7  }
.Ltmp1:
0x38c: {  	[tilespmem:$0x3CF0] =	vst v13;
	(pc) =	sbr.rel @p0 .LBB2_1-.Ltmp1, $4  }
0x38d: {  	[hbm4b:s6+s9] =	stream.strided.scatter [tilespmem:s31], [sflag:$0x3], $0x100, s10, s9, $0x38;
	[tilespmem:$0x3D00] =	vst v63  }
0x38e: {  	_ =	swait.ge [sflag:s11], $0x100  }
0x38f: {  	[sflag:s11] =	ssyncset.done $0x0  }
0x390: {  	[sflag:s11] =	ssyncadd.s32 $0xFFFFFF00  }
0x391: {  	_ =	sfence.sel $0x180000  }
0x392: {  	[bflag:$0x0] =	sbarrier.arrive $0xFFFF  }
0x393: {  	_ =	strace $0x90000047  }
0x394: {  	s0 =	stileid.u32;
	[bflag:$0x2] =	sbarrier.arrive $0xFFFF  }
0x395: {  	p0 =	sne.s32 s0, $0x0;
	s0 =	rddreg [dreg:$0x3]  }
0x396: {  	s0 =	sadd.s32 @!p0 $0x100000, s0  }
0x397: {  	[sflag:s0] =	ssyncadd.tile.s32 @!p0 $0x1;
	_ =	shalt  }
.Lfunc_end2:
_tile_overlayer_lowered:
.L_overlay_start_2:
0x398: {  	(tag) =	ssettag $0x2  }
0x399: {  	s0 =	rddreg [dreg:$0x0];
	s2 =	stileid.u32  }
0x39a: {  	s1 =	rddreg [dreg:$0x1];
	p0 =	sne.s32 s2, $0x0  }
0x39b: {  	s3 =	rddreg [dreg:$0x2];
	[bflag:$0x3] =	sbarrier.arrive $0xFFFF;
	s2 =	simm.s32 @!p0 $0x1C03  }
0x39c: {  	[timem:s3], [sflag:s2] =	dma.local @!p0 [hbm:s0], s1  }
0x39d: {  	s0 =	simm.s32 @!p0 $0x3  }
0x39e: {  	_ =	swait.ge @!p0 [sflag:s0], s1  }
0x39f: {  	s1 =	ssub.s32 @!p0 $0x0, s1;
	[sflag:s0] =	ssyncset.done @!p0 $0x0  }
0x3a0: {  	[sflag:s0] =	ssyncadd.s32 @!p0 s1  }
0x3a1: {  	[bflag:$0x3] =	sbarrier.arrive $0xFFFF  }
0x3a2: {  	_ =	shalt  }

</sc_bundles>
